<compile_context>
chip_gen: v7x
topology: tpu7x:2x2x1
jax: 0.10.2.dev20260603
libtpu: 0.0.44.dev20260713+nightly
codegen_flags: <defaults>
</compile_context>

<pallas_src>
import functools

import jax
import jax.numpy as jnp
from jax import lax
from jax.experimental import pallas as pl
from jax.experimental.pallas import tpu as pltpu
from jax.experimental.pallas import tpu_sc as plsc

N_NODES = 10000
N_EDGES = 320000
IN_DIM = 128
HIDDEN_DIM = 256
LATENT_DIM = 64
EPS = 1e-08

NC = 2
NS = 16
NW = NC * NS
CHUNK = 80
PER_W = N_EDGES // NW
PER_W_PAD = PER_W
N_CHUNKS = PER_W_PAD // CHUNK
DGROUP = 5
NPAD = 10240
ROWS_PER_TILE = NPAD // NS
ZROWS = 128
DEG_W = 128

_MESH = dict(core_axis_name="c", subcore_axis_name="s", num_cores=NC,
             num_subcores=NS)



def _make_deg_kernel():
  mesh = plsc.VectorSubcoreMesh(**_MESH)

  @functools.partial(
      pl.kernel, mesh=mesh,
      out_type=jax.ShapeDtypeStruct((NC, NPAD, DEG_W), jnp.float32),
      scratch_types=[
          pltpu.VMEM((N_CHUNKS, 2, CHUNK), jnp.int32),
          pltpu.VMEM((CHUNK, DEG_W), jnp.float32),
          pltpu.VMEM_SHARED((NPAD, DEG_W), jnp.float32),
          pltpu.SemaphoreType.DMA,
      ],
  )
  def deg_k(idx_hbm, ones_hbm, zeros_hbm, out_hbm, idx_v, ones_v, acc_sp, ssem):
    c = lax.axis_index("c")
    s = lax.axis_index("s")
    wid = s * NC + c
    pltpu.sync_copy(ones_hbm, ones_v)
    pltpu.sync_copy(idx_hbm.at[wid], idx_v)
    row0 = s * ROWS_PER_TILE
    for j in range(ROWS_PER_TILE // ZROWS):
      pltpu.sync_copy(zeros_hbm, acc_sp.at[pl.ds(row0 + j * ZROWS, ZROWS)])
    plsc.subcore_barrier()

    def group(g, carry):
      @pl.when(g > 0)
      def _():
        for _r in range(DGROUP):
          pltpu.make_async_copy(ones_hbm, ones_v, ssem).wait()
      for r in range(DGROUP):
        pltpu.async_copy(ones_v, acc_sp.at[idx_v.at[g * DGROUP + r, 1]], ssem,
                         add=True)
      return carry

    lax.fori_loop(0, N_CHUNKS // DGROUP, group, 0)
    for _r in range(DGROUP):
      pltpu.make_async_copy(ones_hbm, ones_v, ssem).wait()
    plsc.subcore_barrier()
    for j in range(ROWS_PER_TILE // ZROWS):
      r = row0 + j * ZROWS
      pltpu.sync_copy(acc_sp.at[pl.ds(r, ZROWS)], out_hbm.at[c, pl.ds(r, ZROWS)])

  return deg_k


def _make_agg_kernel(d):
  mesh = plsc.VectorSubcoreMesh(**_MESH)

  @functools.partial(
      pl.kernel, mesh=mesh,
      out_type=jax.ShapeDtypeStruct((NC, NPAD, d), jnp.float32),
      scratch_types=[
          pltpu.VMEM((8, 2, CHUNK), jnp.int32),
          pltpu.VMEM((4, CHUNK, d), jnp.float32),
          pltpu.VMEM_SHARED((NPAD, d), jnp.float32),
          pltpu.SemaphoreType.DMA,
          pltpu.SemaphoreType.DMA,
          pltpu.SemaphoreType.DMA,
          pltpu.SemaphoreType.DMA,
          pltpu.SemaphoreType.DMA,
          pltpu.SemaphoreType.DMA,
      ],
  )
  def agg_k(feat_hbm, idx_hbm, zeros_hbm, out_hbm,
            idx_v, rows_v, acc_sp, gsem0, gsem1, ssem0, ssem1, isem0, isem1):
    c = lax.axis_index("c")
    s = lax.axis_index("s")
    wid = s * NC + c
    row0 = s * ROWS_PER_TILE
    for j in range(ROWS_PER_TILE // ZROWS):
      pltpu.sync_copy(zeros_hbm, acc_sp.at[pl.ds(row0 + j * ZROWS, ZROWS)])
    plsc.subcore_barrier()

    def even_odd(p, fns):
      @pl.when(p == 0)
      def _():
        fns[0]()
      @pl.when(p == 1)
      def _():
        fns[1]()

    pltpu.async_copy(idx_hbm.at[wid, 0], idx_v.at[0], isem0)
    pltpu.async_copy(idx_hbm.at[wid, 1], idx_v.at[1], isem1)
    pltpu.make_async_copy(idx_hbm.at[wid, 0], idx_v.at[0], isem0).wait()
    pltpu.async_copy(feat_hbm.at[idx_v.at[0, 0]], rows_v.at[0], gsem0)
    pltpu.make_async_copy(idx_hbm.at[wid, 0], idx_v.at[1], isem1).wait()
    pltpu.async_copy(feat_hbm.at[idx_v.at[1, 0]], rows_v.at[1], gsem1)
    pltpu.async_copy(idx_hbm.at[wid, 2], idx_v.at[2], isem0)

    def step(i, carry):
      p = lax.rem(i, 2)
      b = lax.rem(i, 4)
      q = lax.rem(i, 8)
      even_odd(p, (
          lambda: pltpu.make_async_copy(feat_hbm.at[pl.ds(0, CHUNK)],
                                        rows_v.at[b], gsem0).wait(),
          lambda: pltpu.make_async_copy(feat_hbm.at[pl.ds(0, CHUNK)],
                                        rows_v.at[b], gsem1).wait()))
      @pl.when(i >= 2)
      def _():
        even_odd(p, (
            lambda: pltpu.make_async_copy(feat_hbm.at[pl.ds(0, CHUNK)],
                                          rows_v.at[b], ssem0).wait(),
            lambda: pltpu.make_async_copy(feat_hbm.at[pl.ds(0, CHUNK)],
                                          rows_v.at[b], ssem1).wait()))
      even_odd(p, (
          lambda: pltpu.async_copy(rows_v.at[b], acc_sp.at[idx_v.at[q, 1]],
                                   ssem0, add=True),
          lambda: pltpu.async_copy(rows_v.at[b], acc_sp.at[idx_v.at[q, 1]],
                                   ssem1, add=True)))
      @pl.when(i + 2 < N_CHUNKS)
      def _():
        q2 = lax.rem(i + 2, 8)
        b2 = lax.rem(i + 2, 4)
        even_odd(p, (
            lambda: pltpu.make_async_copy(idx_hbm.at[wid, 0], idx_v.at[q2],
                                          isem0).wait(),
            lambda: pltpu.make_async_copy(idx_hbm.at[wid, 0], idx_v.at[q2],
                                          isem1).wait()))
        even_odd(p, (
            lambda: pltpu.async_copy(feat_hbm.at[idx_v.at[q2, 0]],
                                     rows_v.at[b2], gsem0),
            lambda: pltpu.async_copy(feat_hbm.at[idx_v.at[q2, 0]],
                                     rows_v.at[b2], gsem1)))
      @pl.when(i + 3 < N_CHUNKS)
      def _():
        q3 = lax.rem(i + 3, 8)
        even_odd(p, (
            lambda: pltpu.async_copy(idx_hbm.at[wid, i + 3], idx_v.at[q3],
                                     isem1),
            lambda: pltpu.async_copy(idx_hbm.at[wid, i + 3], idx_v.at[q3],
                                     isem0)))
      return carry

    lax.fori_loop(0, N_CHUNKS, step, 0)
    pltpu.make_async_copy(feat_hbm.at[pl.ds(0, CHUNK)], rows_v.at[0],
                          ssem1).wait()
    pltpu.make_async_copy(feat_hbm.at[pl.ds(0, CHUNK)], rows_v.at[0],
                          ssem0).wait()
    plsc.subcore_barrier()
    for j in range(ROWS_PER_TILE // ZROWS):
      r = row0 + j * ZROWS
      pltpu.sync_copy(acc_sp.at[pl.ds(r, ZROWS)], out_hbm.at[c, pl.ds(r, ZROWS)])

  return agg_k


_deg_kernel = _make_deg_kernel()
_agg128 = _make_agg_kernel(IN_DIM)



_R = 1000


def _scale_body(x_ref, degp_ref, xs_ref, dinv_ref):
  deg = degp_ref[0, :, 0:1] + degp_ref[1, :, 0:1] + 1.0
  dinv = lax.rsqrt(deg)
  dinv_ref[...] = dinv
  xs_ref[...] = x_ref[...] * dinv


def _tc_scale(x, degp):
  grid = (N_NODES // _R,)
  return pl.pallas_call(
      _scale_body,
      grid=grid,
      in_specs=[
          pl.BlockSpec((_R, IN_DIM), lambda i: (i, 0)),
          pl.BlockSpec((NC, _R, DEG_W), lambda i: (0, i, 0)),
      ],
      out_specs=[
          pl.BlockSpec((_R, IN_DIM), lambda i: (i, 0)),
          pl.BlockSpec((_R, 1), lambda i: (i, 0)),
      ],
      out_shape=[
          jax.ShapeDtypeStruct((N_NODES, IN_DIM), jnp.float32),
          jax.ShapeDtypeStruct((N_NODES, 1), jnp.float32),
      ],
  )(x, degp)


def _mid_body(aggp_ref, xs_ref, dinv_ref, w1_ref, b1_ref, w2_ref, zs_ref):
  dinv = dinv_ref[...]
  y = (aggp_ref[0] + aggp_ref[1] + xs_ref[...]) * dinv
  h = jnp.dot(y, w1_ref[...], precision=lax.Precision.HIGHEST,
              preferred_element_type=jnp.float32) + b1_ref[...]
  h = jnp.maximum(h, 0.0)
  z = jnp.dot(h, w2_ref[...], precision=lax.Precision.HIGHEST,
              preferred_element_type=jnp.float32)
  zs_ref[...] = jnp.concatenate([z * dinv, jnp.zeros_like(z)], axis=1)


def _tc_mid(aggp, xs, dinv, W1, b1, W2):
  grid = (N_NODES // _R,)
  return pl.pallas_call(
      _mid_body,
      grid=grid,
      in_specs=[
          pl.BlockSpec((NC, _R, IN_DIM), lambda i: (0, i, 0)),
          pl.BlockSpec((_R, IN_DIM), lambda i: (i, 0)),
          pl.BlockSpec((_R, 1), lambda i: (i, 0)),
          pl.BlockSpec((IN_DIM, HIDDEN_DIM), lambda i: (0, 0)),
          pl.BlockSpec((1, HIDDEN_DIM), lambda i: (0, 0)),
          pl.BlockSpec((HIDDEN_DIM, LATENT_DIM), lambda i: (0, 0)),
      ],
      out_specs=pl.BlockSpec((_R, 2 * LATENT_DIM), lambda i: (i, 0)),
      out_shape=jax.ShapeDtypeStruct((N_NODES, 2 * LATENT_DIM), jnp.float32),
  )(aggp, xs, dinv, W1, b1, W2)


def _final_body(aggp_ref, zs_ref, dinv_ref, b2_ref, out_ref):
  q = aggp_ref[0] + aggp_ref[1] + zs_ref[...]
  y = q[:, :LATENT_DIM] * dinv_ref[...] + b2_ref[...]
  nrm = jnp.sqrt(jnp.sum(y * y, axis=-1, keepdims=True)) + EPS
  out_ref[...] = y / nrm


def _tc_final(aggp, zs, dinv, b2):
  grid = (N_NODES // _R,)
  return pl.pallas_call(
      _final_body,
      grid=grid,
      in_specs=[
          pl.BlockSpec((NC, _R, 2 * LATENT_DIM), lambda i: (0, i, 0)),
          pl.BlockSpec((_R, 2 * LATENT_DIM), lambda i: (i, 0)),
          pl.BlockSpec((_R, 1), lambda i: (i, 0)),
          pl.BlockSpec((1, LATENT_DIM), lambda i: (0, 0)),
      ],
      out_specs=pl.BlockSpec((_R, LATENT_DIM), lambda i: (i, 0)),
      out_shape=jax.ShapeDtypeStruct((N_NODES, LATENT_DIM), jnp.float32),
  )(aggp, zs, dinv, b2)



def kernel(x, edge_index, W1, b1, W2, b2):
  src = edge_index[0].astype(jnp.int32)
  dst = edge_index[1].astype(jnp.int32)
  idx = jnp.stack([src.reshape(NW, N_CHUNKS, CHUNK),
                   dst.reshape(NW, N_CHUNKS, CHUNK)], axis=2)
  onesw = jnp.ones((CHUNK, DEG_W), jnp.float32)
  zeros128 = jnp.zeros((ZROWS, IN_DIM), jnp.float32)

  degp = _deg_kernel(idx, onesw, zeros128)
  xs, dinv = _tc_scale(x, degp)
  aggp1 = _agg128(xs, idx, zeros128)
  zs = _tc_mid(aggp1, xs, dinv, W1, b1.reshape(1, -1), W2)
  aggp2 = _agg128(zs, idx, zeros128)
  return _tc_final(aggp2, zs, dinv, b2.reshape(1, -1))

# --- scband reference (transcript-rebuilt; emitter-appended) ---
"""Pipeline reference for scband-hyperspherical-graph-encoder-55138790146370 (READ-ONLY COPY).

The authoritative reference and input builder live on the scoring server;
editing this copy changes nothing except your own understanding.
"""

import jax, jax.numpy as jnp
import numpy as np

N_NODES = 10000
N_EDGES = 320000
IN_DIM = 128
HIDDEN_DIM = 256
LATENT_DIM = 64
EPS = 1e-08


def _gcn_conv(x, src, dst, W, b, n_nodes):
    # Linear transform
    h = x @ W
    # Symmetric normalization (GCNConv with self-loops already appended)
    deg = jnp.zeros((n_nodes,), dtype=x.dtype).at[dst].add(1.0)
    dinv = jnp.where(deg > 0, deg ** -0.5, 0.0)
    norm = dinv[src] * dinv[dst]
    # Gather messages from src, scale, scatter-add to dst
    msg = h[src] * norm[:, None]
    out = jnp.zeros((n_nodes, h.shape[1]), dtype=x.dtype).at[dst].add(msg)
    return out + b


def setup_inputs(seed: int = 0) -> dict:
    key = jax.random.key(seed)
    k1, k2, k3, k4 = jax.random.split(key, 4)
    x = jax.random.normal(k1, (N_NODES, IN_DIM), dtype=jnp.float32)
    edge_index = jax.random.randint(k2, (2, N_EDGES), 0, N_NODES, dtype=jnp.int64)
    W1 = jax.random.normal(k3, (IN_DIM, HIDDEN_DIM), dtype=jnp.float32) * (1.0 / np.sqrt(IN_DIM))
    b1 = jnp.zeros((HIDDEN_DIM,), dtype=jnp.float32)
    W2 = jax.random.normal(k4, (HIDDEN_DIM, LATENT_DIM), dtype=jnp.float32) * (1.0 / np.sqrt(HIDDEN_DIM))
    b2 = jnp.zeros((LATENT_DIM,), dtype=jnp.float32)
    return {"x": x, "edge_index": edge_index, "W1": W1, "b1": b1, "W2": W2, "b2": b2}


def reference(x, edge_index, W1, b1, W2, b2):
    n_nodes = x.shape[0]
    # Add self-loops (as torch_geometric GCNConv does by default)
    loop = jnp.arange(n_nodes, dtype=edge_index.dtype)
    src = jnp.concatenate([edge_index[0], loop])
    dst = jnp.concatenate([edge_index[1], loop])
    h = _gcn_conv(x, src, dst, W1, b1, n_nodes)
    h = jax.nn.relu(h)
    # dropout is identity in eval mode (training=False)
    h = _gcn_conv(h, src, dst, W2, b2, n_nodes)
    # project_to_sphere
    nrm = jnp.linalg.norm(h, axis=-1, keepdims=True) + EPS
    mu = h / nrm
    return mu

if __name__ == "__main__":
    import jax
    _d = setup_inputs()
    print(jax.jit(kernel)(*tuple(_d.values())))

</pallas_src>

<mosaic_0001>
#map = affine_map<(d0, d1) -> (0, 0, 0, 0)>
#map1 = affine_map<(d0, d1) -> (0, 0)>
#map2 = affine_map<(d0, d1) -> (0, 0, 0)>
module attributes {stable_mosaic.version = 14 : i64} {
  func.func @deg_k(%arg0: i32, %arg1: i32, %arg2: memref<32x125x2x80xi32, #tpu.memory_space<hbm>>, %arg3: memref<80x128xf32, #tpu.memory_space<hbm>>, %arg4: memref<128x128xf32, #tpu.memory_space<hbm>>, %arg5: memref<2x10240x128xf32, #tpu.memory_space<hbm>>, %arg6: memref<125x2x80xi32, #tpu.memory_space<vmem>>, %arg7: memref<80x128xf32, #tpu.memory_space<vmem>>, %arg8: memref<10240x128xf32, #tpu.memory_space<vmem_shared>>, %arg9: memref<!tpu.dma_semaphore, #tpu.memory_space<semaphore_mem>>) attributes {dimension_semantics = [#tpu.dimension_semantics<core_parallel>, #tpu.dimension_semantics<subcore_parallel>], iteration_bounds = array<i64: 2, 16>, scalar_prefetch = 0 : i64, scratch_operands = 4 : i64, tpu.core_type = #tpu.core_type<sc_vector_subcore>, window_params = [{transform_indices = #map}, {transform_indices = #map1}, {transform_indices = #map1}, {transform_indices = #map2}]} {
    %mul3A = arith.constant 2 : i32
    %mul3A_0 = arith.muli %arg1, %mul3A : i32
    %add3A = arith.addi %mul3A_0, %arg0 : i32
    "tpu.region"() ({
      %run_scoped3A = tpu.sem_alloc : memref<!tpu.dma_semaphore, #tpu.memory_space<semaphore_mem>>
      tpu.enqueue_dma source(%arg3 : memref<80x128xf32, #tpu.memory_space<hbm>>) target(%arg7 : memref<80x128xf32, #tpu.memory_space<vmem>>) target_semaphore(%run_scoped3A : memref<!tpu.dma_semaphore, #tpu.memory_space<semaphore_mem>>)
      tpu.wait_dma2 semaphore(%run_scoped3A : memref<!tpu.dma_semaphore, #tpu.memory_space<semaphore_mem>>) src(%arg3 : memref<80x128xf32, #tpu.memory_space<hbm>>) dst(%arg7 : memref<80x128xf32, #tpu.memory_space<vmem>>)
      tpu.yield
    }) : () -> ()
    "tpu.region"() ({
      %run_scoped3A = tpu.sem_alloc : memref<!tpu.dma_semaphore, #tpu.memory_space<semaphore_mem>>
      %dma_start3A = arith.constant 0 : i32
      %dma_start3A_29 = arith.constant 0 : i32
      %dma_start3A_30 = arith.constant 0 : i32
      %dma_start3A_31 = tpu.memref_slice %arg2[%add3A, %dma_start3A, %dma_start3A_29, %dma_start3A_30] : memref<32x125x2x80xi32, #tpu.memory_space<hbm>> -> memref<1x125x2x80xi32, #tpu.memory_space<hbm>>
      %dma_start3A_32 = tpu.memref_squeeze %dma_start3A_31 : memref<1x125x2x80xi32, #tpu.memory_space<hbm>> -> memref<125x2x80xi32, #tpu.memory_space<hbm>>
      %dma_start3A_33 = arith.constant 0 : i32
      %dma_start3A_34 = arith.constant 0 : i32
      %dma_start3A_35 = arith.constant 0 : i32
      %dma_start3A_36 = tpu.memref_slice %arg2[%add3A, %dma_start3A_33, %dma_start3A_34, %dma_start3A_35] : memref<32x125x2x80xi32, #tpu.memory_space<hbm>> -> memref<1x125x2x80xi32, #tpu.memory_space<hbm>>
      %dma_start3A_37 = tpu.memref_squeeze %dma_start3A_36 : memref<1x125x2x80xi32, #tpu.memory_space<hbm>> -> memref<125x2x80xi32, #tpu.memory_space<hbm>>
      tpu.enqueue_dma source(%dma_start3A_37 : memref<125x2x80xi32, #tpu.memory_space<hbm>>) target(%arg6 : memref<125x2x80xi32, #tpu.memory_space<vmem>>) target_semaphore(%run_scoped3A : memref<!tpu.dma_semaphore, #tpu.memory_space<semaphore_mem>>)
      %dma_wait3A = arith.constant 0 : i32
      %dma_wait3A_38 = arith.constant 0 : i32
      %dma_wait3A_39 = arith.constant 0 : i32
      %dma_wait3A_40 = tpu.memref_slice %arg2[%add3A, %dma_wait3A, %dma_wait3A_38, %dma_wait3A_39] : memref<32x125x2x80xi32, #tpu.memory_space<hbm>> -> memref<1x125x2x80xi32, #tpu.memory_space<hbm>>
      %dma_wait3A_41 = tpu.memref_squeeze %dma_wait3A_40 : memref<1x125x2x80xi32, #tpu.memory_space<hbm>> -> memref<125x2x80xi32, #tpu.memory_space<hbm>>
      %dma_wait3A_42 = arith.constant 0 : i32
      %dma_wait3A_43 = arith.constant 0 : i32
      %dma_wait3A_44 = arith.constant 0 : i32
      %dma_wait3A_45 = tpu.memref_slice %arg2[%add3A, %dma_wait3A_42, %dma_wait3A_43, %dma_wait3A_44] : memref<32x125x2x80xi32, #tpu.memory_space<hbm>> -> memref<1x125x2x80xi32, #tpu.memory_space<hbm>>
      %dma_wait3A_46 = tpu.memref_squeeze %dma_wait3A_45 : memref<1x125x2x80xi32, #tpu.memory_space<hbm>> -> memref<125x2x80xi32, #tpu.memory_space<hbm>>
      tpu.wait_dma2 semaphore(%run_scoped3A : memref<!tpu.dma_semaphore, #tpu.memory_space<semaphore_mem>>) src(%dma_wait3A_46 : memref<125x2x80xi32, #tpu.memory_space<hbm>>) dst(%arg6 : memref<125x2x80xi32, #tpu.memory_space<vmem>>)
      tpu.yield
    }) : () -> ()
    %mul3A_1 = arith.constant 640 : i32
    %mul3A_2 = arith.muli %arg1, %mul3A_1 : i32
    %add3A_3 = arith.constant 0 : i32
    %add3A_4 = arith.addi %mul3A_2, %add3A_3 : i32
    "tpu.region"() ({
      %run_scoped3A = tpu.sem_alloc : memref<!tpu.dma_semaphore, #tpu.memory_space<semaphore_mem>>
      %dma_start3A = arith.constant 0 : i32
      %dma_start3A_29 = tpu.memref_slice %arg8[%add3A_4, %dma_start3A] : memref<10240x128xf32, #tpu.memory_space<vmem_shared>> -> memref<128x128xf32, #tpu.memory_space<vmem_shared>>
      tpu.enqueue_dma source(%arg4 : memref<128x128xf32, #tpu.memory_space<hbm>>) target(%dma_start3A_29 : memref<128x128xf32, #tpu.memory_space<vmem_shared>>) target_semaphore(%run_scoped3A : memref<!tpu.dma_semaphore, #tpu.memory_space<semaphore_mem>>)
      %dma_wait3A = arith.constant 0 : i32
      %dma_wait3A_30 = tpu.memref_slice %arg8[%add3A_4, %dma_wait3A] : memref<10240x128xf32, #tpu.memory_space<vmem_shared>> -> memref<128x128xf32, #tpu.memory_space<vmem_shared>>
      tpu.wait_dma2 semaphore(%run_scoped3A : memref<!tpu.dma_semaphore, #tpu.memory_space<semaphore_mem>>) src(%arg4 : memref<128x128xf32, #tpu.memory_space<hbm>>) dst(%dma_wait3A_30 : memref<128x128xf32, #tpu.memory_space<vmem_shared>>)
      tpu.yield
    }) : () -> ()
    %add3A_5 = arith.constant 128 : i32
    %add3A_6 = arith.addi %mul3A_2, %add3A_5 : i32
    "tpu.region"() ({
      %run_scoped3A = tpu.sem_alloc : memref<!tpu.dma_semaphore, #tpu.memory_space<semaphore_mem>>
      %dma_start3A = arith.constant 0 : i32
      %dma_start3A_29 = tpu.memref_slice %arg8[%add3A_6, %dma_start3A] : memref<10240x128xf32, #tpu.memory_space<vmem_shared>> -> memref<128x128xf32, #tpu.memory_space<vmem_shared>>
      tpu.enqueue_dma source(%arg4 : memref<128x128xf32, #tpu.memory_space<hbm>>) target(%dma_start3A_29 : memref<128x128xf32, #tpu.memory_space<vmem_shared>>) target_semaphore(%run_scoped3A : memref<!tpu.dma_semaphore, #tpu.memory_space<semaphore_mem>>)
      %dma_wait3A = arith.constant 0 : i32
      %dma_wait3A_30 = tpu.memref_slice %arg8[%add3A_6, %dma_wait3A] : memref<10240x128xf32, #tpu.memory_space<vmem_shared>> -> memref<128x128xf32, #tpu.memory_space<vmem_shared>>
      tpu.wait_dma2 semaphore(%run_scoped3A : memref<!tpu.dma_semaphore, #tpu.memory_space<semaphore_mem>>) src(%arg4 : memref<128x128xf32, #tpu.memory_space<hbm>>) dst(%dma_wait3A_30 : memref<128x128xf32, #tpu.memory_space<vmem_shared>>)
      tpu.yield
    }) : () -> ()
    %add3A_7 = arith.constant 256 : i32
    %add3A_8 = arith.addi %mul3A_2, %add3A_7 : i32
    "tpu.region"() ({
      %run_scoped3A = tpu.sem_alloc : memref<!tpu.dma_semaphore, #tpu.memory_space<semaphore_mem>>
      %dma_start3A = arith.constant 0 : i32
      %dma_start3A_29 = tpu.memref_slice %arg8[%add3A_8, %dma_start3A] : memref<10240x128xf32, #tpu.memory_space<vmem_shared>> -> memref<128x128xf32, #tpu.memory_space<vmem_shared>>
      tpu.enqueue_dma source(%arg4 : memref<128x128xf32, #tpu.memory_space<hbm>>) target(%dma_start3A_29 : memref<128x128xf32, #tpu.memory_space<vmem_shared>>) target_semaphore(%run_scoped3A : memref<!tpu.dma_semaphore, #tpu.memory_space<semaphore_mem>>)
      %dma_wait3A = arith.constant 0 : i32
      %dma_wait3A_30 = tpu.memref_slice %arg8[%add3A_8, %dma_wait3A] : memref<10240x128xf32, #tpu.memory_space<vmem_shared>> -> memref<128x128xf32, #tpu.memory_space<vmem_shared>>
      tpu.wait_dma2 semaphore(%run_scoped3A : memref<!tpu.dma_semaphore, #tpu.memory_space<semaphore_mem>>) src(%arg4 : memref<128x128xf32, #tpu.memory_space<hbm>>) dst(%dma_wait3A_30 : memref<128x128xf32, #tpu.memory_space<vmem_shared>>)
      tpu.yield
    }) : () -> ()
    %add3A_9 = arith.constant 384 : i32
    %add3A_10 = arith.addi %mul3A_2, %add3A_9 : i32
    "tpu.region"() ({
      %run_scoped3A = tpu.sem_alloc : memref<!tpu.dma_semaphore, #tpu.memory_space<semaphore_mem>>
      %dma_start3A = arith.constant 0 : i32
      %dma_start3A_29 = tpu.memref_slice %arg8[%add3A_10, %dma_start3A] : memref<10240x128xf32, #tpu.memory_space<vmem_shared>> -> memref<128x128xf32, #tpu.memory_space<vmem_shared>>
      tpu.enqueue_dma source(%arg4 : memref<128x128xf32, #tpu.memory_space<hbm>>) target(%dma_start3A_29 : memref<128x128xf32, #tpu.memory_space<vmem_shared>>) target_semaphore(%run_scoped3A : memref<!tpu.dma_semaphore, #tpu.memory_space<semaphore_mem>>)
      %dma_wait3A = arith.constant 0 : i32
      %dma_wait3A_30 = tpu.memref_slice %arg8[%add3A_10, %dma_wait3A] : memref<10240x128xf32, #tpu.memory_space<vmem_shared>> -> memref<128x128xf32, #tpu.memory_space<vmem_shared>>
      tpu.wait_dma2 semaphore(%run_scoped3A : memref<!tpu.dma_semaphore, #tpu.memory_space<semaphore_mem>>) src(%arg4 : memref<128x128xf32, #tpu.memory_space<hbm>>) dst(%dma_wait3A_30 : memref<128x128xf32, #tpu.memory_space<vmem_shared>>)
      tpu.yield
    }) : () -> ()
    %add3A_11 = arith.constant 512 : i32
    %add3A_12 = arith.addi %mul3A_2, %add3A_11 : i32
    "tpu.region"() ({
      %run_scoped3A = tpu.sem_alloc : memref<!tpu.dma_semaphore, #tpu.memory_space<semaphore_mem>>
      %dma_start3A = arith.constant 0 : i32
      %dma_start3A_29 = tpu.memref_slice %arg8[%add3A_12, %dma_start3A] : memref<10240x128xf32, #tpu.memory_space<vmem_shared>> -> memref<128x128xf32, #tpu.memory_space<vmem_shared>>
      tpu.enqueue_dma source(%arg4 : memref<128x128xf32, #tpu.memory_space<hbm>>) target(%dma_start3A_29 : memref<128x128xf32, #tpu.memory_space<vmem_shared>>) target_semaphore(%run_scoped3A : memref<!tpu.dma_semaphore, #tpu.memory_space<semaphore_mem>>)
      %dma_wait3A = arith.constant 0 : i32
      %dma_wait3A_30 = tpu.memref_slice %arg8[%add3A_12, %dma_wait3A] : memref<10240x128xf32, #tpu.memory_space<vmem_shared>> -> memref<128x128xf32, #tpu.memory_space<vmem_shared>>
      tpu.wait_dma2 semaphore(%run_scoped3A : memref<!tpu.dma_semaphore, #tpu.memory_space<semaphore_mem>>) src(%arg4 : memref<128x128xf32, #tpu.memory_space<hbm>>) dst(%dma_wait3A_30 : memref<128x128xf32, #tpu.memory_space<vmem_shared>>)
      tpu.yield
    }) : () -> ()
    %barrier3A = arith.constant 0 : index
    tpu.barrier barrier_id(%barrier3A)
    %scan3A = arith.constant 0 : i32
    %scan3A_13 = arith.constant 0 : i32
    %scan3A_14 = arith.constant 25 : i32
    %scan3A_15 = arith.addi %scan3A_13, %scan3A_14 : i32
    %scan3A_16 = arith.constant 1 : i32
    scf.for %scan3A_29 = %scan3A_13 to %scan3A_15 step %scan3A_16  : i32 {
      %gt3A = arith.constant 0 : i32
      %gt3A_30 = arith.cmpi sgt, %scan3A_29, %gt3A : i32
      %convert_element_type3A = arith.extui %gt3A_30 : i1 to i32
      %cond3A = arith.constant 0 : i32
      %cond3A_31 = arith.cmpi ne, %convert_element_type3A, %cond3A : i32
      scf.if %cond3A_31 {
        tpu.wait_dma2 semaphore(%arg9 : memref<!tpu.dma_semaphore, #tpu.memory_space<semaphore_mem>>) src(%arg3 : memref<80x128xf32, #tpu.memory_space<hbm>>) dst(%arg7 : memref<80x128xf32, #tpu.memory_space<vmem>>)
        tpu.wait_dma2 semaphore(%arg9 : memref<!tpu.dma_semaphore, #tpu.memory_space<semaphore_mem>>) src(%arg3 : memref<80x128xf32, #tpu.memory_space<hbm>>) dst(%arg7 : memref<80x128xf32, #tpu.memory_space<vmem>>)
        tpu.wait_dma2 semaphore(%arg9 : memref<!tpu.dma_semaphore, #tpu.memory_space<semaphore_mem>>) src(%arg3 : memref<80x128xf32, #tpu.memory_space<hbm>>) dst(%arg7 : memref<80x128xf32, #tpu.memory_space<vmem>>)
        tpu.wait_dma2 semaphore(%arg9 : memref<!tpu.dma_semaphore, #tpu.memory_space<semaphore_mem>>) src(%arg3 : memref<80x128xf32, #tpu.memory_space<hbm>>) dst(%arg7 : memref<80x128xf32, #tpu.memory_space<vmem>>)
        tpu.wait_dma2 semaphore(%arg9 : memref<!tpu.dma_semaphore, #tpu.memory_space<semaphore_mem>>) src(%arg3 : memref<80x128xf32, #tpu.memory_space<hbm>>) dst(%arg7 : memref<80x128xf32, #tpu.memory_space<vmem>>)
      } else {
      }
      %mul3A_32 = arith.constant 5 : i32
      %mul3A_33 = arith.muli %scan3A_29, %mul3A_32 : i32
      %add3A_34 = arith.constant 0 : i32
      %add3A_35 = arith.addi %mul3A_33, %add3A_34 : i32
      %dma_start3A = arith.constant 1 : i32
      %dma_start3A_36 = arith.constant 0 : i32
      %dma_start3A_37 = tpu.memref_slice %arg6[%add3A_35, %dma_start3A, %dma_start3A_36] : memref<125x2x80xi32, #tpu.memory_space<vmem>> -> memref<1x1x80xi32, #tpu.memory_space<vmem>>
      %dma_start3A_38 = tpu.memref_squeeze %dma_start3A_37 : memref<1x1x80xi32, #tpu.memory_space<vmem>> -> memref<80xi32, #tpu.memory_space<vmem>>
      %dma_start3A_39 = arith.constant 0 : i32
      %dma_start3A_40 = arith.constant 0 : i32
      %dma_start3A_41 = tpu.memref_slice %arg8[%dma_start3A_39, %dma_start3A_40] : memref<10240x128xf32, #tpu.memory_space<vmem_shared>> -> memref<10240x128xf32, #tpu.memory_space<vmem_shared>>
      tpu.enqueue_indirect_dma source(%arg7 : memref<80x128xf32, #tpu.memory_space<vmem>>) target(%dma_start3A_41 : memref<10240x128xf32, #tpu.memory_space<vmem_shared>>) offsets(%dma_start3A_38 : memref<80xi32, #tpu.memory_space<vmem>>) semaphore(%arg9 : memref<!tpu.dma_semaphore, #tpu.memory_space<semaphore_mem>>) {add = true}
      %mul3A_42 = arith.constant 5 : i32
      %mul3A_43 = arith.muli %scan3A_29, %mul3A_42 : i32
      %add3A_44 = arith.constant 1 : i32
      %add3A_45 = arith.addi %mul3A_43, %add3A_44 : i32
      %dma_start3A_46 = arith.constant 1 : i32
      %dma_start3A_47 = arith.constant 0 : i32
      %dma_start3A_48 = tpu.memref_slice %arg6[%add3A_45, %dma_start3A_46, %dma_start3A_47] : memref<125x2x80xi32, #tpu.memory_space<vmem>> -> memref<1x1x80xi32, #tpu.memory_space<vmem>>
      %dma_start3A_49 = tpu.memref_squeeze %dma_start3A_48 : memref<1x1x80xi32, #tpu.memory_space<vmem>> -> memref<80xi32, #tpu.memory_space<vmem>>
      %dma_start3A_50 = arith.constant 0 : i32
      %dma_start3A_51 = arith.constant 0 : i32
      %dma_start3A_52 = tpu.memref_slice %arg8[%dma_start3A_50, %dma_start3A_51] : memref<10240x128xf32, #tpu.memory_space<vmem_shared>> -> memref<10240x128xf32, #tpu.memory_space<vmem_shared>>
      tpu.enqueue_indirect_dma source(%arg7 : memref<80x128xf32, #tpu.memory_space<vmem>>) target(%dma_start3A_52 : memref<10240x128xf32, #tpu.memory_space<vmem_shared>>) offsets(%dma_start3A_49 : memref<80xi32, #tpu.memory_space<vmem>>) semaphore(%arg9 : memref<!tpu.dma_semaphore, #tpu.memory_space<semaphore_mem>>) {add = true}
      %mul3A_53 = arith.constant 5 : i32
      %mul3A_54 = arith.muli %scan3A_29, %mul3A_53 : i32
      %add3A_55 = arith.constant 2 : i32
      %add3A_56 = arith.addi %mul3A_54, %add3A_55 : i32
      %dma_start3A_57 = arith.constant 1 : i32
      %dma_start3A_58 = arith.constant 0 : i32
      %dma_start3A_59 = tpu.memref_slice %arg6[%add3A_56, %dma_start3A_57, %dma_start3A_58] : memref<125x2x80xi32, #tpu.memory_space<vmem>> -> memref<1x1x80xi32, #tpu.memory_space<vmem>>
      %dma_start3A_60 = tpu.memref_squeeze %dma_start3A_59 : memref<1x1x80xi32, #tpu.memory_space<vmem>> -> memref<80xi32, #tpu.memory_space<vmem>>
      %dma_start3A_61 = arith.constant 0 : i32
      %dma_start3A_62 = arith.constant 0 : i32
      %dma_start3A_63 = tpu.memref_slice %arg8[%dma_start3A_61, %dma_start3A_62] : memref<10240x128xf32, #tpu.memory_space<vmem_shared>> -> memref<10240x128xf32, #tpu.memory_space<vmem_shared>>
      tpu.enqueue_indirect_dma source(%arg7 : memref<80x128xf32, #tpu.memory_space<vmem>>) target(%dma_start3A_63 : memref<10240x128xf32, #tpu.memory_space<vmem_shared>>) offsets(%dma_start3A_60 : memref<80xi32, #tpu.memory_space<vmem>>) semaphore(%arg9 : memref<!tpu.dma_semaphore, #tpu.memory_space<semaphore_mem>>) {add = true}
      %mul3A_64 = arith.constant 5 : i32
      %mul3A_65 = arith.muli %scan3A_29, %mul3A_64 : i32
      %add3A_66 = arith.constant 3 : i32
      %add3A_67 = arith.addi %mul3A_65, %add3A_66 : i32
      %dma_start3A_68 = arith.constant 1 : i32
      %dma_start3A_69 = arith.constant 0 : i32
      %dma_start3A_70 = tpu.memref_slice %arg6[%add3A_67, %dma_start3A_68, %dma_start3A_69] : memref<125x2x80xi32, #tpu.memory_space<vmem>> -> memref<1x1x80xi32, #tpu.memory_space<vmem>>
      %dma_start3A_71 = tpu.memref_squeeze %dma_start3A_70 : memref<1x1x80xi32, #tpu.memory_space<vmem>> -> memref<80xi32, #tpu.memory_space<vmem>>
      %dma_start3A_72 = arith.constant 0 : i32
      %dma_start3A_73 = arith.constant 0 : i32
      %dma_start3A_74 = tpu.memref_slice %arg8[%dma_start3A_72, %dma_start3A_73] : memref<10240x128xf32, #tpu.memory_space<vmem_shared>> -> memref<10240x128xf32, #tpu.memory_space<vmem_shared>>
      tpu.enqueue_indirect_dma source(%arg7 : memref<80x128xf32, #tpu.memory_space<vmem>>) target(%dma_start3A_74 : memref<10240x128xf32, #tpu.memory_space<vmem_shared>>) offsets(%dma_start3A_71 : memref<80xi32, #tpu.memory_space<vmem>>) semaphore(%arg9 : memref<!tpu.dma_semaphore, #tpu.memory_space<semaphore_mem>>) {add = true}
      %mul3A_75 = arith.constant 5 : i32
      %mul3A_76 = arith.muli %scan3A_29, %mul3A_75 : i32
      %add3A_77 = arith.constant 4 : i32
      %add3A_78 = arith.addi %mul3A_76, %add3A_77 : i32
      %dma_start3A_79 = arith.constant 1 : i32
      %dma_start3A_80 = arith.constant 0 : i32
      %dma_start3A_81 = tpu.memref_slice %arg6[%add3A_78, %dma_start3A_79, %dma_start3A_80] : memref<125x2x80xi32, #tpu.memory_space<vmem>> -> memref<1x1x80xi32, #tpu.memory_space<vmem>>
      %dma_start3A_82 = tpu.memref_squeeze %dma_start3A_81 : memref<1x1x80xi32, #tpu.memory_space<vmem>> -> memref<80xi32, #tpu.memory_space<vmem>>
      %dma_start3A_83 = arith.constant 0 : i32
      %dma_start3A_84 = arith.constant 0 : i32
      %dma_start3A_85 = tpu.memref_slice %arg8[%dma_start3A_83, %dma_start3A_84] : memref<10240x128xf32, #tpu.memory_space<vmem_shared>> -> memref<10240x128xf32, #tpu.memory_space<vmem_shared>>
      tpu.enqueue_indirect_dma source(%arg7 : memref<80x128xf32, #tpu.memory_space<vmem>>) target(%dma_start3A_85 : memref<10240x128xf32, #tpu.memory_space<vmem_shared>>) offsets(%dma_start3A_82 : memref<80xi32, #tpu.memory_space<vmem>>) semaphore(%arg9 : memref<!tpu.dma_semaphore, #tpu.memory_space<semaphore_mem>>) {add = true}
    }
    %scan3A_17 = arith.constant 25 : i32
    tpu.wait_dma2 semaphore(%arg9 : memref<!tpu.dma_semaphore, #tpu.memory_space<semaphore_mem>>) src(%arg3 : memref<80x128xf32, #tpu.memory_space<hbm>>) dst(%arg7 : memref<80x128xf32, #tpu.memory_space<vmem>>)
    tpu.wait_dma2 semaphore(%arg9 : memref<!tpu.dma_semaphore, #tpu.memory_space<semaphore_mem>>) src(%arg3 : memref<80x128xf32, #tpu.memory_space<hbm>>) dst(%arg7 : memref<80x128xf32, #tpu.memory_space<vmem>>)
    tpu.wait_dma2 semaphore(%arg9 : memref<!tpu.dma_semaphore, #tpu.memory_space<semaphore_mem>>) src(%arg3 : memref<80x128xf32, #tpu.memory_space<hbm>>) dst(%arg7 : memref<80x128xf32, #tpu.memory_space<vmem>>)
    tpu.wait_dma2 semaphore(%arg9 : memref<!tpu.dma_semaphore, #tpu.memory_space<semaphore_mem>>) src(%arg3 : memref<80x128xf32, #tpu.memory_space<hbm>>) dst(%arg7 : memref<80x128xf32, #tpu.memory_space<vmem>>)
    tpu.wait_dma2 semaphore(%arg9 : memref<!tpu.dma_semaphore, #tpu.memory_space<semaphore_mem>>) src(%arg3 : memref<80x128xf32, #tpu.memory_space<hbm>>) dst(%arg7 : memref<80x128xf32, #tpu.memory_space<vmem>>)
    %barrier3A_18 = arith.constant 0 : index
    tpu.barrier barrier_id(%barrier3A_18)
    %add3A_19 = arith.constant 0 : i32
    %add3A_20 = arith.addi %mul3A_2, %add3A_19 : i32
    "tpu.region"() ({
      %run_scoped3A = tpu.sem_alloc : memref<!tpu.dma_semaphore, #tpu.memory_space<semaphore_mem>>
      %dma_start3A = arith.constant 0 : i32
      %dma_start3A_29 = tpu.memref_slice %arg5[%arg0, %add3A_20, %dma_start3A] : memref<2x10240x128xf32, #tpu.memory_space<hbm>> -> memref<1x128x128xf32, #tpu.memory_space<hbm>>
      %dma_start3A_30 = tpu.memref_squeeze %dma_start3A_29 : memref<1x128x128xf32, #tpu.memory_space<hbm>> -> memref<128x128xf32, #tpu.memory_space<hbm>>
      %dma_start3A_31 = arith.constant 0 : i32
      %dma_start3A_32 = tpu.memref_slice %arg8[%add3A_20, %dma_start3A_31] : memref<10240x128xf32, #tpu.memory_space<vmem_shared>> -> memref<128x128xf32, #tpu.memory_space<vmem_shared>>
      tpu.enqueue_dma source(%dma_start3A_32 : memref<128x128xf32, #tpu.memory_space<vmem_shared>>) target(%dma_start3A_30 : memref<128x128xf32, #tpu.memory_space<hbm>>) target_semaphore(%run_scoped3A : memref<!tpu.dma_semaphore, #tpu.memory_space<semaphore_mem>>)
      %dma_wait3A = arith.constant 0 : i32
      %dma_wait3A_33 = tpu.memref_slice %arg5[%arg0, %add3A_20, %dma_wait3A] : memref<2x10240x128xf32, #tpu.memory_space<hbm>> -> memref<1x128x128xf32, #tpu.memory_space<hbm>>
      %dma_wait3A_34 = tpu.memref_squeeze %dma_wait3A_33 : memref<1x128x128xf32, #tpu.memory_space<hbm>> -> memref<128x128xf32, #tpu.memory_space<hbm>>
      %dma_wait3A_35 = arith.constant 0 : i32
      %dma_wait3A_36 = tpu.memref_slice %arg8[%add3A_20, %dma_wait3A_35] : memref<10240x128xf32, #tpu.memory_space<vmem_shared>> -> memref<128x128xf32, #tpu.memory_space<vmem_shared>>
      tpu.wait_dma2 semaphore(%run_scoped3A : memref<!tpu.dma_semaphore, #tpu.memory_space<semaphore_mem>>) src(%dma_wait3A_36 : memref<128x128xf32, #tpu.memory_space<vmem_shared>>) dst(%dma_wait3A_34 : memref<128x128xf32, #tpu.memory_space<hbm>>)
      tpu.yield
    }) : () -> ()
    %add3A_21 = arith.constant 128 : i32
    %add3A_22 = arith.addi %mul3A_2, %add3A_21 : i32
    "tpu.region"() ({
      %run_scoped3A = tpu.sem_alloc : memref<!tpu.dma_semaphore, #tpu.memory_space<semaphore_mem>>
      %dma_start3A = arith.constant 0 : i32
      %dma_start3A_29 = tpu.memref_slice %arg5[%arg0, %add3A_22, %dma_start3A] : memref<2x10240x128xf32, #tpu.memory_space<hbm>> -> memref<1x128x128xf32, #tpu.memory_space<hbm>>
      %dma_start3A_30 = tpu.memref_squeeze %dma_start3A_29 : memref<1x128x128xf32, #tpu.memory_space<hbm>> -> memref<128x128xf32, #tpu.memory_space<hbm>>
      %dma_start3A_31 = arith.constant 0 : i32
      %dma_start3A_32 = tpu.memref_slice %arg8[%add3A_22, %dma_start3A_31] : memref<10240x128xf32, #tpu.memory_space<vmem_shared>> -> memref<128x128xf32, #tpu.memory_space<vmem_shared>>
      tpu.enqueue_dma source(%dma_start3A_32 : memref<128x128xf32, #tpu.memory_space<vmem_shared>>) target(%dma_start3A_30 : memref<128x128xf32, #tpu.memory_space<hbm>>) target_semaphore(%run_scoped3A : memref<!tpu.dma_semaphore, #tpu.memory_space<semaphore_mem>>)
      %dma_wait3A = arith.constant 0 : i32
      %dma_wait3A_33 = tpu.memref_slice %arg5[%arg0, %add3A_22, %dma_wait3A] : memref<2x10240x128xf32, #tpu.memory_space<hbm>> -> memref<1x128x128xf32, #tpu.memory_space<hbm>>
      %dma_wait3A_34 = tpu.memref_squeeze %dma_wait3A_33 : memref<1x128x128xf32, #tpu.memory_space<hbm>> -> memref<128x128xf32, #tpu.memory_space<hbm>>
      %dma_wait3A_35 = arith.constant 0 : i32
      %dma_wait3A_36 = tpu.memref_slice %arg8[%add3A_22, %dma_wait3A_35] : memref<10240x128xf32, #tpu.memory_space<vmem_shared>> -> memref<128x128xf32, #tpu.memory_space<vmem_shared>>
      tpu.wait_dma2 semaphore(%run_scoped3A : memref<!tpu.dma_semaphore, #tpu.memory_space<semaphore_mem>>) src(%dma_wait3A_36 : memref<128x128xf32, #tpu.memory_space<vmem_shared>>) dst(%dma_wait3A_34 : memref<128x128xf32, #tpu.memory_space<hbm>>)
      tpu.yield
    }) : () -> ()
    %add3A_23 = arith.constant 256 : i32
    %add3A_24 = arith.addi %mul3A_2, %add3A_23 : i32
    "tpu.region"() ({
      %run_scoped3A = tpu.sem_alloc : memref<!tpu.dma_semaphore, #tpu.memory_space<semaphore_mem>>
      %dma_start3A = arith.constant 0 : i32
      %dma_start3A_29 = tpu.memref_slice %arg5[%arg0, %add3A_24, %dma_start3A] : memref<2x10240x128xf32, #tpu.memory_space<hbm>> -> memref<1x128x128xf32, #tpu.memory_space<hbm>>
      %dma_start3A_30 = tpu.memref_squeeze %dma_start3A_29 : memref<1x128x128xf32, #tpu.memory_space<hbm>> -> memref<128x128xf32, #tpu.memory_space<hbm>>
      %dma_start3A_31 = arith.constant 0 : i32
      %dma_start3A_32 = tpu.memref_slice %arg8[%add3A_24, %dma_start3A_31] : memref<10240x128xf32, #tpu.memory_space<vmem_shared>> -> memref<128x128xf32, #tpu.memory_space<vmem_shared>>
      tpu.enqueue_dma source(%dma_start3A_32 : memref<128x128xf32, #tpu.memory_space<vmem_shared>>) target(%dma_start3A_30 : memref<128x128xf32, #tpu.memory_space<hbm>>) target_semaphore(%run_scoped3A : memref<!tpu.dma_semaphore, #tpu.memory_space<semaphore_mem>>)
      %dma_wait3A = arith.constant 0 : i32
      %dma_wait3A_33 = tpu.memref_slice %arg5[%arg0, %add3A_24, %dma_wait3A] : memref<2x10240x128xf32, #tpu.memory_space<hbm>> -> memref<1x128x128xf32, #tpu.memory_space<hbm>>
      %dma_wait3A_34 = tpu.memref_squeeze %dma_wait3A_33 : memref<1x128x128xf32, #tpu.memory_space<hbm>> -> memref<128x128xf32, #tpu.memory_space<hbm>>
      %dma_wait3A_35 = arith.constant 0 : i32
      %dma_wait3A_36 = tpu.memref_slice %arg8[%add3A_24, %dma_wait3A_35] : memref<10240x128xf32, #tpu.memory_space<vmem_shared>> -> memref<128x128xf32, #tpu.memory_space<vmem_shared>>
      tpu.wait_dma2 semaphore(%run_scoped3A : memref<!tpu.dma_semaphore, #tpu.memory_space<semaphore_mem>>) src(%dma_wait3A_36 : memref<128x128xf32, #tpu.memory_space<vmem_shared>>) dst(%dma_wait3A_34 : memref<128x128xf32, #tpu.memory_space<hbm>>)
      tpu.yield
    }) : () -> ()
    %add3A_25 = arith.constant 384 : i32
    %add3A_26 = arith.addi %mul3A_2, %add3A_25 : i32
    "tpu.region"() ({
      %run_scoped3A = tpu.sem_alloc : memref<!tpu.dma_semaphore, #tpu.memory_space<semaphore_mem>>
      %dma_start3A = arith.constant 0 : i32
      %dma_start3A_29 = tpu.memref_slice %arg5[%arg0, %add3A_26, %dma_start3A] : memref<2x10240x128xf32, #tpu.memory_space<hbm>> -> memref<1x128x128xf32, #tpu.memory_space<hbm>>
      %dma_start3A_30 = tpu.memref_squeeze %dma_start3A_29 : memref<1x128x128xf32, #tpu.memory_space<hbm>> -> memref<128x128xf32, #tpu.memory_space<hbm>>
      %dma_start3A_31 = arith.constant 0 : i32
      %dma_start3A_32 = tpu.memref_slice %arg8[%add3A_26, %dma_start3A_31] : memref<10240x128xf32, #tpu.memory_space<vmem_shared>> -> memref<128x128xf32, #tpu.memory_space<vmem_shared>>
      tpu.enqueue_dma source(%dma_start3A_32 : memref<128x128xf32, #tpu.memory_space<vmem_shared>>) target(%dma_start3A_30 : memref<128x128xf32, #tpu.memory_space<hbm>>) target_semaphore(%run_scoped3A : memref<!tpu.dma_semaphore, #tpu.memory_space<semaphore_mem>>)
      %dma_wait3A = arith.constant 0 : i32
      %dma_wait3A_33 = tpu.memref_slice %arg5[%arg0, %add3A_26, %dma_wait3A] : memref<2x10240x128xf32, #tpu.memory_space<hbm>> -> memref<1x128x128xf32, #tpu.memory_space<hbm>>
      %dma_wait3A_34 = tpu.memref_squeeze %dma_wait3A_33 : memref<1x128x128xf32, #tpu.memory_space<hbm>> -> memref<128x128xf32, #tpu.memory_space<hbm>>
      %dma_wait3A_35 = arith.constant 0 : i32
      %dma_wait3A_36 = tpu.memref_slice %arg8[%add3A_26, %dma_wait3A_35] : memref<10240x128xf32, #tpu.memory_space<vmem_shared>> -> memref<128x128xf32, #tpu.memory_space<vmem_shared>>
      tpu.wait_dma2 semaphore(%run_scoped3A : memref<!tpu.dma_semaphore, #tpu.memory_space<semaphore_mem>>) src(%dma_wait3A_36 : memref<128x128xf32, #tpu.memory_space<vmem_shared>>) dst(%dma_wait3A_34 : memref<128x128xf32, #tpu.memory_space<hbm>>)
      tpu.yield
    }) : () -> ()
    %add3A_27 = arith.constant 512 : i32
    %add3A_28 = arith.addi %mul3A_2, %add3A_27 : i32
    "tpu.region"() ({
      %run_scoped3A = tpu.sem_alloc : memref<!tpu.dma_semaphore, #tpu.memory_space<semaphore_mem>>
      %dma_start3A = arith.constant 0 : i32
      %dma_start3A_29 = tpu.memref_slice %arg5[%arg0, %add3A_28, %dma_start3A] : memref<2x10240x128xf32, #tpu.memory_space<hbm>> -> memref<1x128x128xf32, #tpu.memory_space<hbm>>
      %dma_start3A_30 = tpu.memref_squeeze %dma_start3A_29 : memref<1x128x128xf32, #tpu.memory_space<hbm>> -> memref<128x128xf32, #tpu.memory_space<hbm>>
      %dma_start3A_31 = arith.constant 0 : i32
      %dma_start3A_32 = tpu.memref_slice %arg8[%add3A_28, %dma_start3A_31] : memref<10240x128xf32, #tpu.memory_space<vmem_shared>> -> memref<128x128xf32, #tpu.memory_space<vmem_shared>>
      tpu.enqueue_dma source(%dma_start3A_32 : memref<128x128xf32, #tpu.memory_space<vmem_shared>>) target(%dma_start3A_30 : memref<128x128xf32, #tpu.memory_space<hbm>>) target_semaphore(%run_scoped3A : memref<!tpu.dma_semaphore, #tpu.memory_space<semaphore_mem>>)
      %dma_wait3A = arith.constant 0 : i32
      %dma_wait3A_33 = tpu.memref_slice %arg5[%arg0, %add3A_28, %dma_wait3A] : memref<2x10240x128xf32, #tpu.memory_space<hbm>> -> memref<1x128x128xf32, #tpu.memory_space<hbm>>
      %dma_wait3A_34 = tpu.memref_squeeze %dma_wait3A_33 : memref<1x128x128xf32, #tpu.memory_space<hbm>> -> memref<128x128xf32, #tpu.memory_space<hbm>>
      %dma_wait3A_35 = arith.constant 0 : i32
      %dma_wait3A_36 = tpu.memref_slice %arg8[%add3A_28, %dma_wait3A_35] : memref<10240x128xf32, #tpu.memory_space<vmem_shared>> -> memref<128x128xf32, #tpu.memory_space<vmem_shared>>
      tpu.wait_dma2 semaphore(%run_scoped3A : memref<!tpu.dma_semaphore, #tpu.memory_space<semaphore_mem>>) src(%dma_wait3A_36 : memref<128x128xf32, #tpu.memory_space<vmem_shared>>) dst(%dma_wait3A_34 : memref<128x128xf32, #tpu.memory_space<hbm>>)
      tpu.yield
    }) : () -> ()
    return
  }
}

#map = affine_map<(d0, d1) -> (0, 0)>
#map1 = affine_map<(d0, d1) -> (0, 0, 0, 0)>
#map2 = affine_map<(d0, d1) -> (0, 0, 0)>
module attributes {stable_mosaic.version = 14 : i64} {
  func.func @agg_k(%arg0: i32, %arg1: i32, %arg2: memref<10000x128xf32, #tpu.memory_space<hbm>>, %arg3: memref<32x125x2x80xi32, #tpu.memory_space<hbm>>, %arg4: memref<128x128xf32, #tpu.memory_space<hbm>>, %arg5: memref<2x10240x128xf32, #tpu.memory_space<hbm>>, %arg6: memref<8x2x80xi32, #tpu.memory_space<vmem>>, %arg7: memref<4x80x128xf32, #tpu.memory_space<vmem>>, %arg8: memref<10240x128xf32, #tpu.memory_space<vmem_shared>>, %arg9: memref<!tpu.dma_semaphore, #tpu.memory_space<semaphore_mem>>, %arg10: memref<!tpu.dma_semaphore, #tpu.memory_space<semaphore_mem>>, %arg11: memref<!tpu.dma_semaphore, #tpu.memory_space<semaphore_mem>>, %arg12: memref<!tpu.dma_semaphore, #tpu.memory_space<semaphore_mem>>, %arg13: memref<!tpu.dma_semaphore, #tpu.memory_space<semaphore_mem>>, %arg14: memref<!tpu.dma_semaphore, #tpu.memory_space<semaphore_mem>>) attributes {dimension_semantics = [#tpu.dimension_semantics<core_parallel>, #tpu.dimension_semantics<subcore_parallel>], iteration_bounds = array<i64: 2, 16>, scalar_prefetch = 0 : i64, scratch_operands = 9 : i64, tpu.core_type = #tpu.core_type<sc_vector_subcore>, window_params = [{transform_indices = #map}, {transform_indices = #map1}, {transform_indices = #map}, {transform_indices = #map2}]} {
    %mul3A = arith.constant 2 : i32
    %mul3A_0 = arith.muli %arg1, %mul3A : i32
    %add3A = arith.addi %mul3A_0, %arg0 : i32
    %mul3A_1 = arith.constant 640 : i32
    %mul3A_2 = arith.muli %arg1, %mul3A_1 : i32
    %add3A_3 = arith.constant 0 : i32
    %add3A_4 = arith.addi %mul3A_2, %add3A_3 : i32
    "tpu.region"() ({
      %run_scoped3A = tpu.sem_alloc : memref<!tpu.dma_semaphore, #tpu.memory_space<semaphore_mem>>
      %dma_start3A_173 = arith.constant 0 : i32
      %dma_start3A_174 = tpu.memref_slice %arg8[%add3A_4, %dma_start3A_173] : memref<10240x128xf32, #tpu.memory_space<vmem_shared>> -> memref<128x128xf32, #tpu.memory_space<vmem_shared>>
      tpu.enqueue_dma source(%arg4 : memref<128x128xf32, #tpu.memory_space<hbm>>) target(%dma_start3A_174 : memref<128x128xf32, #tpu.memory_space<vmem_shared>>) target_semaphore(%run_scoped3A : memref<!tpu.dma_semaphore, #tpu.memory_space<semaphore_mem>>)
      %dma_wait3A_175 = arith.constant 0 : i32
      %dma_wait3A_176 = tpu.memref_slice %arg8[%add3A_4, %dma_wait3A_175] : memref<10240x128xf32, #tpu.memory_space<vmem_shared>> -> memref<128x128xf32, #tpu.memory_space<vmem_shared>>
      tpu.wait_dma2 semaphore(%run_scoped3A : memref<!tpu.dma_semaphore, #tpu.memory_space<semaphore_mem>>) src(%arg4 : memref<128x128xf32, #tpu.memory_space<hbm>>) dst(%dma_wait3A_176 : memref<128x128xf32, #tpu.memory_space<vmem_shared>>)
      tpu.yield
    }) : () -> ()
    %add3A_5 = arith.constant 128 : i32
    %add3A_6 = arith.addi %mul3A_2, %add3A_5 : i32
    "tpu.region"() ({
      %run_scoped3A = tpu.sem_alloc : memref<!tpu.dma_semaphore, #tpu.memory_space<semaphore_mem>>
      %dma_start3A_173 = arith.constant 0 : i32
      %dma_start3A_174 = tpu.memref_slice %arg8[%add3A_6, %dma_start3A_173] : memref<10240x128xf32, #tpu.memory_space<vmem_shared>> -> memref<128x128xf32, #tpu.memory_space<vmem_shared>>
      tpu.enqueue_dma source(%arg4 : memref<128x128xf32, #tpu.memory_space<hbm>>) target(%dma_start3A_174 : memref<128x128xf32, #tpu.memory_space<vmem_shared>>) target_semaphore(%run_scoped3A : memref<!tpu.dma_semaphore, #tpu.memory_space<semaphore_mem>>)
      %dma_wait3A_175 = arith.constant 0 : i32
      %dma_wait3A_176 = tpu.memref_slice %arg8[%add3A_6, %dma_wait3A_175] : memref<10240x128xf32, #tpu.memory_space<vmem_shared>> -> memref<128x128xf32, #tpu.memory_space<vmem_shared>>
      tpu.wait_dma2 semaphore(%run_scoped3A : memref<!tpu.dma_semaphore, #tpu.memory_space<semaphore_mem>>) src(%arg4 : memref<128x128xf32, #tpu.memory_space<hbm>>) dst(%dma_wait3A_176 : memref<128x128xf32, #tpu.memory_space<vmem_shared>>)
      tpu.yield
    }) : () -> ()
    %add3A_7 = arith.constant 256 : i32
    %add3A_8 = arith.addi %mul3A_2, %add3A_7 : i32
    "tpu.region"() ({
      %run_scoped3A = tpu.sem_alloc : memref<!tpu.dma_semaphore, #tpu.memory_space<semaphore_mem>>
      %dma_start3A_173 = arith.constant 0 : i32
      %dma_start3A_174 = tpu.memref_slice %arg8[%add3A_8, %dma_start3A_173] : memref<10240x128xf32, #tpu.memory_space<vmem_shared>> -> memref<128x128xf32, #tpu.memory_space<vmem_shared>>
      tpu.enqueue_dma source(%arg4 : memref<128x128xf32, #tpu.memory_space<hbm>>) target(%dma_start3A_174 : memref<128x128xf32, #tpu.memory_space<vmem_shared>>) target_semaphore(%run_scoped3A : memref<!tpu.dma_semaphore, #tpu.memory_space<semaphore_mem>>)
      %dma_wait3A_175 = arith.constant 0 : i32
      %dma_wait3A_176 = tpu.memref_slice %arg8[%add3A_8, %dma_wait3A_175] : memref<10240x128xf32, #tpu.memory_space<vmem_shared>> -> memref<128x128xf32, #tpu.memory_space<vmem_shared>>
      tpu.wait_dma2 semaphore(%run_scoped3A : memref<!tpu.dma_semaphore, #tpu.memory_space<semaphore_mem>>) src(%arg4 : memref<128x128xf32, #tpu.memory_space<hbm>>) dst(%dma_wait3A_176 : memref<128x128xf32, #tpu.memory_space<vmem_shared>>)
      tpu.yield
    }) : () -> ()
    %add3A_9 = arith.constant 384 : i32
    %add3A_10 = arith.addi %mul3A_2, %add3A_9 : i32
    "tpu.region"() ({
      %run_scoped3A = tpu.sem_alloc : memref<!tpu.dma_semaphore, #tpu.memory_space<semaphore_mem>>
      %dma_start3A_173 = arith.constant 0 : i32
      %dma_start3A_174 = tpu.memref_slice %arg8[%add3A_10, %dma_start3A_173] : memref<10240x128xf32, #tpu.memory_space<vmem_shared>> -> memref<128x128xf32, #tpu.memory_space<vmem_shared>>
      tpu.enqueue_dma source(%arg4 : memref<128x128xf32, #tpu.memory_space<hbm>>) target(%dma_start3A_174 : memref<128x128xf32, #tpu.memory_space<vmem_shared>>) target_semaphore(%run_scoped3A : memref<!tpu.dma_semaphore, #tpu.memory_space<semaphore_mem>>)
      %dma_wait3A_175 = arith.constant 0 : i32
      %dma_wait3A_176 = tpu.memref_slice %arg8[%add3A_10, %dma_wait3A_175] : memref<10240x128xf32, #tpu.memory_space<vmem_shared>> -> memref<128x128xf32, #tpu.memory_space<vmem_shared>>
      tpu.wait_dma2 semaphore(%run_scoped3A : memref<!tpu.dma_semaphore, #tpu.memory_space<semaphore_mem>>) src(%arg4 : memref<128x128xf32, #tpu.memory_space<hbm>>) dst(%dma_wait3A_176 : memref<128x128xf32, #tpu.memory_space<vmem_shared>>)
      tpu.yield
    }) : () -> ()
    %add3A_11 = arith.constant 512 : i32
    %add3A_12 = arith.addi %mul3A_2, %add3A_11 : i32
    "tpu.region"() ({
      %run_scoped3A = tpu.sem_alloc : memref<!tpu.dma_semaphore, #tpu.memory_space<semaphore_mem>>
      %dma_start3A_173 = arith.constant 0 : i32
      %dma_start3A_174 = tpu.memref_slice %arg8[%add3A_12, %dma_start3A_173] : memref<10240x128xf32, #tpu.memory_space<vmem_shared>> -> memref<128x128xf32, #tpu.memory_space<vmem_shared>>
      tpu.enqueue_dma source(%arg4 : memref<128x128xf32, #tpu.memory_space<hbm>>) target(%dma_start3A_174 : memref<128x128xf32, #tpu.memory_space<vmem_shared>>) target_semaphore(%run_scoped3A : memref<!tpu.dma_semaphore, #tpu.memory_space<semaphore_mem>>)
      %dma_wait3A_175 = arith.constant 0 : i32
      %dma_wait3A_176 = tpu.memref_slice %arg8[%add3A_12, %dma_wait3A_175] : memref<10240x128xf32, #tpu.memory_space<vmem_shared>> -> memref<128x128xf32, #tpu.memory_space<vmem_shared>>
      tpu.wait_dma2 semaphore(%run_scoped3A : memref<!tpu.dma_semaphore, #tpu.memory_space<semaphore_mem>>) src(%arg4 : memref<128x128xf32, #tpu.memory_space<hbm>>) dst(%dma_wait3A_176 : memref<128x128xf32, #tpu.memory_space<vmem_shared>>)
      tpu.yield
    }) : () -> ()
    %barrier3A = arith.constant 0 : index
    tpu.barrier barrier_id(%barrier3A)
    %dma_start3A = arith.constant 0 : i32
    %dma_start3A_13 = arith.constant 0 : i32
    %dma_start3A_14 = arith.constant 0 : i32
    %dma_start3A_15 = arith.constant 0 : i32
    %dma_start3A_16 = tpu.memref_slice %arg6[%dma_start3A_13, %dma_start3A_14, %dma_start3A_15] : memref<8x2x80xi32, #tpu.memory_space<vmem>> -> memref<1x2x80xi32, #tpu.memory_space<vmem>>
    %dma_start3A_17 = tpu.memref_squeeze %dma_start3A_16 : memref<1x2x80xi32, #tpu.memory_space<vmem>> -> memref<2x80xi32, #tpu.memory_space<vmem>>
    %dma_start3A_18 = arith.constant 0 : i32
    %dma_start3A_19 = arith.constant 0 : i32
    %dma_start3A_20 = tpu.memref_slice %arg3[%add3A, %dma_start3A, %dma_start3A_18, %dma_start3A_19] : memref<32x125x2x80xi32, #tpu.memory_space<hbm>> -> memref<1x1x2x80xi32, #tpu.memory_space<hbm>>
    %dma_start3A_21 = tpu.memref_squeeze %dma_start3A_20 : memref<1x1x2x80xi32, #tpu.memory_space<hbm>> -> memref<2x80xi32, #tpu.memory_space<hbm>>
    %dma_start3A_22 = arith.constant 0 : i32
    %dma_start3A_23 = arith.constant 0 : i32
    %dma_start3A_24 = tpu.memref_slice %arg6[%dma_start3A_13, %dma_start3A_22, %dma_start3A_23] : memref<8x2x80xi32, #tpu.memory_space<vmem>> -> memref<1x2x80xi32, #tpu.memory_space<vmem>>
    %dma_start3A_25 = tpu.memref_squeeze %dma_start3A_24 : memref<1x2x80xi32, #tpu.memory_space<vmem>> -> memref<2x80xi32, #tpu.memory_space<vmem>>
    %dma_start3A_26 = arith.constant 0 : i32
    %dma_start3A_27 = arith.constant 0 : i32
    %dma_start3A_28 = tpu.memref_slice %arg3[%add3A, %dma_start3A, %dma_start3A_26, %dma_start3A_27] : memref<32x125x2x80xi32, #tpu.memory_space<hbm>> -> memref<1x1x2x80xi32, #tpu.memory_space<hbm>>
    %dma_start3A_29 = tpu.memref_squeeze %dma_start3A_28 : memref<1x1x2x80xi32, #tpu.memory_space<hbm>> -> memref<2x80xi32, #tpu.memory_space<hbm>>
    tpu.enqueue_dma source(%dma_start3A_29 : memref<2x80xi32, #tpu.memory_space<hbm>>) target(%dma_start3A_25 : memref<2x80xi32, #tpu.memory_space<vmem>>) target_semaphore(%arg13 : memref<!tpu.dma_semaphore, #tpu.memory_space<semaphore_mem>>)
    %dma_start3A_30 = arith.constant 1 : i32
    %dma_start3A_31 = arith.constant 1 : i32
    %dma_start3A_32 = arith.constant 0 : i32
    %dma_start3A_33 = arith.constant 0 : i32
    %dma_start3A_34 = tpu.memref_slice %arg6[%dma_start3A_31, %dma_start3A_32, %dma_start3A_33] : memref<8x2x80xi32, #tpu.memory_space<vmem>> -> memref<1x2x80xi32, #tpu.memory_space<vmem>>
    %dma_start3A_35 = tpu.memref_squeeze %dma_start3A_34 : memref<1x2x80xi32, #tpu.memory_space<vmem>> -> memref<2x80xi32, #tpu.memory_space<vmem>>
    %dma_start3A_36 = arith.constant 0 : i32
    %dma_start3A_37 = arith.constant 0 : i32
    %dma_start3A_38 = tpu.memref_slice %arg3[%add3A, %dma_start3A_30, %dma_start3A_36, %dma_start3A_37] : memref<32x125x2x80xi32, #tpu.memory_space<hbm>> -> memref<1x1x2x80xi32, #tpu.memory_space<hbm>>
    %dma_start3A_39 = tpu.memref_squeeze %dma_start3A_38 : memref<1x1x2x80xi32, #tpu.memory_space<hbm>> -> memref<2x80xi32, #tpu.memory_space<hbm>>
    %dma_start3A_40 = arith.constant 0 : i32
    %dma_start3A_41 = arith.constant 0 : i32
    %dma_start3A_42 = tpu.memref_slice %arg6[%dma_start3A_31, %dma_start3A_40, %dma_start3A_41] : memref<8x2x80xi32, #tpu.memory_space<vmem>> -> memref<1x2x80xi32, #tpu.memory_space<vmem>>
    %dma_start3A_43 = tpu.memref_squeeze %dma_start3A_42 : memref<1x2x80xi32, #tpu.memory_space<vmem>> -> memref<2x80xi32, #tpu.memory_space<vmem>>
    %dma_start3A_44 = arith.constant 0 : i32
    %dma_start3A_45 = arith.constant 0 : i32
    %dma_start3A_46 = tpu.memref_slice %arg3[%add3A, %dma_start3A_30, %dma_start3A_44, %dma_start3A_45] : memref<32x125x2x80xi32, #tpu.memory_space<hbm>> -> memref<1x1x2x80xi32, #tpu.memory_space<hbm>>
    %dma_start3A_47 = tpu.memref_squeeze %dma_start3A_46 : memref<1x1x2x80xi32, #tpu.memory_space<hbm>> -> memref<2x80xi32, #tpu.memory_space<hbm>>
    tpu.enqueue_dma source(%dma_start3A_47 : memref<2x80xi32, #tpu.memory_space<hbm>>) target(%dma_start3A_43 : memref<2x80xi32, #tpu.memory_space<vmem>>) target_semaphore(%arg14 : memref<!tpu.dma_semaphore, #tpu.memory_space<semaphore_mem>>)
    %dma_wait3A = arith.constant 0 : i32
    %dma_wait3A_48 = arith.constant 0 : i32
    %dma_wait3A_49 = arith.constant 0 : i32
    %dma_wait3A_50 = arith.constant 0 : i32
    %dma_wait3A_51 = tpu.memref_slice %arg6[%dma_wait3A_48, %dma_wait3A_49, %dma_wait3A_50] : memref<8x2x80xi32, #tpu.memory_space<vmem>> -> memref<1x2x80xi32, #tpu.memory_space<vmem>>
    %dma_wait3A_52 = tpu.memref_squeeze %dma_wait3A_51 : memref<1x2x80xi32, #tpu.memory_space<vmem>> -> memref<2x80xi32, #tpu.memory_space<vmem>>
    %dma_wait3A_53 = arith.constant 0 : i32
    %dma_wait3A_54 = arith.constant 0 : i32
    %dma_wait3A_55 = tpu.memref_slice %arg3[%add3A, %dma_wait3A, %dma_wait3A_53, %dma_wait3A_54] : memref<32x125x2x80xi32, #tpu.memory_space<hbm>> -> memref<1x1x2x80xi32, #tpu.memory_space<hbm>>
    %dma_wait3A_56 = tpu.memref_squeeze %dma_wait3A_55 : memref<1x1x2x80xi32, #tpu.memory_space<hbm>> -> memref<2x80xi32, #tpu.memory_space<hbm>>
    %dma_wait3A_57 = arith.constant 0 : i32
    %dma_wait3A_58 = arith.constant 0 : i32
    %dma_wait3A_59 = tpu.memref_slice %arg6[%dma_wait3A_48, %dma_wait3A_57, %dma_wait3A_58] : memref<8x2x80xi32, #tpu.memory_space<vmem>> -> memref<1x2x80xi32, #tpu.memory_space<vmem>>
    %dma_wait3A_60 = tpu.memref_squeeze %dma_wait3A_59 : memref<1x2x80xi32, #tpu.memory_space<vmem>> -> memref<2x80xi32, #tpu.memory_space<vmem>>
    %dma_wait3A_61 = arith.constant 0 : i32
    %dma_wait3A_62 = arith.constant 0 : i32
    %dma_wait3A_63 = tpu.memref_slice %arg3[%add3A, %dma_wait3A, %dma_wait3A_61, %dma_wait3A_62] : memref<32x125x2x80xi32, #tpu.memory_space<hbm>> -> memref<1x1x2x80xi32, #tpu.memory_space<hbm>>
    %dma_wait3A_64 = tpu.memref_squeeze %dma_wait3A_63 : memref<1x1x2x80xi32, #tpu.memory_space<hbm>> -> memref<2x80xi32, #tpu.memory_space<hbm>>
    tpu.wait_dma2 semaphore(%arg13 : memref<!tpu.dma_semaphore, #tpu.memory_space<semaphore_mem>>) src(%dma_wait3A_64 : memref<2x80xi32, #tpu.memory_space<hbm>>) dst(%dma_wait3A_60 : memref<2x80xi32, #tpu.memory_space<vmem>>)
    %dma_start3A_65 = arith.constant 0 : i32
    %dma_start3A_66 = arith.constant 0 : i32
    %dma_start3A_67 = arith.constant 0 : i32
    %dma_start3A_68 = arith.constant 0 : i32
    %dma_start3A_69 = arith.constant 0 : i32
    %dma_start3A_70 = tpu.memref_slice %arg7[%dma_start3A_67, %dma_start3A_68, %dma_start3A_69] : memref<4x80x128xf32, #tpu.memory_space<vmem>> -> memref<1x80x128xf32, #tpu.memory_space<vmem>>
    %dma_start3A_71 = tpu.memref_squeeze %dma_start3A_70 : memref<1x80x128xf32, #tpu.memory_space<vmem>> -> memref<80x128xf32, #tpu.memory_space<vmem>>
    %dma_start3A_72 = arith.constant 0 : i32
    %dma_start3A_73 = tpu.memref_slice %arg6[%dma_start3A_65, %dma_start3A_66, %dma_start3A_72] : memref<8x2x80xi32, #tpu.memory_space<vmem>> -> memref<1x1x80xi32, #tpu.memory_space<vmem>>
    %dma_start3A_74 = tpu.memref_squeeze %dma_start3A_73 : memref<1x1x80xi32, #tpu.memory_space<vmem>> -> memref<80xi32, #tpu.memory_space<vmem>>
    %dma_start3A_75 = arith.constant 0 : i32
    %dma_start3A_76 = arith.constant 0 : i32
    %dma_start3A_77 = tpu.memref_slice %arg2[%dma_start3A_75, %dma_start3A_76] : memref<10000x128xf32, #tpu.memory_space<hbm>> -> memref<10000x128xf32, #tpu.memory_space<hbm>>
    tpu.enqueue_indirect_dma source(%dma_start3A_77 : memref<10000x128xf32, #tpu.memory_space<hbm>>) target(%dma_start3A_71 : memref<80x128xf32, #tpu.memory_space<vmem>>) offsets(%dma_start3A_74 : memref<80xi32, #tpu.memory_space<vmem>>) semaphore(%arg9 : memref<!tpu.dma_semaphore, #tpu.memory_space<semaphore_mem>>)
    %dma_wait3A_78 = arith.constant 0 : i32
    %dma_wait3A_79 = arith.constant 1 : i32
    %dma_wait3A_80 = arith.constant 0 : i32
    %dma_wait3A_81 = arith.constant 0 : i32
    %dma_wait3A_82 = tpu.memref_slice %arg6[%dma_wait3A_79, %dma_wait3A_80, %dma_wait3A_81] : memref<8x2x80xi32, #tpu.memory_space<vmem>> -> memref<1x2x80xi32, #tpu.memory_space<vmem>>
    %dma_wait3A_83 = tpu.memref_squeeze %dma_wait3A_82 : memref<1x2x80xi32, #tpu.memory_space<vmem>> -> memref<2x80xi32, #tpu.memory_space<vmem>>
    %dma_wait3A_84 = arith.constant 0 : i32
    %dma_wait3A_85 = arith.constant 0 : i32
    %dma_wait3A_86 = tpu.memref_slice %arg3[%add3A, %dma_wait3A_78, %dma_wait3A_84, %dma_wait3A_85] : memref<32x125x2x80xi32, #tpu.memory_space<hbm>> -> memref<1x1x2x80xi32, #tpu.memory_space<hbm>>
    %dma_wait3A_87 = tpu.memref_squeeze %dma_wait3A_86 : memref<1x1x2x80xi32, #tpu.memory_space<hbm>> -> memref<2x80xi32, #tpu.memory_space<hbm>>
    %dma_wait3A_88 = arith.constant 0 : i32
    %dma_wait3A_89 = arith.constant 0 : i32
    %dma_wait3A_90 = tpu.memref_slice %arg6[%dma_wait3A_79, %dma_wait3A_88, %dma_wait3A_89] : memref<8x2x80xi32, #tpu.memory_space<vmem>> -> memref<1x2x80xi32, #tpu.memory_space<vmem>>
    %dma_wait3A_91 = tpu.memref_squeeze %dma_wait3A_90 : memref<1x2x80xi32, #tpu.memory_space<vmem>> -> memref<2x80xi32, #tpu.memory_space<vmem>>
    %dma_wait3A_92 = arith.constant 0 : i32
    %dma_wait3A_93 = arith.constant 0 : i32
    %dma_wait3A_94 = tpu.memref_slice %arg3[%add3A, %dma_wait3A_78, %dma_wait3A_92, %dma_wait3A_93] : memref<32x125x2x80xi32, #tpu.memory_space<hbm>> -> memref<1x1x2x80xi32, #tpu.memory_space<hbm>>
    %dma_wait3A_95 = tpu.memref_squeeze %dma_wait3A_94 : memref<1x1x2x80xi32, #tpu.memory_space<hbm>> -> memref<2x80xi32, #tpu.memory_space<hbm>>
    tpu.wait_dma2 semaphore(%arg14 : memref<!tpu.dma_semaphore, #tpu.memory_space<semaphore_mem>>) src(%dma_wait3A_95 : memref<2x80xi32, #tpu.memory_space<hbm>>) dst(%dma_wait3A_91 : memref<2x80xi32, #tpu.memory_space<vmem>>)
    %dma_start3A_96 = arith.constant 1 : i32
    %dma_start3A_97 = arith.constant 0 : i32
    %dma_start3A_98 = arith.constant 1 : i32
    %dma_start3A_99 = arith.constant 0 : i32
    %dma_start3A_100 = arith.constant 0 : i32
    %dma_start3A_101 = tpu.memref_slice %arg7[%dma_start3A_98, %dma_start3A_99, %dma_start3A_100] : memref<4x80x128xf32, #tpu.memory_space<vmem>> -> memref<1x80x128xf32, #tpu.memory_space<vmem>>
    %dma_start3A_102 = tpu.memref_squeeze %dma_start3A_101 : memref<1x80x128xf32, #tpu.memory_space<vmem>> -> memref<80x128xf32, #tpu.memory_space<vmem>>
    %dma_start3A_103 = arith.constant 0 : i32
    %dma_start3A_104 = tpu.memref_slice %arg6[%dma_start3A_96, %dma_start3A_97, %dma_start3A_103] : memref<8x2x80xi32, #tpu.memory_space<vmem>> -> memref<1x1x80xi32, #tpu.memory_space<vmem>>
    %dma_start3A_105 = tpu.memref_squeeze %dma_start3A_104 : memref<1x1x80xi32, #tpu.memory_space<vmem>> -> memref<80xi32, #tpu.memory_space<vmem>>
    %dma_start3A_106 = arith.constant 0 : i32
    %dma_start3A_107 = arith.constant 0 : i32
    %dma_start3A_108 = tpu.memref_slice %arg2[%dma_start3A_106, %dma_start3A_107] : memref<10000x128xf32, #tpu.memory_space<hbm>> -> memref<10000x128xf32, #tpu.memory_space<hbm>>
    tpu.enqueue_indirect_dma source(%dma_start3A_108 : memref<10000x128xf32, #tpu.memory_space<hbm>>) target(%dma_start3A_102 : memref<80x128xf32, #tpu.memory_space<vmem>>) offsets(%dma_start3A_105 : memref<80xi32, #tpu.memory_space<vmem>>) semaphore(%arg10 : memref<!tpu.dma_semaphore, #tpu.memory_space<semaphore_mem>>)
    %dma_start3A_109 = arith.constant 2 : i32
    %dma_start3A_110 = arith.constant 2 : i32
    %dma_start3A_111 = arith.constant 0 : i32
    %dma_start3A_112 = arith.constant 0 : i32
    %dma_start3A_113 = tpu.memref_slice %arg6[%dma_start3A_110, %dma_start3A_111, %dma_start3A_112] : memref<8x2x80xi32, #tpu.memory_space<vmem>> -> memref<1x2x80xi32, #tpu.memory_space<vmem>>
    %dma_start3A_114 = tpu.memref_squeeze %dma_start3A_113 : memref<1x2x80xi32, #tpu.memory_space<vmem>> -> memref<2x80xi32, #tpu.memory_space<vmem>>
    %dma_start3A_115 = arith.constant 0 : i32
    %dma_start3A_116 = arith.constant 0 : i32
    %dma_start3A_117 = tpu.memref_slice %arg3[%add3A, %dma_start3A_109, %dma_start3A_115, %dma_start3A_116] : memref<32x125x2x80xi32, #tpu.memory_space<hbm>> -> memref<1x1x2x80xi32, #tpu.memory_space<hbm>>
    %dma_start3A_118 = tpu.memref_squeeze %dma_start3A_117 : memref<1x1x2x80xi32, #tpu.memory_space<hbm>> -> memref<2x80xi32, #tpu.memory_space<hbm>>
    %dma_start3A_119 = arith.constant 0 : i32
    %dma_start3A_120 = arith.constant 0 : i32
    %dma_start3A_121 = tpu.memref_slice %arg6[%dma_start3A_110, %dma_start3A_119, %dma_start3A_120] : memref<8x2x80xi32, #tpu.memory_space<vmem>> -> memref<1x2x80xi32, #tpu.memory_space<vmem>>
    %dma_start3A_122 = tpu.memref_squeeze %dma_start3A_121 : memref<1x2x80xi32, #tpu.memory_space<vmem>> -> memref<2x80xi32, #tpu.memory_space<vmem>>
    %dma_start3A_123 = arith.constant 0 : i32
    %dma_start3A_124 = arith.constant 0 : i32
    %dma_start3A_125 = tpu.memref_slice %arg3[%add3A, %dma_start3A_109, %dma_start3A_123, %dma_start3A_124] : memref<32x125x2x80xi32, #tpu.memory_space<hbm>> -> memref<1x1x2x80xi32, #tpu.memory_space<hbm>>
    %dma_start3A_126 = tpu.memref_squeeze %dma_start3A_125 : memref<1x1x2x80xi32, #tpu.memory_space<hbm>> -> memref<2x80xi32, #tpu.memory_space<hbm>>
    tpu.enqueue_dma source(%dma_start3A_126 : memref<2x80xi32, #tpu.memory_space<hbm>>) target(%dma_start3A_122 : memref<2x80xi32, #tpu.memory_space<vmem>>) target_semaphore(%arg13 : memref<!tpu.dma_semaphore, #tpu.memory_space<semaphore_mem>>)
    %scan3A = arith.constant 0 : i32
    %scan3A_127 = arith.constant 0 : i32
    %scan3A_128 = arith.constant 125 : i32
    %scan3A_129 = arith.addi %scan3A_127, %scan3A_128 : i32
    %scan3A_130 = arith.constant 1 : i32
    scf.for %scan3A_173 = %scan3A_127 to %scan3A_129 step %scan3A_130  : i32 {
      %rem3A = arith.constant 2 : i32
      %rem3A_174 = arith.remsi %scan3A_173, %rem3A : i32
      %rem3A_175 = arith.constant 4 : i32
      %rem3A_176 = arith.remsi %scan3A_173, %rem3A_175 : i32
      %rem3A_177 = arith.constant 8 : i32
      %rem3A_178 = arith.remsi %scan3A_173, %rem3A_177 : i32
      %eq3A = arith.constant 0 : i32
      %eq3A_179 = arith.cmpi eq, %rem3A_174, %eq3A : i32
      %convert_element_type3A = arith.extui %eq3A_179 : i1 to i32
      %cond3A = arith.constant 0 : i32
      %cond3A_180 = arith.cmpi ne, %convert_element_type3A, %cond3A : i32
      scf.if %cond3A_180 {
        %dma_wait3A_213 = arith.constant 0 : i32
        %dma_wait3A_214 = arith.constant 0 : i32
        %dma_wait3A_215 = tpu.memref_slice %arg7[%rem3A_176, %dma_wait3A_213, %dma_wait3A_214] : memref<4x80x128xf32, #tpu.memory_space<vmem>> -> memref<1x80x128xf32, #tpu.memory_space<vmem>>
        %dma_wait3A_216 = tpu.memref_squeeze %dma_wait3A_215 : memref<1x80x128xf32, #tpu.memory_space<vmem>> -> memref<80x128xf32, #tpu.memory_space<vmem>>
        %dma_wait3A_217 = arith.constant 0 : i32
        %dma_wait3A_218 = arith.constant 0 : i32
        %dma_wait3A_219 = tpu.memref_slice %arg2[%dma_wait3A_217, %dma_wait3A_218] : memref<10000x128xf32, #tpu.memory_space<hbm>> -> memref<80x128xf32, #tpu.memory_space<hbm>>
        %dma_wait3A_220 = arith.constant 0 : i32
        %dma_wait3A_221 = arith.constant 0 : i32
        %dma_wait3A_222 = tpu.memref_slice %arg7[%rem3A_176, %dma_wait3A_220, %dma_wait3A_221] : memref<4x80x128xf32, #tpu.memory_space<vmem>> -> memref<1x80x128xf32, #tpu.memory_space<vmem>>
        %dma_wait3A_223 = tpu.memref_squeeze %dma_wait3A_222 : memref<1x80x128xf32, #tpu.memory_space<vmem>> -> memref<80x128xf32, #tpu.memory_space<vmem>>
        %dma_wait3A_224 = arith.constant 0 : i32
        %dma_wait3A_225 = arith.constant 0 : i32
        %dma_wait3A_226 = tpu.memref_slice %arg2[%dma_wait3A_224, %dma_wait3A_225] : memref<10000x128xf32, #tpu.memory_space<hbm>> -> memref<80x128xf32, #tpu.memory_space<hbm>>
        tpu.wait_dma2 semaphore(%arg9 : memref<!tpu.dma_semaphore, #tpu.memory_space<semaphore_mem>>) src(%dma_wait3A_226 : memref<80x128xf32, #tpu.memory_space<hbm>>) dst(%dma_wait3A_223 : memref<80x128xf32, #tpu.memory_space<vmem>>)
      } else {
      }
      %eq3A_181 = arith.constant 1 : i32
      %eq3A_182 = arith.cmpi eq, %rem3A_174, %eq3A_181 : i32
      %convert_element_type3A_183 = arith.extui %eq3A_182 : i1 to i32
      %cond3A_184 = arith.constant 0 : i32
      %cond3A_185 = arith.cmpi ne, %convert_element_type3A_183, %cond3A_184 : i32
      scf.if %cond3A_185 {
        %dma_wait3A_213 = arith.constant 0 : i32
        %dma_wait3A_214 = arith.constant 0 : i32
        %dma_wait3A_215 = tpu.memref_slice %arg7[%rem3A_176, %dma_wait3A_213, %dma_wait3A_214] : memref<4x80x128xf32, #tpu.memory_space<vmem>> -> memref<1x80x128xf32, #tpu.memory_space<vmem>>
        %dma_wait3A_216 = tpu.memref_squeeze %dma_wait3A_215 : memref<1x80x128xf32, #tpu.memory_space<vmem>> -> memref<80x128xf32, #tpu.memory_space<vmem>>
        %dma_wait3A_217 = arith.constant 0 : i32
        %dma_wait3A_218 = arith.constant 0 : i32
        %dma_wait3A_219 = tpu.memref_slice %arg2[%dma_wait3A_217, %dma_wait3A_218] : memref<10000x128xf32, #tpu.memory_space<hbm>> -> memref<80x128xf32, #tpu.memory_space<hbm>>
        %dma_wait3A_220 = arith.constant 0 : i32
        %dma_wait3A_221 = arith.constant 0 : i32
        %dma_wait3A_222 = tpu.memref_slice %arg7[%rem3A_176, %dma_wait3A_220, %dma_wait3A_221] : memref<4x80x128xf32, #tpu.memory_space<vmem>> -> memref<1x80x128xf32, #tpu.memory_space<vmem>>
        %dma_wait3A_223 = tpu.memref_squeeze %dma_wait3A_222 : memref<1x80x128xf32, #tpu.memory_space<vmem>> -> memref<80x128xf32, #tpu.memory_space<vmem>>
        %dma_wait3A_224 = arith.constant 0 : i32
        %dma_wait3A_225 = arith.constant 0 : i32
        %dma_wait3A_226 = tpu.memref_slice %arg2[%dma_wait3A_224, %dma_wait3A_225] : memref<10000x128xf32, #tpu.memory_space<hbm>> -> memref<80x128xf32, #tpu.memory_space<hbm>>
        tpu.wait_dma2 semaphore(%arg10 : memref<!tpu.dma_semaphore, #tpu.memory_space<semaphore_mem>>) src(%dma_wait3A_226 : memref<80x128xf32, #tpu.memory_space<hbm>>) dst(%dma_wait3A_223 : memref<80x128xf32, #tpu.memory_space<vmem>>)
      } else {
      }
      %ge3A = arith.constant 2 : i32
      %ge3A_186 = arith.cmpi sge, %scan3A_173, %ge3A : i32
      %convert_element_type3A_187 = arith.extui %ge3A_186 : i1 to i32
      %cond3A_188 = arith.constant 0 : i32
      %cond3A_189 = arith.cmpi ne, %convert_element_type3A_187, %cond3A_188 : i32
      scf.if %cond3A_189 {
        %eq3A_213 = arith.constant 0 : i32
        %eq3A_214 = arith.cmpi eq, %rem3A_174, %eq3A_213 : i32
        %convert_element_type3A_215 = arith.extui %eq3A_214 : i1 to i32
        %cond3A_216 = arith.constant 0 : i32
        %cond3A_217 = arith.cmpi ne, %convert_element_type3A_215, %cond3A_216 : i32
        scf.if %cond3A_217 {
          %dma_wait3A_223 = arith.constant 0 : i32
          %dma_wait3A_224 = arith.constant 0 : i32
          %dma_wait3A_225 = tpu.memref_slice %arg7[%rem3A_176, %dma_wait3A_223, %dma_wait3A_224] : memref<4x80x128xf32, #tpu.memory_space<vmem>> -> memref<1x80x128xf32, #tpu.memory_space<vmem>>
          %dma_wait3A_226 = tpu.memref_squeeze %dma_wait3A_225 : memref<1x80x128xf32, #tpu.memory_space<vmem>> -> memref<80x128xf32, #tpu.memory_space<vmem>>
          %dma_wait3A_227 = arith.constant 0 : i32
          %dma_wait3A_228 = arith.constant 0 : i32
          %dma_wait3A_229 = tpu.memref_slice %arg2[%dma_wait3A_227, %dma_wait3A_228] : memref<10000x128xf32, #tpu.memory_space<hbm>> -> memref<80x128xf32, #tpu.memory_space<hbm>>
          %dma_wait3A_230 = arith.constant 0 : i32
          %dma_wait3A_231 = arith.constant 0 : i32
          %dma_wait3A_232 = tpu.memref_slice %arg7[%rem3A_176, %dma_wait3A_230, %dma_wait3A_231] : memref<4x80x128xf32, #tpu.memory_space<vmem>> -> memref<1x80x128xf32, #tpu.memory_space<vmem>>
          %dma_wait3A_233 = tpu.memref_squeeze %dma_wait3A_232 : memref<1x80x128xf32, #tpu.memory_space<vmem>> -> memref<80x128xf32, #tpu.memory_space<vmem>>
          %dma_wait3A_234 = arith.constant 0 : i32
          %dma_wait3A_235 = arith.constant 0 : i32
          %dma_wait3A_236 = tpu.memref_slice %arg2[%dma_wait3A_234, %dma_wait3A_235] : memref<10000x128xf32, #tpu.memory_space<hbm>> -> memref<80x128xf32, #tpu.memory_space<hbm>>
          tpu.wait_dma2 semaphore(%arg11 : memref<!tpu.dma_semaphore, #tpu.memory_space<semaphore_mem>>) src(%dma_wait3A_236 : memref<80x128xf32, #tpu.memory_space<hbm>>) dst(%dma_wait3A_233 : memref<80x128xf32, #tpu.memory_space<vmem>>)
        } else {
        }
        %eq3A_218 = arith.constant 1 : i32
        %eq3A_219 = arith.cmpi eq, %rem3A_174, %eq3A_218 : i32
        %convert_element_type3A_220 = arith.extui %eq3A_219 : i1 to i32
        %cond3A_221 = arith.constant 0 : i32
        %cond3A_222 = arith.cmpi ne, %convert_element_type3A_220, %cond3A_221 : i32
        scf.if %cond3A_222 {
          %dma_wait3A_223 = arith.constant 0 : i32
          %dma_wait3A_224 = arith.constant 0 : i32
          %dma_wait3A_225 = tpu.memref_slice %arg7[%rem3A_176, %dma_wait3A_223, %dma_wait3A_224] : memref<4x80x128xf32, #tpu.memory_space<vmem>> -> memref<1x80x128xf32, #tpu.memory_space<vmem>>
          %dma_wait3A_226 = tpu.memref_squeeze %dma_wait3A_225 : memref<1x80x128xf32, #tpu.memory_space<vmem>> -> memref<80x128xf32, #tpu.memory_space<vmem>>
          %dma_wait3A_227 = arith.constant 0 : i32
          %dma_wait3A_228 = arith.constant 0 : i32
          %dma_wait3A_229 = tpu.memref_slice %arg2[%dma_wait3A_227, %dma_wait3A_228] : memref<10000x128xf32, #tpu.memory_space<hbm>> -> memref<80x128xf32, #tpu.memory_space<hbm>>
          %dma_wait3A_230 = arith.constant 0 : i32
          %dma_wait3A_231 = arith.constant 0 : i32
          %dma_wait3A_232 = tpu.memref_slice %arg7[%rem3A_176, %dma_wait3A_230, %dma_wait3A_231] : memref<4x80x128xf32, #tpu.memory_space<vmem>> -> memref<1x80x128xf32, #tpu.memory_space<vmem>>
          %dma_wait3A_233 = tpu.memref_squeeze %dma_wait3A_232 : memref<1x80x128xf32, #tpu.memory_space<vmem>> -> memref<80x128xf32, #tpu.memory_space<vmem>>
          %dma_wait3A_234 = arith.constant 0 : i32
          %dma_wait3A_235 = arith.constant 0 : i32
          %dma_wait3A_236 = tpu.memref_slice %arg2[%dma_wait3A_234, %dma_wait3A_235] : memref<10000x128xf32, #tpu.memory_space<hbm>> -> memref<80x128xf32, #tpu.memory_space<hbm>>
          tpu.wait_dma2 semaphore(%arg12 : memref<!tpu.dma_semaphore, #tpu.memory_space<semaphore_mem>>) src(%dma_wait3A_236 : memref<80x128xf32, #tpu.memory_space<hbm>>) dst(%dma_wait3A_233 : memref<80x128xf32, #tpu.memory_space<vmem>>)
        } else {
        }
      } else {
      }
      %eq3A_190 = arith.constant 0 : i32
      %eq3A_191 = arith.cmpi eq, %rem3A_174, %eq3A_190 : i32
      %convert_element_type3A_192 = arith.extui %eq3A_191 : i1 to i32
      %cond3A_193 = arith.constant 0 : i32
      %cond3A_194 = arith.cmpi ne, %convert_element_type3A_192, %cond3A_193 : i32
      scf.if %cond3A_194 {
        %dma_start3A_213 = arith.constant 1 : i32
        %dma_start3A_214 = arith.constant 0 : i32
        %dma_start3A_215 = arith.constant 0 : i32
        %dma_start3A_216 = tpu.memref_slice %arg7[%rem3A_176, %dma_start3A_214, %dma_start3A_215] : memref<4x80x128xf32, #tpu.memory_space<vmem>> -> memref<1x80x128xf32, #tpu.memory_space<vmem>>
        %dma_start3A_217 = tpu.memref_squeeze %dma_start3A_216 : memref<1x80x128xf32, #tpu.memory_space<vmem>> -> memref<80x128xf32, #tpu.memory_space<vmem>>
        %dma_start3A_218 = arith.constant 0 : i32
        %dma_start3A_219 = tpu.memref_slice %arg6[%rem3A_178, %dma_start3A_213, %dma_start3A_218] : memref<8x2x80xi32, #tpu.memory_space<vmem>> -> memref<1x1x80xi32, #tpu.memory_space<vmem>>
        %dma_start3A_220 = tpu.memref_squeeze %dma_start3A_219 : memref<1x1x80xi32, #tpu.memory_space<vmem>> -> memref<80xi32, #tpu.memory_space<vmem>>
        %dma_start3A_221 = arith.constant 0 : i32
        %dma_start3A_222 = arith.constant 0 : i32
        %dma_start3A_223 = tpu.memref_slice %arg8[%dma_start3A_221, %dma_start3A_222] : memref<10240x128xf32, #tpu.memory_space<vmem_shared>> -> memref<10240x128xf32, #tpu.memory_space<vmem_shared>>
        tpu.enqueue_indirect_dma source(%dma_start3A_217 : memref<80x128xf32, #tpu.memory_space<vmem>>) target(%dma_start3A_223 : memref<10240x128xf32, #tpu.memory_space<vmem_shared>>) offsets(%dma_start3A_220 : memref<80xi32, #tpu.memory_space<vmem>>) semaphore(%arg11 : memref<!tpu.dma_semaphore, #tpu.memory_space<semaphore_mem>>) {add = true}
      } else {
      }
      %eq3A_195 = arith.constant 1 : i32
      %eq3A_196 = arith.cmpi eq, %rem3A_174, %eq3A_195 : i32
      %convert_element_type3A_197 = arith.extui %eq3A_196 : i1 to i32
      %cond3A_198 = arith.constant 0 : i32
      %cond3A_199 = arith.cmpi ne, %convert_element_type3A_197, %cond3A_198 : i32
      scf.if %cond3A_199 {
        %dma_start3A_213 = arith.constant 1 : i32
        %dma_start3A_214 = arith.constant 0 : i32
        %dma_start3A_215 = arith.constant 0 : i32
        %dma_start3A_216 = tpu.memref_slice %arg7[%rem3A_176, %dma_start3A_214, %dma_start3A_215] : memref<4x80x128xf32, #tpu.memory_space<vmem>> -> memref<1x80x128xf32, #tpu.memory_space<vmem>>
        %dma_start3A_217 = tpu.memref_squeeze %dma_start3A_216 : memref<1x80x128xf32, #tpu.memory_space<vmem>> -> memref<80x128xf32, #tpu.memory_space<vmem>>
        %dma_start3A_218 = arith.constant 0 : i32
        %dma_start3A_219 = tpu.memref_slice %arg6[%rem3A_178, %dma_start3A_213, %dma_start3A_218] : memref<8x2x80xi32, #tpu.memory_space<vmem>> -> memref<1x1x80xi32, #tpu.memory_space<vmem>>
        %dma_start3A_220 = tpu.memref_squeeze %dma_start3A_219 : memref<1x1x80xi32, #tpu.memory_space<vmem>> -> memref<80xi32, #tpu.memory_space<vmem>>
        %dma_start3A_221 = arith.constant 0 : i32
        %dma_start3A_222 = arith.constant 0 : i32
        %dma_start3A_223 = tpu.memref_slice %arg8[%dma_start3A_221, %dma_start3A_222] : memref<10240x128xf32, #tpu.memory_space<vmem_shared>> -> memref<10240x128xf32, #tpu.memory_space<vmem_shared>>
        tpu.enqueue_indirect_dma source(%dma_start3A_217 : memref<80x128xf32, #tpu.memory_space<vmem>>) target(%dma_start3A_223 : memref<10240x128xf32, #tpu.memory_space<vmem_shared>>) offsets(%dma_start3A_220 : memref<80xi32, #tpu.memory_space<vmem>>) semaphore(%arg12 : memref<!tpu.dma_semaphore, #tpu.memory_space<semaphore_mem>>) {add = true}
      } else {
      }
      %add3A_200 = arith.constant 2 : i32
      %add3A_201 = arith.addi %scan3A_173, %add3A_200 : i32
      %lt3A = arith.constant 125 : i32
      %lt3A_202 = arith.cmpi slt, %add3A_201, %lt3A : i32
      %convert_element_type3A_203 = arith.extui %lt3A_202 : i1 to i32
      %cond3A_204 = arith.constant 0 : i32
      %cond3A_205 = arith.cmpi ne, %convert_element_type3A_203, %cond3A_204 : i32
      scf.if %cond3A_205 {
        %add3A_213 = arith.constant 2 : i32
        %add3A_214 = arith.addi %scan3A_173, %add3A_213 : i32
        %rem3A_215 = arith.constant 8 : i32
        %rem3A_216 = arith.remsi %add3A_214, %rem3A_215 : i32
        %add3A_217 = arith.constant 2 : i32
        %add3A_218 = arith.addi %scan3A_173, %add3A_217 : i32
        %rem3A_219 = arith.constant 4 : i32
        %rem3A_220 = arith.remsi %add3A_218, %rem3A_219 : i32
        %eq3A_221 = arith.constant 0 : i32
        %eq3A_222 = arith.cmpi eq, %rem3A_174, %eq3A_221 : i32
        %convert_element_type3A_223 = arith.extui %eq3A_222 : i1 to i32
        %cond3A_224 = arith.constant 0 : i32
        %cond3A_225 = arith.cmpi ne, %convert_element_type3A_223, %cond3A_224 : i32
        scf.if %cond3A_225 {
          %dma_wait3A_241 = arith.constant 0 : i32
          %dma_wait3A_242 = arith.constant 0 : i32
          %dma_wait3A_243 = arith.constant 0 : i32
          %dma_wait3A_244 = tpu.memref_slice %arg6[%rem3A_216, %dma_wait3A_242, %dma_wait3A_243] : memref<8x2x80xi32, #tpu.memory_space<vmem>> -> memref<1x2x80xi32, #tpu.memory_space<vmem>>
          %dma_wait3A_245 = tpu.memref_squeeze %dma_wait3A_244 : memref<1x2x80xi32, #tpu.memory_space<vmem>> -> memref<2x80xi32, #tpu.memory_space<vmem>>
          %dma_wait3A_246 = arith.constant 0 : i32
          %dma_wait3A_247 = arith.constant 0 : i32
          %dma_wait3A_248 = tpu.memref_slice %arg3[%add3A, %dma_wait3A_241, %dma_wait3A_246, %dma_wait3A_247] : memref<32x125x2x80xi32, #tpu.memory_space<hbm>> -> memref<1x1x2x80xi32, #tpu.memory_space<hbm>>
          %dma_wait3A_249 = tpu.memref_squeeze %dma_wait3A_248 : memref<1x1x2x80xi32, #tpu.memory_space<hbm>> -> memref<2x80xi32, #tpu.memory_space<hbm>>
          %dma_wait3A_250 = arith.constant 0 : i32
          %dma_wait3A_251 = arith.constant 0 : i32
          %dma_wait3A_252 = tpu.memref_slice %arg6[%rem3A_216, %dma_wait3A_250, %dma_wait3A_251] : memref<8x2x80xi32, #tpu.memory_space<vmem>> -> memref<1x2x80xi32, #tpu.memory_space<vmem>>
          %dma_wait3A_253 = tpu.memref_squeeze %dma_wait3A_252 : memref<1x2x80xi32, #tpu.memory_space<vmem>> -> memref<2x80xi32, #tpu.memory_space<vmem>>
          %dma_wait3A_254 = arith.constant 0 : i32
          %dma_wait3A_255 = arith.constant 0 : i32
          %dma_wait3A_256 = tpu.memref_slice %arg3[%add3A, %dma_wait3A_241, %dma_wait3A_254, %dma_wait3A_255] : memref<32x125x2x80xi32, #tpu.memory_space<hbm>> -> memref<1x1x2x80xi32, #tpu.memory_space<hbm>>
          %dma_wait3A_257 = tpu.memref_squeeze %dma_wait3A_256 : memref<1x1x2x80xi32, #tpu.memory_space<hbm>> -> memref<2x80xi32, #tpu.memory_space<hbm>>
          tpu.wait_dma2 semaphore(%arg13 : memref<!tpu.dma_semaphore, #tpu.memory_space<semaphore_mem>>) src(%dma_wait3A_257 : memref<2x80xi32, #tpu.memory_space<hbm>>) dst(%dma_wait3A_253 : memref<2x80xi32, #tpu.memory_space<vmem>>)
        } else {
        }
        %eq3A_226 = arith.constant 1 : i32
        %eq3A_227 = arith.cmpi eq, %rem3A_174, %eq3A_226 : i32
        %convert_element_type3A_228 = arith.extui %eq3A_227 : i1 to i32
        %cond3A_229 = arith.constant 0 : i32
        %cond3A_230 = arith.cmpi ne, %convert_element_type3A_228, %cond3A_229 : i32
        scf.if %cond3A_230 {
          %dma_wait3A_241 = arith.constant 0 : i32
          %dma_wait3A_242 = arith.constant 0 : i32
          %dma_wait3A_243 = arith.constant 0 : i32
          %dma_wait3A_244 = tpu.memref_slice %arg6[%rem3A_216, %dma_wait3A_242, %dma_wait3A_243] : memref<8x2x80xi32, #tpu.memory_space<vmem>> -> memref<1x2x80xi32, #tpu.memory_space<vmem>>
          %dma_wait3A_245 = tpu.memref_squeeze %dma_wait3A_244 : memref<1x2x80xi32, #tpu.memory_space<vmem>> -> memref<2x80xi32, #tpu.memory_space<vmem>>
          %dma_wait3A_246 = arith.constant 0 : i32
          %dma_wait3A_247 = arith.constant 0 : i32
          %dma_wait3A_248 = tpu.memref_slice %arg3[%add3A, %dma_wait3A_241, %dma_wait3A_246, %dma_wait3A_247] : memref<32x125x2x80xi32, #tpu.memory_space<hbm>> -> memref<1x1x2x80xi32, #tpu.memory_space<hbm>>
          %dma_wait3A_249 = tpu.memref_squeeze %dma_wait3A_248 : memref<1x1x2x80xi32, #tpu.memory_space<hbm>> -> memref<2x80xi32, #tpu.memory_space<hbm>>
          %dma_wait3A_250 = arith.constant 0 : i32
          %dma_wait3A_251 = arith.constant 0 : i32
          %dma_wait3A_252 = tpu.memref_slice %arg6[%rem3A_216, %dma_wait3A_250, %dma_wait3A_251] : memref<8x2x80xi32, #tpu.memory_space<vmem>> -> memref<1x2x80xi32, #tpu.memory_space<vmem>>
          %dma_wait3A_253 = tpu.memref_squeeze %dma_wait3A_252 : memref<1x2x80xi32, #tpu.memory_space<vmem>> -> memref<2x80xi32, #tpu.memory_space<vmem>>
          %dma_wait3A_254 = arith.constant 0 : i32
          %dma_wait3A_255 = arith.constant 0 : i32
          %dma_wait3A_256 = tpu.memref_slice %arg3[%add3A, %dma_wait3A_241, %dma_wait3A_254, %dma_wait3A_255] : memref<32x125x2x80xi32, #tpu.memory_space<hbm>> -> memref<1x1x2x80xi32, #tpu.memory_space<hbm>>
          %dma_wait3A_257 = tpu.memref_squeeze %dma_wait3A_256 : memref<1x1x2x80xi32, #tpu.memory_space<hbm>> -> memref<2x80xi32, #tpu.memory_space<hbm>>
          tpu.wait_dma2 semaphore(%arg14 : memref<!tpu.dma_semaphore, #tpu.memory_space<semaphore_mem>>) src(%dma_wait3A_257 : memref<2x80xi32, #tpu.memory_space<hbm>>) dst(%dma_wait3A_253 : memref<2x80xi32, #tpu.memory_space<vmem>>)
        } else {
        }
        %eq3A_231 = arith.constant 0 : i32
        %eq3A_232 = arith.cmpi eq, %rem3A_174, %eq3A_231 : i32
        %convert_element_type3A_233 = arith.extui %eq3A_232 : i1 to i32
        %cond3A_234 = arith.constant 0 : i32
        %cond3A_235 = arith.cmpi ne, %convert_element_type3A_233, %cond3A_234 : i32
        scf.if %cond3A_235 {
          %dma_start3A_241 = arith.constant 0 : i32
          %dma_start3A_242 = arith.constant 0 : i32
          %dma_start3A_243 = arith.constant 0 : i32
          %dma_start3A_244 = tpu.memref_slice %arg7[%rem3A_220, %dma_start3A_242, %dma_start3A_243] : memref<4x80x128xf32, #tpu.memory_space<vmem>> -> memref<1x80x128xf32, #tpu.memory_space<vmem>>
          %dma_start3A_245 = tpu.memref_squeeze %dma_start3A_244 : memref<1x80x128xf32, #tpu.memory_space<vmem>> -> memref<80x128xf32, #tpu.memory_space<vmem>>
          %dma_start3A_246 = arith.constant 0 : i32
          %dma_start3A_247 = tpu.memref_slice %arg6[%rem3A_216, %dma_start3A_241, %dma_start3A_246] : memref<8x2x80xi32, #tpu.memory_space<vmem>> -> memref<1x1x80xi32, #tpu.memory_space<vmem>>
          %dma_start3A_248 = tpu.memref_squeeze %dma_start3A_247 : memref<1x1x80xi32, #tpu.memory_space<vmem>> -> memref<80xi32, #tpu.memory_space<vmem>>
          %dma_start3A_249 = arith.constant 0 : i32
          %dma_start3A_250 = arith.constant 0 : i32
          %dma_start3A_251 = tpu.memref_slice %arg2[%dma_start3A_249, %dma_start3A_250] : memref<10000x128xf32, #tpu.memory_space<hbm>> -> memref<10000x128xf32, #tpu.memory_space<hbm>>
          tpu.enqueue_indirect_dma source(%dma_start3A_251 : memref<10000x128xf32, #tpu.memory_space<hbm>>) target(%dma_start3A_245 : memref<80x128xf32, #tpu.memory_space<vmem>>) offsets(%dma_start3A_248 : memref<80xi32, #tpu.memory_space<vmem>>) semaphore(%arg9 : memref<!tpu.dma_semaphore, #tpu.memory_space<semaphore_mem>>)
        } else {
        }
        %eq3A_236 = arith.constant 1 : i32
        %eq3A_237 = arith.cmpi eq, %rem3A_174, %eq3A_236 : i32
        %convert_element_type3A_238 = arith.extui %eq3A_237 : i1 to i32
        %cond3A_239 = arith.constant 0 : i32
        %cond3A_240 = arith.cmpi ne, %convert_element_type3A_238, %cond3A_239 : i32
        scf.if %cond3A_240 {
          %dma_start3A_241 = arith.constant 0 : i32
          %dma_start3A_242 = arith.constant 0 : i32
          %dma_start3A_243 = arith.constant 0 : i32
          %dma_start3A_244 = tpu.memref_slice %arg7[%rem3A_220, %dma_start3A_242, %dma_start3A_243] : memref<4x80x128xf32, #tpu.memory_space<vmem>> -> memref<1x80x128xf32, #tpu.memory_space<vmem>>
          %dma_start3A_245 = tpu.memref_squeeze %dma_start3A_244 : memref<1x80x128xf32, #tpu.memory_space<vmem>> -> memref<80x128xf32, #tpu.memory_space<vmem>>
          %dma_start3A_246 = arith.constant 0 : i32
          %dma_start3A_247 = tpu.memref_slice %arg6[%rem3A_216, %dma_start3A_241, %dma_start3A_246] : memref<8x2x80xi32, #tpu.memory_space<vmem>> -> memref<1x1x80xi32, #tpu.memory_space<vmem>>
          %dma_start3A_248 = tpu.memref_squeeze %dma_start3A_247 : memref<1x1x80xi32, #tpu.memory_space<vmem>> -> memref<80xi32, #tpu.memory_space<vmem>>
          %dma_start3A_249 = arith.constant 0 : i32
          %dma_start3A_250 = arith.constant 0 : i32
          %dma_start3A_251 = tpu.memref_slice %arg2[%dma_start3A_249, %dma_start3A_250] : memref<10000x128xf32, #tpu.memory_space<hbm>> -> memref<10000x128xf32, #tpu.memory_space<hbm>>
          tpu.enqueue_indirect_dma source(%dma_start3A_251 : memref<10000x128xf32, #tpu.memory_space<hbm>>) target(%dma_start3A_245 : memref<80x128xf32, #tpu.memory_space<vmem>>) offsets(%dma_start3A_248 : memref<80xi32, #tpu.memory_space<vmem>>) semaphore(%arg10 : memref<!tpu.dma_semaphore, #tpu.memory_space<semaphore_mem>>)
        } else {
        }
      } else {
      }
      %add3A_206 = arith.constant 3 : i32
      %add3A_207 = arith.addi %scan3A_173, %add3A_206 : i32
      %lt3A_208 = arith.constant 125 : i32
      %lt3A_209 = arith.cmpi slt, %add3A_207, %lt3A_208 : i32
      %convert_element_type3A_210 = arith.extui %lt3A_209 : i1 to i32
      %cond3A_211 = arith.constant 0 : i32
      %cond3A_212 = arith.cmpi ne, %convert_element_type3A_210, %cond3A_211 : i32
      scf.if %cond3A_212 {
        %add3A_213 = arith.constant 3 : i32
        %add3A_214 = arith.addi %scan3A_173, %add3A_213 : i32
        %rem3A_215 = arith.constant 8 : i32
        %rem3A_216 = arith.remsi %add3A_214, %rem3A_215 : i32
        %eq3A_217 = arith.constant 0 : i32
        %eq3A_218 = arith.cmpi eq, %rem3A_174, %eq3A_217 : i32
        %convert_element_type3A_219 = arith.extui %eq3A_218 : i1 to i32
        %cond3A_220 = arith.constant 0 : i32
        %cond3A_221 = arith.cmpi ne, %convert_element_type3A_219, %cond3A_220 : i32
        scf.if %cond3A_221 {
          %add3A_227 = arith.constant 3 : i32
          %add3A_228 = arith.addi %scan3A_173, %add3A_227 : i32
          %dma_start3A_229 = arith.constant 0 : i32
          %dma_start3A_230 = arith.constant 0 : i32
          %dma_start3A_231 = tpu.memref_slice %arg6[%rem3A_216, %dma_start3A_229, %dma_start3A_230] : memref<8x2x80xi32, #tpu.memory_space<vmem>> -> memref<1x2x80xi32, #tpu.memory_space<vmem>>
          %dma_start3A_232 = tpu.memref_squeeze %dma_start3A_231 : memref<1x2x80xi32, #tpu.memory_space<vmem>> -> memref<2x80xi32, #tpu.memory_space<vmem>>
          %dma_start3A_233 = arith.constant 0 : i32
          %dma_start3A_234 = arith.constant 0 : i32
          %dma_start3A_235 = tpu.memref_slice %arg3[%add3A, %add3A_228, %dma_start3A_233, %dma_start3A_234] : memref<32x125x2x80xi32, #tpu.memory_space<hbm>> -> memref<1x1x2x80xi32, #tpu.memory_space<hbm>>
          %dma_start3A_236 = tpu.memref_squeeze %dma_start3A_235 : memref<1x1x2x80xi32, #tpu.memory_space<hbm>> -> memref<2x80xi32, #tpu.memory_space<hbm>>
          %dma_start3A_237 = arith.constant 0 : i32
          %dma_start3A_238 = arith.constant 0 : i32
          %dma_start3A_239 = tpu.memref_slice %arg6[%rem3A_216, %dma_start3A_237, %dma_start3A_238] : memref<8x2x80xi32, #tpu.memory_space<vmem>> -> memref<1x2x80xi32, #tpu.memory_space<vmem>>
          %dma_start3A_240 = tpu.memref_squeeze %dma_start3A_239 : memref<1x2x80xi32, #tpu.memory_space<vmem>> -> memref<2x80xi32, #tpu.memory_space<vmem>>
          %dma_start3A_241 = arith.constant 0 : i32
          %dma_start3A_242 = arith.constant 0 : i32
          %dma_start3A_243 = tpu.memref_slice %arg3[%add3A, %add3A_228, %dma_start3A_241, %dma_start3A_242] : memref<32x125x2x80xi32, #tpu.memory_space<hbm>> -> memref<1x1x2x80xi32, #tpu.memory_space<hbm>>
          %dma_start3A_244 = tpu.memref_squeeze %dma_start3A_243 : memref<1x1x2x80xi32, #tpu.memory_space<hbm>> -> memref<2x80xi32, #tpu.memory_space<hbm>>
          tpu.enqueue_dma source(%dma_start3A_244 : memref<2x80xi32, #tpu.memory_space<hbm>>) target(%dma_start3A_240 : memref<2x80xi32, #tpu.memory_space<vmem>>) target_semaphore(%arg14 : memref<!tpu.dma_semaphore, #tpu.memory_space<semaphore_mem>>)
        } else {
        }
        %eq3A_222 = arith.constant 1 : i32
        %eq3A_223 = arith.cmpi eq, %rem3A_174, %eq3A_222 : i32
        %convert_element_type3A_224 = arith.extui %eq3A_223 : i1 to i32
        %cond3A_225 = arith.constant 0 : i32
        %cond3A_226 = arith.cmpi ne, %convert_element_type3A_224, %cond3A_225 : i32
        scf.if %cond3A_226 {
          %add3A_227 = arith.constant 3 : i32
          %add3A_228 = arith.addi %scan3A_173, %add3A_227 : i32
          %dma_start3A_229 = arith.constant 0 : i32
          %dma_start3A_230 = arith.constant 0 : i32
          %dma_start3A_231 = tpu.memref_slice %arg6[%rem3A_216, %dma_start3A_229, %dma_start3A_230] : memref<8x2x80xi32, #tpu.memory_space<vmem>> -> memref<1x2x80xi32, #tpu.memory_space<vmem>>
          %dma_start3A_232 = tpu.memref_squeeze %dma_start3A_231 : memref<1x2x80xi32, #tpu.memory_space<vmem>> -> memref<2x80xi32, #tpu.memory_space<vmem>>
          %dma_start3A_233 = arith.constant 0 : i32
          %dma_start3A_234 = arith.constant 0 : i32
          %dma_start3A_235 = tpu.memref_slice %arg3[%add3A, %add3A_228, %dma_start3A_233, %dma_start3A_234] : memref<32x125x2x80xi32, #tpu.memory_space<hbm>> -> memref<1x1x2x80xi32, #tpu.memory_space<hbm>>
          %dma_start3A_236 = tpu.memref_squeeze %dma_start3A_235 : memref<1x1x2x80xi32, #tpu.memory_space<hbm>> -> memref<2x80xi32, #tpu.memory_space<hbm>>
          %dma_start3A_237 = arith.constant 0 : i32
          %dma_start3A_238 = arith.constant 0 : i32
          %dma_start3A_239 = tpu.memref_slice %arg6[%rem3A_216, %dma_start3A_237, %dma_start3A_238] : memref<8x2x80xi32, #tpu.memory_space<vmem>> -> memref<1x2x80xi32, #tpu.memory_space<vmem>>
          %dma_start3A_240 = tpu.memref_squeeze %dma_start3A_239 : memref<1x2x80xi32, #tpu.memory_space<vmem>> -> memref<2x80xi32, #tpu.memory_space<vmem>>
          %dma_start3A_241 = arith.constant 0 : i32
          %dma_start3A_242 = arith.constant 0 : i32
          %dma_start3A_243 = tpu.memref_slice %arg3[%add3A, %add3A_228, %dma_start3A_241, %dma_start3A_242] : memref<32x125x2x80xi32, #tpu.memory_space<hbm>> -> memref<1x1x2x80xi32, #tpu.memory_space<hbm>>
          %dma_start3A_244 = tpu.memref_squeeze %dma_start3A_243 : memref<1x1x2x80xi32, #tpu.memory_space<hbm>> -> memref<2x80xi32, #tpu.memory_space<hbm>>
          tpu.enqueue_dma source(%dma_start3A_244 : memref<2x80xi32, #tpu.memory_space<hbm>>) target(%dma_start3A_240 : memref<2x80xi32, #tpu.memory_space<vmem>>) target_semaphore(%arg13 : memref<!tpu.dma_semaphore, #tpu.memory_space<semaphore_mem>>)
        } else {
        }
      } else {
      }
    }
    %scan3A_131 = arith.constant 125 : i32
    %dma_wait3A_132 = arith.constant 0 : i32
    %dma_wait3A_133 = arith.constant 0 : i32
    %dma_wait3A_134 = arith.constant 0 : i32
    %dma_wait3A_135 = tpu.memref_slice %arg7[%dma_wait3A_132, %dma_wait3A_133, %dma_wait3A_134] : memref<4x80x128xf32, #tpu.memory_space<vmem>> -> memref<1x80x128xf32, #tpu.memory_space<vmem>>
    %dma_wait3A_136 = tpu.memref_squeeze %dma_wait3A_135 : memref<1x80x128xf32, #tpu.memory_space<vmem>> -> memref<80x128xf32, #tpu.memory_space<vmem>>
    %dma_wait3A_137 = arith.constant 0 : i32
    %dma_wait3A_138 = arith.constant 0 : i32
    %dma_wait3A_139 = tpu.memref_slice %arg2[%dma_wait3A_137, %dma_wait3A_138] : memref<10000x128xf32, #tpu.memory_space<hbm>> -> memref<80x128xf32, #tpu.memory_space<hbm>>
    %dma_wait3A_140 = arith.constant 0 : i32
    %dma_wait3A_141 = arith.constant 0 : i32
    %dma_wait3A_142 = tpu.memref_slice %arg7[%dma_wait3A_132, %dma_wait3A_140, %dma_wait3A_141] : memref<4x80x128xf32, #tpu.memory_space<vmem>> -> memref<1x80x128xf32, #tpu.memory_space<vmem>>
    %dma_wait3A_143 = tpu.memref_squeeze %dma_wait3A_142 : memref<1x80x128xf32, #tpu.memory_space<vmem>> -> memref<80x128xf32, #tpu.memory_space<vmem>>
    %dma_wait3A_144 = arith.constant 0 : i32
    %dma_wait3A_145 = arith.constant 0 : i32
    %dma_wait3A_146 = tpu.memref_slice %arg2[%dma_wait3A_144, %dma_wait3A_145] : memref<10000x128xf32, #tpu.memory_space<hbm>> -> memref<80x128xf32, #tpu.memory_space<hbm>>
    tpu.wait_dma2 semaphore(%arg12 : memref<!tpu.dma_semaphore, #tpu.memory_space<semaphore_mem>>) src(%dma_wait3A_146 : memref<80x128xf32, #tpu.memory_space<hbm>>) dst(%dma_wait3A_143 : memref<80x128xf32, #tpu.memory_space<vmem>>)
    %dma_wait3A_147 = arith.constant 0 : i32
    %dma_wait3A_148 = arith.constant 0 : i32
    %dma_wait3A_149 = arith.constant 0 : i32
    %dma_wait3A_150 = tpu.memref_slice %arg7[%dma_wait3A_147, %dma_wait3A_148, %dma_wait3A_149] : memref<4x80x128xf32, #tpu.memory_space<vmem>> -> memref<1x80x128xf32, #tpu.memory_space<vmem>>
    %dma_wait3A_151 = tpu.memref_squeeze %dma_wait3A_150 : memref<1x80x128xf32, #tpu.memory_space<vmem>> -> memref<80x128xf32, #tpu.memory_space<vmem>>
    %dma_wait3A_152 = arith.constant 0 : i32
    %dma_wait3A_153 = arith.constant 0 : i32
    %dma_wait3A_154 = tpu.memref_slice %arg2[%dma_wait3A_152, %dma_wait3A_153] : memref<10000x128xf32, #tpu.memory_space<hbm>> -> memref<80x128xf32, #tpu.memory_space<hbm>>
    %dma_wait3A_155 = arith.constant 0 : i32
    %dma_wait3A_156 = arith.constant 0 : i32
    %dma_wait3A_157 = tpu.memref_slice %arg7[%dma_wait3A_147, %dma_wait3A_155, %dma_wait3A_156] : memref<4x80x128xf32, #tpu.memory_space<vmem>> -> memref<1x80x128xf32, #tpu.memory_space<vmem>>
    %dma_wait3A_158 = tpu.memref_squeeze %dma_wait3A_157 : memref<1x80x128xf32, #tpu.memory_space<vmem>> -> memref<80x128xf32, #tpu.memory_space<vmem>>
    %dma_wait3A_159 = arith.constant 0 : i32
    %dma_wait3A_160 = arith.constant 0 : i32
    %dma_wait3A_161 = tpu.memref_slice %arg2[%dma_wait3A_159, %dma_wait3A_160] : memref<10000x128xf32, #tpu.memory_space<hbm>> -> memref<80x128xf32, #tpu.memory_space<hbm>>
    tpu.wait_dma2 semaphore(%arg11 : memref<!tpu.dma_semaphore, #tpu.memory_space<semaphore_mem>>) src(%dma_wait3A_161 : memref<80x128xf32, #tpu.memory_space<hbm>>) dst(%dma_wait3A_158 : memref<80x128xf32, #tpu.memory_space<vmem>>)
    %barrier3A_162 = arith.constant 0 : index
    tpu.barrier barrier_id(%barrier3A_162)
    %add3A_163 = arith.constant 0 : i32
    %add3A_164 = arith.addi %mul3A_2, %add3A_163 : i32
    "tpu.region"() ({
      %run_scoped3A = tpu.sem_alloc : memref<!tpu.dma_semaphore, #tpu.memory_space<semaphore_mem>>
      %dma_start3A_173 = arith.constant 0 : i32
      %dma_start3A_174 = tpu.memref_slice %arg5[%arg0, %add3A_164, %dma_start3A_173] : memref<2x10240x128xf32, #tpu.memory_space<hbm>> -> memref<1x128x128xf32, #tpu.memory_space<hbm>>
      %dma_start3A_175 = tpu.memref_squeeze %dma_start3A_174 : memref<1x128x128xf32, #tpu.memory_space<hbm>> -> memref<128x128xf32, #tpu.memory_space<hbm>>
      %dma_start3A_176 = arith.constant 0 : i32
      %dma_start3A_177 = tpu.memref_slice %arg8[%add3A_164, %dma_start3A_176] : memref<10240x128xf32, #tpu.memory_space<vmem_shared>> -> memref<128x128xf32, #tpu.memory_space<vmem_shared>>
      tpu.enqueue_dma source(%dma_start3A_177 : memref<128x128xf32, #tpu.memory_space<vmem_shared>>) target(%dma_start3A_175 : memref<128x128xf32, #tpu.memory_space<hbm>>) target_semaphore(%run_scoped3A : memref<!tpu.dma_semaphore, #tpu.memory_space<semaphore_mem>>)
      %dma_wait3A_178 = arith.constant 0 : i32
      %dma_wait3A_179 = tpu.memref_slice %arg5[%arg0, %add3A_164, %dma_wait3A_178] : memref<2x10240x128xf32, #tpu.memory_space<hbm>> -> memref<1x128x128xf32, #tpu.memory_space<hbm>>
      %dma_wait3A_180 = tpu.memref_squeeze %dma_wait3A_179 : memref<1x128x128xf32, #tpu.memory_space<hbm>> -> memref<128x128xf32, #tpu.memory_space<hbm>>
      %dma_wait3A_181 = arith.constant 0 : i32
      %dma_wait3A_182 = tpu.memref_slice %arg8[%add3A_164, %dma_wait3A_181] : memref<10240x128xf32, #tpu.memory_space<vmem_shared>> -> memref<128x128xf32, #tpu.memory_space<vmem_shared>>
      tpu.wait_dma2 semaphore(%run_scoped3A : memref<!tpu.dma_semaphore, #tpu.memory_space<semaphore_mem>>) src(%dma_wait3A_182 : memref<128x128xf32, #tpu.memory_space<vmem_shared>>) dst(%dma_wait3A_180 : memref<128x128xf32, #tpu.memory_space<hbm>>)
      tpu.yield
    }) : () -> ()
    %add3A_165 = arith.constant 128 : i32
    %add3A_166 = arith.addi %mul3A_2, %add3A_165 : i32
    "tpu.region"() ({
      %run_scoped3A = tpu.sem_alloc : memref<!tpu.dma_semaphore, #tpu.memory_space<semaphore_mem>>
      %dma_start3A_173 = arith.constant 0 : i32
      %dma_start3A_174 = tpu.memref_slice %arg5[%arg0, %add3A_166, %dma_start3A_173] : memref<2x10240x128xf32, #tpu.memory_space<hbm>> -> memref<1x128x128xf32, #tpu.memory_space<hbm>>
      %dma_start3A_175 = tpu.memref_squeeze %dma_start3A_174 : memref<1x128x128xf32, #tpu.memory_space<hbm>> -> memref<128x128xf32, #tpu.memory_space<hbm>>
      %dma_start3A_176 = arith.constant 0 : i32
      %dma_start3A_177 = tpu.memref_slice %arg8[%add3A_166, %dma_start3A_176] : memref<10240x128xf32, #tpu.memory_space<vmem_shared>> -> memref<128x128xf32, #tpu.memory_space<vmem_shared>>
      tpu.enqueue_dma source(%dma_start3A_177 : memref<128x128xf32, #tpu.memory_space<vmem_shared>>) target(%dma_start3A_175 : memref<128x128xf32, #tpu.memory_space<hbm>>) target_semaphore(%run_scoped3A : memref<!tpu.dma_semaphore, #tpu.memory_space<semaphore_mem>>)
      %dma_wait3A_178 = arith.constant 0 : i32
      %dma_wait3A_179 = tpu.memref_slice %arg5[%arg0, %add3A_166, %dma_wait3A_178] : memref<2x10240x128xf32, #tpu.memory_space<hbm>> -> memref<1x128x128xf32, #tpu.memory_space<hbm>>
      %dma_wait3A_180 = tpu.memref_squeeze %dma_wait3A_179 : memref<1x128x128xf32, #tpu.memory_space<hbm>> -> memref<128x128xf32, #tpu.memory_space<hbm>>
      %dma_wait3A_181 = arith.constant 0 : i32
      %dma_wait3A_182 = tpu.memref_slice %arg8[%add3A_166, %dma_wait3A_181] : memref<10240x128xf32, #tpu.memory_space<vmem_shared>> -> memref<128x128xf32, #tpu.memory_space<vmem_shared>>
      tpu.wait_dma2 semaphore(%run_scoped3A : memref<!tpu.dma_semaphore, #tpu.memory_space<semaphore_mem>>) src(%dma_wait3A_182 : memref<128x128xf32, #tpu.memory_space<vmem_shared>>) dst(%dma_wait3A_180 : memref<128x128xf32, #tpu.memory_space<hbm>>)
      tpu.yield
    }) : () -> ()
    %add3A_167 = arith.constant 256 : i32
    %add3A_168 = arith.addi %mul3A_2, %add3A_167 : i32
    "tpu.region"() ({
      %run_scoped3A = tpu.sem_alloc : memref<!tpu.dma_semaphore, #tpu.memory_space<semaphore_mem>>
      %dma_start3A_173 = arith.constant 0 : i32
      %dma_start3A_174 = tpu.memref_slice %arg5[%arg0, %add3A_168, %dma_start3A_173] : memref<2x10240x128xf32, #tpu.memory_space<hbm>> -> memref<1x128x128xf32, #tpu.memory_space<hbm>>
      %dma_start3A_175 = tpu.memref_squeeze %dma_start3A_174 : memref<1x128x128xf32, #tpu.memory_space<hbm>> -> memref<128x128xf32, #tpu.memory_space<hbm>>
      %dma_start3A_176 = arith.constant 0 : i32
      %dma_start3A_177 = tpu.memref_slice %arg8[%add3A_168, %dma_start3A_176] : memref<10240x128xf32, #tpu.memory_space<vmem_shared>> -> memref<128x128xf32, #tpu.memory_space<vmem_shared>>
      tpu.enqueue_dma source(%dma_start3A_177 : memref<128x128xf32, #tpu.memory_space<vmem_shared>>) target(%dma_start3A_175 : memref<128x128xf32, #tpu.memory_space<hbm>>) target_semaphore(%run_scoped3A : memref<!tpu.dma_semaphore, #tpu.memory_space<semaphore_mem>>)
      %dma_wait3A_178 = arith.constant 0 : i32
      %dma_wait3A_179 = tpu.memref_slice %arg5[%arg0, %add3A_168, %dma_wait3A_178] : memref<2x10240x128xf32, #tpu.memory_space<hbm>> -> memref<1x128x128xf32, #tpu.memory_space<hbm>>
      %dma_wait3A_180 = tpu.memref_squeeze %dma_wait3A_179 : memref<1x128x128xf32, #tpu.memory_space<hbm>> -> memref<128x128xf32, #tpu.memory_space<hbm>>
      %dma_wait3A_181 = arith.constant 0 : i32
      %dma_wait3A_182 = tpu.memref_slice %arg8[%add3A_168, %dma_wait3A_181] : memref<10240x128xf32, #tpu.memory_space<vmem_shared>> -> memref<128x128xf32, #tpu.memory_space<vmem_shared>>
      tpu.wait_dma2 semaphore(%run_scoped3A : memref<!tpu.dma_semaphore, #tpu.memory_space<semaphore_mem>>) src(%dma_wait3A_182 : memref<128x128xf32, #tpu.memory_space<vmem_shared>>) dst(%dma_wait3A_180 : memref<128x128xf32, #tpu.memory_space<hbm>>)
      tpu.yield
    }) : () -> ()
    %add3A_169 = arith.constant 384 : i32
    %add3A_170 = arith.addi %mul3A_2, %add3A_169 : i32
    "tpu.region"() ({
      %run_scoped3A = tpu.sem_alloc : memref<!tpu.dma_semaphore, #tpu.memory_space<semaphore_mem>>
      %dma_start3A_173 = arith.constant 0 : i32
      %dma_start3A_174 = tpu.memref_slice %arg5[%arg0, %add3A_170, %dma_start3A_173] : memref<2x10240x128xf32, #tpu.memory_space<hbm>> -> memref<1x128x128xf32, #tpu.memory_space<hbm>>
      %dma_start3A_175 = tpu.memref_squeeze %dma_start3A_174 : memref<1x128x128xf32, #tpu.memory_space<hbm>> -> memref<128x128xf32, #tpu.memory_space<hbm>>
      %dma_start3A_176 = arith.constant 0 : i32
      %dma_start3A_177 = tpu.memref_slice %arg8[%add3A_170, %dma_start3A_176] : memref<10240x128xf32, #tpu.memory_space<vmem_shared>> -> memref<128x128xf32, #tpu.memory_space<vmem_shared>>
      tpu.enqueue_dma source(%dma_start3A_177 : memref<128x128xf32, #tpu.memory_space<vmem_shared>>) target(%dma_start3A_175 : memref<128x128xf32, #tpu.memory_space<hbm>>) target_semaphore(%run_scoped3A : memref<!tpu.dma_semaphore, #tpu.memory_space<semaphore_mem>>)
      %dma_wait3A_178 = arith.constant 0 : i32
      %dma_wait3A_179 = tpu.memref_slice %arg5[%arg0, %add3A_170, %dma_wait3A_178] : memref<2x10240x128xf32, #tpu.memory_space<hbm>> -> memref<1x128x128xf32, #tpu.memory_space<hbm>>
      %dma_wait3A_180 = tpu.memref_squeeze %dma_wait3A_179 : memref<1x128x128xf32, #tpu.memory_space<hbm>> -> memref<128x128xf32, #tpu.memory_space<hbm>>
      %dma_wait3A_181 = arith.constant 0 : i32
      %dma_wait3A_182 = tpu.memref_slice %arg8[%add3A_170, %dma_wait3A_181] : memref<10240x128xf32, #tpu.memory_space<vmem_shared>> -> memref<128x128xf32, #tpu.memory_space<vmem_shared>>
      tpu.wait_dma2 semaphore(%run_scoped3A : memref<!tpu.dma_semaphore, #tpu.memory_space<semaphore_mem>>) src(%dma_wait3A_182 : memref<128x128xf32, #tpu.memory_space<vmem_shared>>) dst(%dma_wait3A_180 : memref<128x128xf32, #tpu.memory_space<hbm>>)
      tpu.yield
    }) : () -> ()
    %add3A_171 = arith.constant 512 : i32
    %add3A_172 = arith.addi %mul3A_2, %add3A_171 : i32
    "tpu.region"() ({
      %run_scoped3A = tpu.sem_alloc : memref<!tpu.dma_semaphore, #tpu.memory_space<semaphore_mem>>
      %dma_start3A_173 = arith.constant 0 : i32
      %dma_start3A_174 = tpu.memref_slice %arg5[%arg0, %add3A_172, %dma_start3A_173] : memref<2x10240x128xf32, #tpu.memory_space<hbm>> -> memref<1x128x128xf32, #tpu.memory_space<hbm>>
      %dma_start3A_175 = tpu.memref_squeeze %dma_start3A_174 : memref<1x128x128xf32, #tpu.memory_space<hbm>> -> memref<128x128xf32, #tpu.memory_space<hbm>>
      %dma_start3A_176 = arith.constant 0 : i32
      %dma_start3A_177 = tpu.memref_slice %arg8[%add3A_172, %dma_start3A_176] : memref<10240x128xf32, #tpu.memory_space<vmem_shared>> -> memref<128x128xf32, #tpu.memory_space<vmem_shared>>
      tpu.enqueue_dma source(%dma_start3A_177 : memref<128x128xf32, #tpu.memory_space<vmem_shared>>) target(%dma_start3A_175 : memref<128x128xf32, #tpu.memory_space<hbm>>) target_semaphore(%run_scoped3A : memref<!tpu.dma_semaphore, #tpu.memory_space<semaphore_mem>>)
      %dma_wait3A_178 = arith.constant 0 : i32
      %dma_wait3A_179 = tpu.memref_slice %arg5[%arg0, %add3A_172, %dma_wait3A_178] : memref<2x10240x128xf32, #tpu.memory_space<hbm>> -> memref<1x128x128xf32, #tpu.memory_space<hbm>>
      %dma_wait3A_180 = tpu.memref_squeeze %dma_wait3A_179 : memref<1x128x128xf32, #tpu.memory_space<hbm>> -> memref<128x128xf32, #tpu.memory_space<hbm>>
      %dma_wait3A_181 = arith.constant 0 : i32
      %dma_wait3A_182 = tpu.memref_slice %arg8[%add3A_172, %dma_wait3A_181] : memref<10240x128xf32, #tpu.memory_space<vmem_shared>> -> memref<128x128xf32, #tpu.memory_space<vmem_shared>>
      tpu.wait_dma2 semaphore(%run_scoped3A : memref<!tpu.dma_semaphore, #tpu.memory_space<semaphore_mem>>) src(%dma_wait3A_182 : memref<128x128xf32, #tpu.memory_space<vmem_shared>>) dst(%dma_wait3A_180 : memref<128x128xf32, #tpu.memory_space<hbm>>)
      tpu.yield
    }) : () -> ()
    return
  }
}

#map = affine_map<(d0, d1) -> (0, 0)>
#map1 = affine_map<(d0, d1) -> (0, 0, 0, 0)>
#map2 = affine_map<(d0, d1) -> (0, 0, 0)>
module attributes {stable_mosaic.version = 14 : i64} {
  func.func @agg_k(%arg0: i32, %arg1: i32, %arg2: memref<10000x128xf32, #tpu.memory_space<hbm>>, %arg3: memref<32x125x2x80xi32, #tpu.memory_space<hbm>>, %arg4: memref<128x128xf32, #tpu.memory_space<hbm>>, %arg5: memref<2x10240x128xf32, #tpu.memory_space<hbm>>, %arg6: memref<8x2x80xi32, #tpu.memory_space<vmem>>, %arg7: memref<4x80x128xf32, #tpu.memory_space<vmem>>, %arg8: memref<10240x128xf32, #tpu.memory_space<vmem_shared>>, %arg9: memref<!tpu.dma_semaphore, #tpu.memory_space<semaphore_mem>>, %arg10: memref<!tpu.dma_semaphore, #tpu.memory_space<semaphore_mem>>, %arg11: memref<!tpu.dma_semaphore, #tpu.memory_space<semaphore_mem>>, %arg12: memref<!tpu.dma_semaphore, #tpu.memory_space<semaphore_mem>>, %arg13: memref<!tpu.dma_semaphore, #tpu.memory_space<semaphore_mem>>, %arg14: memref<!tpu.dma_semaphore, #tpu.memory_space<semaphore_mem>>) attributes {dimension_semantics = [#tpu.dimension_semantics<core_parallel>, #tpu.dimension_semantics<subcore_parallel>], iteration_bounds = array<i64: 2, 16>, scalar_prefetch = 0 : i64, scratch_operands = 9 : i64, tpu.core_type = #tpu.core_type<sc_vector_subcore>, window_params = [{transform_indices = #map}, {transform_indices = #map1}, {transform_indices = #map}, {transform_indices = #map2}]} {
    %mul3A = arith.constant 2 : i32
    %mul3A_0 = arith.muli %arg1, %mul3A : i32
    %add3A = arith.addi %mul3A_0, %arg0 : i32
    %mul3A_1 = arith.constant 640 : i32
    %mul3A_2 = arith.muli %arg1, %mul3A_1 : i32
    %add3A_3 = arith.constant 0 : i32
    %add3A_4 = arith.addi %mul3A_2, %add3A_3 : i32
    "tpu.region"() ({
      %run_scoped3A = tpu.sem_alloc : memref<!tpu.dma_semaphore, #tpu.memory_space<semaphore_mem>>
      %dma_start3A_173 = arith.constant 0 : i32
      %dma_start3A_174 = tpu.memref_slice %arg8[%add3A_4, %dma_start3A_173] : memref<10240x128xf32, #tpu.memory_space<vmem_shared>> -> memref<128x128xf32, #tpu.memory_space<vmem_shared>>
      tpu.enqueue_dma source(%arg4 : memref<128x128xf32, #tpu.memory_space<hbm>>) target(%dma_start3A_174 : memref<128x128xf32, #tpu.memory_space<vmem_shared>>) target_semaphore(%run_scoped3A : memref<!tpu.dma_semaphore, #tpu.memory_space<semaphore_mem>>)
      %dma_wait3A_175 = arith.constant 0 : i32
      %dma_wait3A_176 = tpu.memref_slice %arg8[%add3A_4, %dma_wait3A_175] : memref<10240x128xf32, #tpu.memory_space<vmem_shared>> -> memref<128x128xf32, #tpu.memory_space<vmem_shared>>
      tpu.wait_dma2 semaphore(%run_scoped3A : memref<!tpu.dma_semaphore, #tpu.memory_space<semaphore_mem>>) src(%arg4 : memref<128x128xf32, #tpu.memory_space<hbm>>) dst(%dma_wait3A_176 : memref<128x128xf32, #tpu.memory_space<vmem_shared>>)
      tpu.yield
    }) : () -> ()
    %add3A_5 = arith.constant 128 : i32
    %add3A_6 = arith.addi %mul3A_2, %add3A_5 : i32
    "tpu.region"() ({
      %run_scoped3A = tpu.sem_alloc : memref<!tpu.dma_semaphore, #tpu.memory_space<semaphore_mem>>
      %dma_start3A_173 = arith.constant 0 : i32
      %dma_start3A_174 = tpu.memref_slice %arg8[%add3A_6, %dma_start3A_173] : memref<10240x128xf32, #tpu.memory_space<vmem_shared>> -> memref<128x128xf32, #tpu.memory_space<vmem_shared>>
      tpu.enqueue_dma source(%arg4 : memref<128x128xf32, #tpu.memory_space<hbm>>) target(%dma_start3A_174 : memref<128x128xf32, #tpu.memory_space<vmem_shared>>) target_semaphore(%run_scoped3A : memref<!tpu.dma_semaphore, #tpu.memory_space<semaphore_mem>>)
      %dma_wait3A_175 = arith.constant 0 : i32
      %dma_wait3A_176 = tpu.memref_slice %arg8[%add3A_6, %dma_wait3A_175] : memref<10240x128xf32, #tpu.memory_space<vmem_shared>> -> memref<128x128xf32, #tpu.memory_space<vmem_shared>>
      tpu.wait_dma2 semaphore(%run_scoped3A : memref<!tpu.dma_semaphore, #tpu.memory_space<semaphore_mem>>) src(%arg4 : memref<128x128xf32, #tpu.memory_space<hbm>>) dst(%dma_wait3A_176 : memref<128x128xf32, #tpu.memory_space<vmem_shared>>)
      tpu.yield
    }) : () -> ()
    %add3A_7 = arith.constant 256 : i32
    %add3A_8 = arith.addi %mul3A_2, %add3A_7 : i32
    "tpu.region"() ({
      %run_scoped3A = tpu.sem_alloc : memref<!tpu.dma_semaphore, #tpu.memory_space<semaphore_mem>>
      %dma_start3A_173 = arith.constant 0 : i32
      %dma_start3A_174 = tpu.memref_slice %arg8[%add3A_8, %dma_start3A_173] : memref<10240x128xf32, #tpu.memory_space<vmem_shared>> -> memref<128x128xf32, #tpu.memory_space<vmem_shared>>
      tpu.enqueue_dma source(%arg4 : memref<128x128xf32, #tpu.memory_space<hbm>>) target(%dma_start3A_174 : memref<128x128xf32, #tpu.memory_space<vmem_shared>>) target_semaphore(%run_scoped3A : memref<!tpu.dma_semaphore, #tpu.memory_space<semaphore_mem>>)
      %dma_wait3A_175 = arith.constant 0 : i32
      %dma_wait3A_176 = tpu.memref_slice %arg8[%add3A_8, %dma_wait3A_175] : memref<10240x128xf32, #tpu.memory_space<vmem_shared>> -> memref<128x128xf32, #tpu.memory_space<vmem_shared>>
      tpu.wait_dma2 semaphore(%run_scoped3A : memref<!tpu.dma_semaphore, #tpu.memory_space<semaphore_mem>>) src(%arg4 : memref<128x128xf32, #tpu.memory_space<hbm>>) dst(%dma_wait3A_176 : memref<128x128xf32, #tpu.memory_space<vmem_shared>>)
      tpu.yield
    }) : () -> ()
    %add3A_9 = arith.constant 384 : i32
    %add3A_10 = arith.addi %mul3A_2, %add3A_9 : i32
    "tpu.region"() ({
      %run_scoped3A = tpu.sem_alloc : memref<!tpu.dma_semaphore, #tpu.memory_space<semaphore_mem>>
      %dma_start3A_173 = arith.constant 0 : i32
      %dma_start3A_174 = tpu.memref_slice %arg8[%add3A_10, %dma_start3A_173] : memref<10240x128xf32, #tpu.memory_space<vmem_shared>> -> memref<128x128xf32, #tpu.memory_space<vmem_shared>>
      tpu.enqueue_dma source(%arg4 : memref<128x128xf32, #tpu.memory_space<hbm>>) target(%dma_start3A_174 : memref<128x128xf32, #tpu.memory_space<vmem_shared>>) target_semaphore(%run_scoped3A : memref<!tpu.dma_semaphore, #tpu.memory_space<semaphore_mem>>)
      %dma_wait3A_175 = arith.constant 0 : i32
      %dma_wait3A_176 = tpu.memref_slice %arg8[%add3A_10, %dma_wait3A_175] : memref<10240x128xf32, #tpu.memory_space<vmem_shared>> -> memref<128x128xf32, #tpu.memory_space<vmem_shared>>
      tpu.wait_dma2 semaphore(%run_scoped3A : memref<!tpu.dma_semaphore, #tpu.memory_space<semaphore_mem>>) src(%arg4 : memref<128x128xf32, #tpu.memory_space<hbm>>) dst(%dma_wait3A_176 : memref<128x128xf32, #tpu.memory_space<vmem_shared>>)
      tpu.yield
    }) : () -> ()
    %add3A_11 = arith.constant 512 : i32
    %add3A_12 = arith.addi %mul3A_2, %add3A_11 : i32
    "tpu.region"() ({
      %run_scoped3A = tpu.sem_alloc : memref<!tpu.dma_semaphore, #tpu.memory_space<semaphore_mem>>
      %dma_start3A_173 = arith.constant 0 : i32
      %dma_start3A_174 = tpu.memref_slice %arg8[%add3A_12, %dma_start3A_173] : memref<10240x128xf32, #tpu.memory_space<vmem_shared>> -> memref<128x128xf32, #tpu.memory_space<vmem_shared>>
      tpu.enqueue_dma source(%arg4 : memref<128x128xf32, #tpu.memory_space<hbm>>) target(%dma_start3A_174 : memref<128x128xf32, #tpu.memory_space<vmem_shared>>) target_semaphore(%run_scoped3A : memref<!tpu.dma_semaphore, #tpu.memory_space<semaphore_mem>>)
      %dma_wait3A_175 = arith.constant 0 : i32
      %dma_wait3A_176 = tpu.memref_slice %arg8[%add3A_12, %dma_wait3A_175] : memref<10240x128xf32, #tpu.memory_space<vmem_shared>> -> memref<128x128xf32, #tpu.memory_space<vmem_shared>>
      tpu.wait_dma2 semaphore(%run_scoped3A : memref<!tpu.dma_semaphore, #tpu.memory_space<semaphore_mem>>) src(%arg4 : memref<128x128xf32, #tpu.memory_space<hbm>>) dst(%dma_wait3A_176 : memref<128x128xf32, #tpu.memory_space<vmem_shared>>)
      tpu.yield
    }) : () -> ()
    %barrier3A = arith.constant 0 : index
    tpu.barrier barrier_id(%barrier3A)
    %dma_start3A = arith.constant 0 : i32
    %dma_start3A_13 = arith.constant 0 : i32
    %dma_start3A_14 = arith.constant 0 : i32
    %dma_start3A_15 = arith.constant 0 : i32
    %dma_start3A_16 = tpu.memref_slice %arg6[%dma_start3A_13, %dma_start3A_14, %dma_start3A_15] : memref<8x2x80xi32, #tpu.memory_space<vmem>> -> memref<1x2x80xi32, #tpu.memory_space<vmem>>
    %dma_start3A_17 = tpu.memref_squeeze %dma_start3A_16 : memref<1x2x80xi32, #tpu.memory_space<vmem>> -> memref<2x80xi32, #tpu.memory_space<vmem>>
    %dma_start3A_18 = arith.constant 0 : i32
    %dma_start3A_19 = arith.constant 0 : i32
    %dma_start3A_20 = tpu.memref_slice %arg3[%add3A, %dma_start3A, %dma_start3A_18, %dma_start3A_19] : memref<32x125x2x80xi32, #tpu.memory_space<hbm>> -> memref<1x1x2x80xi32, #tpu.memory_space<hbm>>
    %dma_start3A_21 = tpu.memref_squeeze %dma_start3A_20 : memref<1x1x2x80xi32, #tpu.memory_space<hbm>> -> memref<2x80xi32, #tpu.memory_space<hbm>>
    %dma_start3A_22 = arith.constant 0 : i32
    %dma_start3A_23 = arith.constant 0 : i32
    %dma_start3A_24 = tpu.memref_slice %arg6[%dma_start3A_13, %dma_start3A_22, %dma_start3A_23] : memref<8x2x80xi32, #tpu.memory_space<vmem>> -> memref<1x2x80xi32, #tpu.memory_space<vmem>>
    %dma_start3A_25 = tpu.memref_squeeze %dma_start3A_24 : memref<1x2x80xi32, #tpu.memory_space<vmem>> -> memref<2x80xi32, #tpu.memory_space<vmem>>
    %dma_start3A_26 = arith.constant 0 : i32
    %dma_start3A_27 = arith.constant 0 : i32
    %dma_start3A_28 = tpu.memref_slice %arg3[%add3A, %dma_start3A, %dma_start3A_26, %dma_start3A_27] : memref<32x125x2x80xi32, #tpu.memory_space<hbm>> -> memref<1x1x2x80xi32, #tpu.memory_space<hbm>>
    %dma_start3A_29 = tpu.memref_squeeze %dma_start3A_28 : memref<1x1x2x80xi32, #tpu.memory_space<hbm>> -> memref<2x80xi32, #tpu.memory_space<hbm>>
    tpu.enqueue_dma source(%dma_start3A_29 : memref<2x80xi32, #tpu.memory_space<hbm>>) target(%dma_start3A_25 : memref<2x80xi32, #tpu.memory_space<vmem>>) target_semaphore(%arg13 : memref<!tpu.dma_semaphore, #tpu.memory_space<semaphore_mem>>)
    %dma_start3A_30 = arith.constant 1 : i32
    %dma_start3A_31 = arith.constant 1 : i32
    %dma_start3A_32 = arith.constant 0 : i32
    %dma_start3A_33 = arith.constant 0 : i32
    %dma_start3A_34 = tpu.memref_slice %arg6[%dma_start3A_31, %dma_start3A_32, %dma_start3A_33] : memref<8x2x80xi32, #tpu.memory_space<vmem>> -> memref<1x2x80xi32, #tpu.memory_space<vmem>>
    %dma_start3A_35 = tpu.memref_squeeze %dma_start3A_34 : memref<1x2x80xi32, #tpu.memory_space<vmem>> -> memref<2x80xi32, #tpu.memory_space<vmem>>
    %dma_start3A_36 = arith.constant 0 : i32
    %dma_start3A_37 = arith.constant 0 : i32
    %dma_start3A_38 = tpu.memref_slice %arg3[%add3A, %dma_start3A_30, %dma_start3A_36, %dma_start3A_37] : memref<32x125x2x80xi32, #tpu.memory_space<hbm>> -> memref<1x1x2x80xi32, #tpu.memory_space<hbm>>
    %dma_start3A_39 = tpu.memref_squeeze %dma_start3A_38 : memref<1x1x2x80xi32, #tpu.memory_space<hbm>> -> memref<2x80xi32, #tpu.memory_space<hbm>>
    %dma_start3A_40 = arith.constant 0 : i32
    %dma_start3A_41 = arith.constant 0 : i32
    %dma_start3A_42 = tpu.memref_slice %arg6[%dma_start3A_31, %dma_start3A_40, %dma_start3A_41] : memref<8x2x80xi32, #tpu.memory_space<vmem>> -> memref<1x2x80xi32, #tpu.memory_space<vmem>>
    %dma_start3A_43 = tpu.memref_squeeze %dma_start3A_42 : memref<1x2x80xi32, #tpu.memory_space<vmem>> -> memref<2x80xi32, #tpu.memory_space<vmem>>
    %dma_start3A_44 = arith.constant 0 : i32
    %dma_start3A_45 = arith.constant 0 : i32
    %dma_start3A_46 = tpu.memref_slice %arg3[%add3A, %dma_start3A_30, %dma_start3A_44, %dma_start3A_45] : memref<32x125x2x80xi32, #tpu.memory_space<hbm>> -> memref<1x1x2x80xi32, #tpu.memory_space<hbm>>
    %dma_start3A_47 = tpu.memref_squeeze %dma_start3A_46 : memref<1x1x2x80xi32, #tpu.memory_space<hbm>> -> memref<2x80xi32, #tpu.memory_space<hbm>>
    tpu.enqueue_dma source(%dma_start3A_47 : memref<2x80xi32, #tpu.memory_space<hbm>>) target(%dma_start3A_43 : memref<2x80xi32, #tpu.memory_space<vmem>>) target_semaphore(%arg14 : memref<!tpu.dma_semaphore, #tpu.memory_space<semaphore_mem>>)
    %dma_wait3A = arith.constant 0 : i32
    %dma_wait3A_48 = arith.constant 0 : i32
    %dma_wait3A_49 = arith.constant 0 : i32
    %dma_wait3A_50 = arith.constant 0 : i32
    %dma_wait3A_51 = tpu.memref_slice %arg6[%dma_wait3A_48, %dma_wait3A_49, %dma_wait3A_50] : memref<8x2x80xi32, #tpu.memory_space<vmem>> -> memref<1x2x80xi32, #tpu.memory_space<vmem>>
    %dma_wait3A_52 = tpu.memref_squeeze %dma_wait3A_51 : memref<1x2x80xi32, #tpu.memory_space<vmem>> -> memref<2x80xi32, #tpu.memory_space<vmem>>
    %dma_wait3A_53 = arith.constant 0 : i32
    %dma_wait3A_54 = arith.constant 0 : i32
    %dma_wait3A_55 = tpu.memref_slice %arg3[%add3A, %dma_wait3A, %dma_wait3A_53, %dma_wait3A_54] : memref<32x125x2x80xi32, #tpu.memory_space<hbm>> -> memref<1x1x2x80xi32, #tpu.memory_space<hbm>>
    %dma_wait3A_56 = tpu.memref_squeeze %dma_wait3A_55 : memref<1x1x2x80xi32, #tpu.memory_space<hbm>> -> memref<2x80xi32, #tpu.memory_space<hbm>>
    %dma_wait3A_57 = arith.constant 0 : i32
    %dma_wait3A_58 = arith.constant 0 : i32
    %dma_wait3A_59 = tpu.memref_slice %arg6[%dma_wait3A_48, %dma_wait3A_57, %dma_wait3A_58] : memref<8x2x80xi32, #tpu.memory_space<vmem>> -> memref<1x2x80xi32, #tpu.memory_space<vmem>>
    %dma_wait3A_60 = tpu.memref_squeeze %dma_wait3A_59 : memref<1x2x80xi32, #tpu.memory_space<vmem>> -> memref<2x80xi32, #tpu.memory_space<vmem>>
    %dma_wait3A_61 = arith.constant 0 : i32
    %dma_wait3A_62 = arith.constant 0 : i32
    %dma_wait3A_63 = tpu.memref_slice %arg3[%add3A, %dma_wait3A, %dma_wait3A_61, %dma_wait3A_62] : memref<32x125x2x80xi32, #tpu.memory_space<hbm>> -> memref<1x1x2x80xi32, #tpu.memory_space<hbm>>
    %dma_wait3A_64 = tpu.memref_squeeze %dma_wait3A_63 : memref<1x1x2x80xi32, #tpu.memory_space<hbm>> -> memref<2x80xi32, #tpu.memory_space<hbm>>
    tpu.wait_dma2 semaphore(%arg13 : memref<!tpu.dma_semaphore, #tpu.memory_space<semaphore_mem>>) src(%dma_wait3A_64 : memref<2x80xi32, #tpu.memory_space<hbm>>) dst(%dma_wait3A_60 : memref<2x80xi32, #tpu.memory_space<vmem>>)
    %dma_start3A_65 = arith.constant 0 : i32
    %dma_start3A_66 = arith.constant 0 : i32
    %dma_start3A_67 = arith.constant 0 : i32
    %dma_start3A_68 = arith.constant 0 : i32
    %dma_start3A_69 = arith.constant 0 : i32
    %dma_start3A_70 = tpu.memref_slice %arg7[%dma_start3A_67, %dma_start3A_68, %dma_start3A_69] : memref<4x80x128xf32, #tpu.memory_space<vmem>> -> memref<1x80x128xf32, #tpu.memory_space<vmem>>
    %dma_start3A_71 = tpu.memref_squeeze %dma_start3A_70 : memref<1x80x128xf32, #tpu.memory_space<vmem>> -> memref<80x128xf32, #tpu.memory_space<vmem>>
    %dma_start3A_72 = arith.constant 0 : i32
    %dma_start3A_73 = tpu.memref_slice %arg6[%dma_start3A_65, %dma_start3A_66, %dma_start3A_72] : memref<8x2x80xi32, #tpu.memory_space<vmem>> -> memref<1x1x80xi32, #tpu.memory_space<vmem>>
    %dma_start3A_74 = tpu.memref_squeeze %dma_start3A_73 : memref<1x1x80xi32, #tpu.memory_space<vmem>> -> memref<80xi32, #tpu.memory_space<vmem>>
    %dma_start3A_75 = arith.constant 0 : i32
    %dma_start3A_76 = arith.constant 0 : i32
    %dma_start3A_77 = tpu.memref_slice %arg2[%dma_start3A_75, %dma_start3A_76] : memref<10000x128xf32, #tpu.memory_space<hbm>> -> memref<10000x128xf32, #tpu.memory_space<hbm>>
    tpu.enqueue_indirect_dma source(%dma_start3A_77 : memref<10000x128xf32, #tpu.memory_space<hbm>>) target(%dma_start3A_71 : memref<80x128xf32, #tpu.memory_space<vmem>>) offsets(%dma_start3A_74 : memref<80xi32, #tpu.memory_space<vmem>>) semaphore(%arg9 : memref<!tpu.dma_semaphore, #tpu.memory_space<semaphore_mem>>)
    %dma_wait3A_78 = arith.constant 0 : i32
    %dma_wait3A_79 = arith.constant 1 : i32
    %dma_wait3A_80 = arith.constant 0 : i32
    %dma_wait3A_81 = arith.constant 0 : i32
    %dma_wait3A_82 = tpu.memref_slice %arg6[%dma_wait3A_79, %dma_wait3A_80, %dma_wait3A_81] : memref<8x2x80xi32, #tpu.memory_space<vmem>> -> memref<1x2x80xi32, #tpu.memory_space<vmem>>
    %dma_wait3A_83 = tpu.memref_squeeze %dma_wait3A_82 : memref<1x2x80xi32, #tpu.memory_space<vmem>> -> memref<2x80xi32, #tpu.memory_space<vmem>>
    %dma_wait3A_84 = arith.constant 0 : i32
    %dma_wait3A_85 = arith.constant 0 : i32
    %dma_wait3A_86 = tpu.memref_slice %arg3[%add3A, %dma_wait3A_78, %dma_wait3A_84, %dma_wait3A_85] : memref<32x125x2x80xi32, #tpu.memory_space<hbm>> -> memref<1x1x2x80xi32, #tpu.memory_space<hbm>>
    %dma_wait3A_87 = tpu.memref_squeeze %dma_wait3A_86 : memref<1x1x2x80xi32, #tpu.memory_space<hbm>> -> memref<2x80xi32, #tpu.memory_space<hbm>>
    %dma_wait3A_88 = arith.constant 0 : i32
    %dma_wait3A_89 = arith.constant 0 : i32
    %dma_wait3A_90 = tpu.memref_slice %arg6[%dma_wait3A_79, %dma_wait3A_88, %dma_wait3A_89] : memref<8x2x80xi32, #tpu.memory_space<vmem>> -> memref<1x2x80xi32, #tpu.memory_space<vmem>>
    %dma_wait3A_91 = tpu.memref_squeeze %dma_wait3A_90 : memref<1x2x80xi32, #tpu.memory_space<vmem>> -> memref<2x80xi32, #tpu.memory_space<vmem>>
    %dma_wait3A_92 = arith.constant 0 : i32
    %dma_wait3A_93 = arith.constant 0 : i32
    %dma_wait3A_94 = tpu.memref_slice %arg3[%add3A, %dma_wait3A_78, %dma_wait3A_92, %dma_wait3A_93] : memref<32x125x2x80xi32, #tpu.memory_space<hbm>> -> memref<1x1x2x80xi32, #tpu.memory_space<hbm>>
    %dma_wait3A_95 = tpu.memref_squeeze %dma_wait3A_94 : memref<1x1x2x80xi32, #tpu.memory_space<hbm>> -> memref<2x80xi32, #tpu.memory_space<hbm>>
    tpu.wait_dma2 semaphore(%arg14 : memref<!tpu.dma_semaphore, #tpu.memory_space<semaphore_mem>>) src(%dma_wait3A_95 : memref<2x80xi32, #tpu.memory_space<hbm>>) dst(%dma_wait3A_91 : memref<2x80xi32, #tpu.memory_space<vmem>>)
    %dma_start3A_96 = arith.constant 1 : i32
    %dma_start3A_97 = arith.constant 0 : i32
    %dma_start3A_98 = arith.constant 1 : i32
    %dma_start3A_99 = arith.constant 0 : i32
    %dma_start3A_100 = arith.constant 0 : i32
    %dma_start3A_101 = tpu.memref_slice %arg7[%dma_start3A_98, %dma_start3A_99, %dma_start3A_100] : memref<4x80x128xf32, #tpu.memory_space<vmem>> -> memref<1x80x128xf32, #tpu.memory_space<vmem>>
    %dma_start3A_102 = tpu.memref_squeeze %dma_start3A_101 : memref<1x80x128xf32, #tpu.memory_space<vmem>> -> memref<80x128xf32, #tpu.memory_space<vmem>>
    %dma_start3A_103 = arith.constant 0 : i32
    %dma_start3A_104 = tpu.memref_slice %arg6[%dma_start3A_96, %dma_start3A_97, %dma_start3A_103] : memref<8x2x80xi32, #tpu.memory_space<vmem>> -> memref<1x1x80xi32, #tpu.memory_space<vmem>>
    %dma_start3A_105 = tpu.memref_squeeze %dma_start3A_104 : memref<1x1x80xi32, #tpu.memory_space<vmem>> -> memref<80xi32, #tpu.memory_space<vmem>>
    %dma_start3A_106 = arith.constant 0 : i32
    %dma_start3A_107 = arith.constant 0 : i32
    %dma_start3A_108 = tpu.memref_slice %arg2[%dma_start3A_106, %dma_start3A_107] : memref<10000x128xf32, #tpu.memory_space<hbm>> -> memref<10000x128xf32, #tpu.memory_space<hbm>>
    tpu.enqueue_indirect_dma source(%dma_start3A_108 : memref<10000x128xf32, #tpu.memory_space<hbm>>) target(%dma_start3A_102 : memref<80x128xf32, #tpu.memory_space<vmem>>) offsets(%dma_start3A_105 : memref<80xi32, #tpu.memory_space<vmem>>) semaphore(%arg10 : memref<!tpu.dma_semaphore, #tpu.memory_space<semaphore_mem>>)
    %dma_start3A_109 = arith.constant 2 : i32
    %dma_start3A_110 = arith.constant 2 : i32
    %dma_start3A_111 = arith.constant 0 : i32
    %dma_start3A_112 = arith.constant 0 : i32
    %dma_start3A_113 = tpu.memref_slice %arg6[%dma_start3A_110, %dma_start3A_111, %dma_start3A_112] : memref<8x2x80xi32, #tpu.memory_space<vmem>> -> memref<1x2x80xi32, #tpu.memory_space<vmem>>
    %dma_start3A_114 = tpu.memref_squeeze %dma_start3A_113 : memref<1x2x80xi32, #tpu.memory_space<vmem>> -> memref<2x80xi32, #tpu.memory_space<vmem>>
    %dma_start3A_115 = arith.constant 0 : i32
    %dma_start3A_116 = arith.constant 0 : i32
    %dma_start3A_117 = tpu.memref_slice %arg3[%add3A, %dma_start3A_109, %dma_start3A_115, %dma_start3A_116] : memref<32x125x2x80xi32, #tpu.memory_space<hbm>> -> memref<1x1x2x80xi32, #tpu.memory_space<hbm>>
    %dma_start3A_118 = tpu.memref_squeeze %dma_start3A_117 : memref<1x1x2x80xi32, #tpu.memory_space<hbm>> -> memref<2x80xi32, #tpu.memory_space<hbm>>
    %dma_start3A_119 = arith.constant 0 : i32
    %dma_start3A_120 = arith.constant 0 : i32
    %dma_start3A_121 = tpu.memref_slice %arg6[%dma_start3A_110, %dma_start3A_119, %dma_start3A_120] : memref<8x2x80xi32, #tpu.memory_space<vmem>> -> memref<1x2x80xi32, #tpu.memory_space<vmem>>
    %dma_start3A_122 = tpu.memref_squeeze %dma_start3A_121 : memref<1x2x80xi32, #tpu.memory_space<vmem>> -> memref<2x80xi32, #tpu.memory_space<vmem>>
    %dma_start3A_123 = arith.constant 0 : i32
    %dma_start3A_124 = arith.constant 0 : i32
    %dma_start3A_125 = tpu.memref_slice %arg3[%add3A, %dma_start3A_109, %dma_start3A_123, %dma_start3A_124] : memref<32x125x2x80xi32, #tpu.memory_space<hbm>> -> memref<1x1x2x80xi32, #tpu.memory_space<hbm>>
    %dma_start3A_126 = tpu.memref_squeeze %dma_start3A_125 : memref<1x1x2x80xi32, #tpu.memory_space<hbm>> -> memref<2x80xi32, #tpu.memory_space<hbm>>
    tpu.enqueue_dma source(%dma_start3A_126 : memref<2x80xi32, #tpu.memory_space<hbm>>) target(%dma_start3A_122 : memref<2x80xi32, #tpu.memory_space<vmem>>) target_semaphore(%arg13 : memref<!tpu.dma_semaphore, #tpu.memory_space<semaphore_mem>>)
    %scan3A = arith.constant 0 : i32
    %scan3A_127 = arith.constant 0 : i32
    %scan3A_128 = arith.constant 125 : i32
    %scan3A_129 = arith.addi %scan3A_127, %scan3A_128 : i32
    %scan3A_130 = arith.constant 1 : i32
    scf.for %scan3A_173 = %scan3A_127 to %scan3A_129 step %scan3A_130  : i32 {
      %rem3A = arith.constant 2 : i32
      %rem3A_174 = arith.remsi %scan3A_173, %rem3A : i32
      %rem3A_175 = arith.constant 4 : i32
      %rem3A_176 = arith.remsi %scan3A_173, %rem3A_175 : i32
      %rem3A_177 = arith.constant 8 : i32
      %rem3A_178 = arith.remsi %scan3A_173, %rem3A_177 : i32
      %eq3A = arith.constant 0 : i32
      %eq3A_179 = arith.cmpi eq, %rem3A_174, %eq3A : i32
      %convert_element_type3A = arith.extui %eq3A_179 : i1 to i32
      %cond3A = arith.constant 0 : i32
      %cond3A_180 = arith.cmpi ne, %convert_element_type3A, %cond3A : i32
      scf.if %cond3A_180 {
        %dma_wait3A_213 = arith.constant 0 : i32
        %dma_wait3A_214 = arith.constant 0 : i32
        %dma_wait3A_215 = tpu.memref_slice %arg7[%rem3A_176, %dma_wait3A_213, %dma_wait3A_214] : memref<4x80x128xf32, #tpu.memory_space<vmem>> -> memref<1x80x128xf32, #tpu.memory_space<vmem>>
        %dma_wait3A_216 = tpu.memref_squeeze %dma_wait3A_215 : memref<1x80x128xf32, #tpu.memory_space<vmem>> -> memref<80x128xf32, #tpu.memory_space<vmem>>
        %dma_wait3A_217 = arith.constant 0 : i32
        %dma_wait3A_218 = arith.constant 0 : i32
        %dma_wait3A_219 = tpu.memref_slice %arg2[%dma_wait3A_217, %dma_wait3A_218] : memref<10000x128xf32, #tpu.memory_space<hbm>> -> memref<80x128xf32, #tpu.memory_space<hbm>>
        %dma_wait3A_220 = arith.constant 0 : i32
        %dma_wait3A_221 = arith.constant 0 : i32
        %dma_wait3A_222 = tpu.memref_slice %arg7[%rem3A_176, %dma_wait3A_220, %dma_wait3A_221] : memref<4x80x128xf32, #tpu.memory_space<vmem>> -> memref<1x80x128xf32, #tpu.memory_space<vmem>>
        %dma_wait3A_223 = tpu.memref_squeeze %dma_wait3A_222 : memref<1x80x128xf32, #tpu.memory_space<vmem>> -> memref<80x128xf32, #tpu.memory_space<vmem>>
        %dma_wait3A_224 = arith.constant 0 : i32
        %dma_wait3A_225 = arith.constant 0 : i32
        %dma_wait3A_226 = tpu.memref_slice %arg2[%dma_wait3A_224, %dma_wait3A_225] : memref<10000x128xf32, #tpu.memory_space<hbm>> -> memref<80x128xf32, #tpu.memory_space<hbm>>
        tpu.wait_dma2 semaphore(%arg9 : memref<!tpu.dma_semaphore, #tpu.memory_space<semaphore_mem>>) src(%dma_wait3A_226 : memref<80x128xf32, #tpu.memory_space<hbm>>) dst(%dma_wait3A_223 : memref<80x128xf32, #tpu.memory_space<vmem>>)
      } else {
      }
      %eq3A_181 = arith.constant 1 : i32
      %eq3A_182 = arith.cmpi eq, %rem3A_174, %eq3A_181 : i32
      %convert_element_type3A_183 = arith.extui %eq3A_182 : i1 to i32
      %cond3A_184 = arith.constant 0 : i32
      %cond3A_185 = arith.cmpi ne, %convert_element_type3A_183, %cond3A_184 : i32
      scf.if %cond3A_185 {
        %dma_wait3A_213 = arith.constant 0 : i32
        %dma_wait3A_214 = arith.constant 0 : i32
        %dma_wait3A_215 = tpu.memref_slice %arg7[%rem3A_176, %dma_wait3A_213, %dma_wait3A_214] : memref<4x80x128xf32, #tpu.memory_space<vmem>> -> memref<1x80x128xf32, #tpu.memory_space<vmem>>
        %dma_wait3A_216 = tpu.memref_squeeze %dma_wait3A_215 : memref<1x80x128xf32, #tpu.memory_space<vmem>> -> memref<80x128xf32, #tpu.memory_space<vmem>>
        %dma_wait3A_217 = arith.constant 0 : i32
        %dma_wait3A_218 = arith.constant 0 : i32
        %dma_wait3A_219 = tpu.memref_slice %arg2[%dma_wait3A_217, %dma_wait3A_218] : memref<10000x128xf32, #tpu.memory_space<hbm>> -> memref<80x128xf32, #tpu.memory_space<hbm>>
        %dma_wait3A_220 = arith.constant 0 : i32
        %dma_wait3A_221 = arith.constant 0 : i32
        %dma_wait3A_222 = tpu.memref_slice %arg7[%rem3A_176, %dma_wait3A_220, %dma_wait3A_221] : memref<4x80x128xf32, #tpu.memory_space<vmem>> -> memref<1x80x128xf32, #tpu.memory_space<vmem>>
        %dma_wait3A_223 = tpu.memref_squeeze %dma_wait3A_222 : memref<1x80x128xf32, #tpu.memory_space<vmem>> -> memref<80x128xf32, #tpu.memory_space<vmem>>
        %dma_wait3A_224 = arith.constant 0 : i32
        %dma_wait3A_225 = arith.constant 0 : i32
        %dma_wait3A_226 = tpu.memref_slice %arg2[%dma_wait3A_224, %dma_wait3A_225] : memref<10000x128xf32, #tpu.memory_space<hbm>> -> memref<80x128xf32, #tpu.memory_space<hbm>>
        tpu.wait_dma2 semaphore(%arg10 : memref<!tpu.dma_semaphore, #tpu.memory_space<semaphore_mem>>) src(%dma_wait3A_226 : memref<80x128xf32, #tpu.memory_space<hbm>>) dst(%dma_wait3A_223 : memref<80x128xf32, #tpu.memory_space<vmem>>)
      } else {
      }
      %ge3A = arith.constant 2 : i32
      %ge3A_186 = arith.cmpi sge, %scan3A_173, %ge3A : i32
      %convert_element_type3A_187 = arith.extui %ge3A_186 : i1 to i32
      %cond3A_188 = arith.constant 0 : i32
      %cond3A_189 = arith.cmpi ne, %convert_element_type3A_187, %cond3A_188 : i32
      scf.if %cond3A_189 {
        %eq3A_213 = arith.constant 0 : i32
        %eq3A_214 = arith.cmpi eq, %rem3A_174, %eq3A_213 : i32
        %convert_element_type3A_215 = arith.extui %eq3A_214 : i1 to i32
        %cond3A_216 = arith.constant 0 : i32
        %cond3A_217 = arith.cmpi ne, %convert_element_type3A_215, %cond3A_216 : i32
        scf.if %cond3A_217 {
          %dma_wait3A_223 = arith.constant 0 : i32
          %dma_wait3A_224 = arith.constant 0 : i32
          %dma_wait3A_225 = tpu.memref_slice %arg7[%rem3A_176, %dma_wait3A_223, %dma_wait3A_224] : memref<4x80x128xf32, #tpu.memory_space<vmem>> -> memref<1x80x128xf32, #tpu.memory_space<vmem>>
          %dma_wait3A_226 = tpu.memref_squeeze %dma_wait3A_225 : memref<1x80x128xf32, #tpu.memory_space<vmem>> -> memref<80x128xf32, #tpu.memory_space<vmem>>
          %dma_wait3A_227 = arith.constant 0 : i32
          %dma_wait3A_228 = arith.constant 0 : i32
          %dma_wait3A_229 = tpu.memref_slice %arg2[%dma_wait3A_227, %dma_wait3A_228] : memref<10000x128xf32, #tpu.memory_space<hbm>> -> memref<80x128xf32, #tpu.memory_space<hbm>>
          %dma_wait3A_230 = arith.constant 0 : i32
          %dma_wait3A_231 = arith.constant 0 : i32
          %dma_wait3A_232 = tpu.memref_slice %arg7[%rem3A_176, %dma_wait3A_230, %dma_wait3A_231] : memref<4x80x128xf32, #tpu.memory_space<vmem>> -> memref<1x80x128xf32, #tpu.memory_space<vmem>>
          %dma_wait3A_233 = tpu.memref_squeeze %dma_wait3A_232 : memref<1x80x128xf32, #tpu.memory_space<vmem>> -> memref<80x128xf32, #tpu.memory_space<vmem>>
          %dma_wait3A_234 = arith.constant 0 : i32
          %dma_wait3A_235 = arith.constant 0 : i32
          %dma_wait3A_236 = tpu.memref_slice %arg2[%dma_wait3A_234, %dma_wait3A_235] : memref<10000x128xf32, #tpu.memory_space<hbm>> -> memref<80x128xf32, #tpu.memory_space<hbm>>
          tpu.wait_dma2 semaphore(%arg11 : memref<!tpu.dma_semaphore, #tpu.memory_space<semaphore_mem>>) src(%dma_wait3A_236 : memref<80x128xf32, #tpu.memory_space<hbm>>) dst(%dma_wait3A_233 : memref<80x128xf32, #tpu.memory_space<vmem>>)
        } else {
        }
        %eq3A_218 = arith.constant 1 : i32
        %eq3A_219 = arith.cmpi eq, %rem3A_174, %eq3A_218 : i32
        %convert_element_type3A_220 = arith.extui %eq3A_219 : i1 to i32
        %cond3A_221 = arith.constant 0 : i32
        %cond3A_222 = arith.cmpi ne, %convert_element_type3A_220, %cond3A_221 : i32
        scf.if %cond3A_222 {
          %dma_wait3A_223 = arith.constant 0 : i32
          %dma_wait3A_224 = arith.constant 0 : i32
          %dma_wait3A_225 = tpu.memref_slice %arg7[%rem3A_176, %dma_wait3A_223, %dma_wait3A_224] : memref<4x80x128xf32, #tpu.memory_space<vmem>> -> memref<1x80x128xf32, #tpu.memory_space<vmem>>
          %dma_wait3A_226 = tpu.memref_squeeze %dma_wait3A_225 : memref<1x80x128xf32, #tpu.memory_space<vmem>> -> memref<80x128xf32, #tpu.memory_space<vmem>>
          %dma_wait3A_227 = arith.constant 0 : i32
          %dma_wait3A_228 = arith.constant 0 : i32
          %dma_wait3A_229 = tpu.memref_slice %arg2[%dma_wait3A_227, %dma_wait3A_228] : memref<10000x128xf32, #tpu.memory_space<hbm>> -> memref<80x128xf32, #tpu.memory_space<hbm>>
          %dma_wait3A_230 = arith.constant 0 : i32
          %dma_wait3A_231 = arith.constant 0 : i32
          %dma_wait3A_232 = tpu.memref_slice %arg7[%rem3A_176, %dma_wait3A_230, %dma_wait3A_231] : memref<4x80x128xf32, #tpu.memory_space<vmem>> -> memref<1x80x128xf32, #tpu.memory_space<vmem>>
          %dma_wait3A_233 = tpu.memref_squeeze %dma_wait3A_232 : memref<1x80x128xf32, #tpu.memory_space<vmem>> -> memref<80x128xf32, #tpu.memory_space<vmem>>
          %dma_wait3A_234 = arith.constant 0 : i32
          %dma_wait3A_235 = arith.constant 0 : i32
          %dma_wait3A_236 = tpu.memref_slice %arg2[%dma_wait3A_234, %dma_wait3A_235] : memref<10000x128xf32, #tpu.memory_space<hbm>> -> memref<80x128xf32, #tpu.memory_space<hbm>>
          tpu.wait_dma2 semaphore(%arg12 : memref<!tpu.dma_semaphore, #tpu.memory_space<semaphore_mem>>) src(%dma_wait3A_236 : memref<80x128xf32, #tpu.memory_space<hbm>>) dst(%dma_wait3A_233 : memref<80x128xf32, #tpu.memory_space<vmem>>)
        } else {
        }
      } else {
      }
      %eq3A_190 = arith.constant 0 : i32
      %eq3A_191 = arith.cmpi eq, %rem3A_174, %eq3A_190 : i32
      %convert_element_type3A_192 = arith.extui %eq3A_191 : i1 to i32
      %cond3A_193 = arith.constant 0 : i32
      %cond3A_194 = arith.cmpi ne, %convert_element_type3A_192, %cond3A_193 : i32
      scf.if %cond3A_194 {
        %dma_start3A_213 = arith.constant 1 : i32
        %dma_start3A_214 = arith.constant 0 : i32
        %dma_start3A_215 = arith.constant 0 : i32
        %dma_start3A_216 = tpu.memref_slice %arg7[%rem3A_176, %dma_start3A_214, %dma_start3A_215] : memref<4x80x128xf32, #tpu.memory_space<vmem>> -> memref<1x80x128xf32, #tpu.memory_space<vmem>>
        %dma_start3A_217 = tpu.memref_squeeze %dma_start3A_216 : memref<1x80x128xf32, #tpu.memory_space<vmem>> -> memref<80x128xf32, #tpu.memory_space<vmem>>
        %dma_start3A_218 = arith.constant 0 : i32
        %dma_start3A_219 = tpu.memref_slice %arg6[%rem3A_178, %dma_start3A_213, %dma_start3A_218] : memref<8x2x80xi32, #tpu.memory_space<vmem>> -> memref<1x1x80xi32, #tpu.memory_space<vmem>>
        %dma_start3A_220 = tpu.memref_squeeze %dma_start3A_219 : memref<1x1x80xi32, #tpu.memory_space<vmem>> -> memref<80xi32, #tpu.memory_space<vmem>>
        %dma_start3A_221 = arith.constant 0 : i32
        %dma_start3A_222 = arith.constant 0 : i32
        %dma_start3A_223 = tpu.memref_slice %arg8[%dma_start3A_221, %dma_start3A_222] : memref<10240x128xf32, #tpu.memory_space<vmem_shared>> -> memref<10240x128xf32, #tpu.memory_space<vmem_shared>>
        tpu.enqueue_indirect_dma source(%dma_start3A_217 : memref<80x128xf32, #tpu.memory_space<vmem>>) target(%dma_start3A_223 : memref<10240x128xf32, #tpu.memory_space<vmem_shared>>) offsets(%dma_start3A_220 : memref<80xi32, #tpu.memory_space<vmem>>) semaphore(%arg11 : memref<!tpu.dma_semaphore, #tpu.memory_space<semaphore_mem>>) {add = true}
      } else {
      }
      %eq3A_195 = arith.constant 1 : i32
      %eq3A_196 = arith.cmpi eq, %rem3A_174, %eq3A_195 : i32
      %convert_element_type3A_197 = arith.extui %eq3A_196 : i1 to i32
      %cond3A_198 = arith.constant 0 : i32
      %cond3A_199 = arith.cmpi ne, %convert_element_type3A_197, %cond3A_198 : i32
      scf.if %cond3A_199 {
        %dma_start3A_213 = arith.constant 1 : i32
        %dma_start3A_214 = arith.constant 0 : i32
        %dma_start3A_215 = arith.constant 0 : i32
        %dma_start3A_216 = tpu.memref_slice %arg7[%rem3A_176, %dma_start3A_214, %dma_start3A_215] : memref<4x80x128xf32, #tpu.memory_space<vmem>> -> memref<1x80x128xf32, #tpu.memory_space<vmem>>
        %dma_start3A_217 = tpu.memref_squeeze %dma_start3A_216 : memref<1x80x128xf32, #tpu.memory_space<vmem>> -> memref<80x128xf32, #tpu.memory_space<vmem>>
        %dma_start3A_218 = arith.constant 0 : i32
        %dma_start3A_219 = tpu.memref_slice %arg6[%rem3A_178, %dma_start3A_213, %dma_start3A_218] : memref<8x2x80xi32, #tpu.memory_space<vmem>> -> memref<1x1x80xi32, #tpu.memory_space<vmem>>
        %dma_start3A_220 = tpu.memref_squeeze %dma_start3A_219 : memref<1x1x80xi32, #tpu.memory_space<vmem>> -> memref<80xi32, #tpu.memory_space<vmem>>
        %dma_start3A_221 = arith.constant 0 : i32
        %dma_start3A_222 = arith.constant 0 : i32
        %dma_start3A_223 = tpu.memref_slice %arg8[%dma_start3A_221, %dma_start3A_222] : memref<10240x128xf32, #tpu.memory_space<vmem_shared>> -> memref<10240x128xf32, #tpu.memory_space<vmem_shared>>
        tpu.enqueue_indirect_dma source(%dma_start3A_217 : memref<80x128xf32, #tpu.memory_space<vmem>>) target(%dma_start3A_223 : memref<10240x128xf32, #tpu.memory_space<vmem_shared>>) offsets(%dma_start3A_220 : memref<80xi32, #tpu.memory_space<vmem>>) semaphore(%arg12 : memref<!tpu.dma_semaphore, #tpu.memory_space<semaphore_mem>>) {add = true}
      } else {
      }
      %add3A_200 = arith.constant 2 : i32
      %add3A_201 = arith.addi %scan3A_173, %add3A_200 : i32
      %lt3A = arith.constant 125 : i32
      %lt3A_202 = arith.cmpi slt, %add3A_201, %lt3A : i32
      %convert_element_type3A_203 = arith.extui %lt3A_202 : i1 to i32
      %cond3A_204 = arith.constant 0 : i32
      %cond3A_205 = arith.cmpi ne, %convert_element_type3A_203, %cond3A_204 : i32
      scf.if %cond3A_205 {
        %add3A_213 = arith.constant 2 : i32
        %add3A_214 = arith.addi %scan3A_173, %add3A_213 : i32
        %rem3A_215 = arith.constant 8 : i32
        %rem3A_216 = arith.remsi %add3A_214, %rem3A_215 : i32
        %add3A_217 = arith.constant 2 : i32
        %add3A_218 = arith.addi %scan3A_173, %add3A_217 : i32
        %rem3A_219 = arith.constant 4 : i32
        %rem3A_220 = arith.remsi %add3A_218, %rem3A_219 : i32
        %eq3A_221 = arith.constant 0 : i32
        %eq3A_222 = arith.cmpi eq, %rem3A_174, %eq3A_221 : i32
        %convert_element_type3A_223 = arith.extui %eq3A_222 : i1 to i32
        %cond3A_224 = arith.constant 0 : i32
        %cond3A_225 = arith.cmpi ne, %convert_element_type3A_223, %cond3A_224 : i32
        scf.if %cond3A_225 {
          %dma_wait3A_241 = arith.constant 0 : i32
          %dma_wait3A_242 = arith.constant 0 : i32
          %dma_wait3A_243 = arith.constant 0 : i32
          %dma_wait3A_244 = tpu.memref_slice %arg6[%rem3A_216, %dma_wait3A_242, %dma_wait3A_243] : memref<8x2x80xi32, #tpu.memory_space<vmem>> -> memref<1x2x80xi32, #tpu.memory_space<vmem>>
          %dma_wait3A_245 = tpu.memref_squeeze %dma_wait3A_244 : memref<1x2x80xi32, #tpu.memory_space<vmem>> -> memref<2x80xi32, #tpu.memory_space<vmem>>
          %dma_wait3A_246 = arith.constant 0 : i32
          %dma_wait3A_247 = arith.constant 0 : i32
          %dma_wait3A_248 = tpu.memref_slice %arg3[%add3A, %dma_wait3A_241, %dma_wait3A_246, %dma_wait3A_247] : memref<32x125x2x80xi32, #tpu.memory_space<hbm>> -> memref<1x1x2x80xi32, #tpu.memory_space<hbm>>
          %dma_wait3A_249 = tpu.memref_squeeze %dma_wait3A_248 : memref<1x1x2x80xi32, #tpu.memory_space<hbm>> -> memref<2x80xi32, #tpu.memory_space<hbm>>
          %dma_wait3A_250 = arith.constant 0 : i32
          %dma_wait3A_251 = arith.constant 0 : i32
          %dma_wait3A_252 = tpu.memref_slice %arg6[%rem3A_216, %dma_wait3A_250, %dma_wait3A_251] : memref<8x2x80xi32, #tpu.memory_space<vmem>> -> memref<1x2x80xi32, #tpu.memory_space<vmem>>
          %dma_wait3A_253 = tpu.memref_squeeze %dma_wait3A_252 : memref<1x2x80xi32, #tpu.memory_space<vmem>> -> memref<2x80xi32, #tpu.memory_space<vmem>>
          %dma_wait3A_254 = arith.constant 0 : i32
          %dma_wait3A_255 = arith.constant 0 : i32
          %dma_wait3A_256 = tpu.memref_slice %arg3[%add3A, %dma_wait3A_241, %dma_wait3A_254, %dma_wait3A_255] : memref<32x125x2x80xi32, #tpu.memory_space<hbm>> -> memref<1x1x2x80xi32, #tpu.memory_space<hbm>>
          %dma_wait3A_257 = tpu.memref_squeeze %dma_wait3A_256 : memref<1x1x2x80xi32, #tpu.memory_space<hbm>> -> memref<2x80xi32, #tpu.memory_space<hbm>>
          tpu.wait_dma2 semaphore(%arg13 : memref<!tpu.dma_semaphore, #tpu.memory_space<semaphore_mem>>) src(%dma_wait3A_257 : memref<2x80xi32, #tpu.memory_space<hbm>>) dst(%dma_wait3A_253 : memref<2x80xi32, #tpu.memory_space<vmem>>)
        } else {
        }
        %eq3A_226 = arith.constant 1 : i32
        %eq3A_227 = arith.cmpi eq, %rem3A_174, %eq3A_226 : i32
        %convert_element_type3A_228 = arith.extui %eq3A_227 : i1 to i32
        %cond3A_229 = arith.constant 0 : i32
        %cond3A_230 = arith.cmpi ne, %convert_element_type3A_228, %cond3A_229 : i32
        scf.if %cond3A_230 {
          %dma_wait3A_241 = arith.constant 0 : i32
          %dma_wait3A_242 = arith.constant 0 : i32
          %dma_wait3A_243 = arith.constant 0 : i32
          %dma_wait3A_244 = tpu.memref_slice %arg6[%rem3A_216, %dma_wait3A_242, %dma_wait3A_243] : memref<8x2x80xi32, #tpu.memory_space<vmem>> -> memref<1x2x80xi32, #tpu.memory_space<vmem>>
          %dma_wait3A_245 = tpu.memref_squeeze %dma_wait3A_244 : memref<1x2x80xi32, #tpu.memory_space<vmem>> -> memref<2x80xi32, #tpu.memory_space<vmem>>
          %dma_wait3A_246 = arith.constant 0 : i32
          %dma_wait3A_247 = arith.constant 0 : i32
          %dma_wait3A_248 = tpu.memref_slice %arg3[%add3A, %dma_wait3A_241, %dma_wait3A_246, %dma_wait3A_247] : memref<32x125x2x80xi32, #tpu.memory_space<hbm>> -> memref<1x1x2x80xi32, #tpu.memory_space<hbm>>
          %dma_wait3A_249 = tpu.memref_squeeze %dma_wait3A_248 : memref<1x1x2x80xi32, #tpu.memory_space<hbm>> -> memref<2x80xi32, #tpu.memory_space<hbm>>
          %dma_wait3A_250 = arith.constant 0 : i32
          %dma_wait3A_251 = arith.constant 0 : i32
          %dma_wait3A_252 = tpu.memref_slice %arg6[%rem3A_216, %dma_wait3A_250, %dma_wait3A_251] : memref<8x2x80xi32, #tpu.memory_space<vmem>> -> memref<1x2x80xi32, #tpu.memory_space<vmem>>
          %dma_wait3A_253 = tpu.memref_squeeze %dma_wait3A_252 : memref<1x2x80xi32, #tpu.memory_space<vmem>> -> memref<2x80xi32, #tpu.memory_space<vmem>>
          %dma_wait3A_254 = arith.constant 0 : i32
          %dma_wait3A_255 = arith.constant 0 : i32
          %dma_wait3A_256 = tpu.memref_slice %arg3[%add3A, %dma_wait3A_241, %dma_wait3A_254, %dma_wait3A_255] : memref<32x125x2x80xi32, #tpu.memory_space<hbm>> -> memref<1x1x2x80xi32, #tpu.memory_space<hbm>>
          %dma_wait3A_257 = tpu.memref_squeeze %dma_wait3A_256 : memref<1x1x2x80xi32, #tpu.memory_space<hbm>> -> memref<2x80xi32, #tpu.memory_space<hbm>>
          tpu.wait_dma2 semaphore(%arg14 : memref<!tpu.dma_semaphore, #tpu.memory_space<semaphore_mem>>) src(%dma_wait3A_257 : memref<2x80xi32, #tpu.memory_space<hbm>>) dst(%dma_wait3A_253 : memref<2x80xi32, #tpu.memory_space<vmem>>)
        } else {
        }
        %eq3A_231 = arith.constant 0 : i32
        %eq3A_232 = arith.cmpi eq, %rem3A_174, %eq3A_231 : i32
        %convert_element_type3A_233 = arith.extui %eq3A_232 : i1 to i32
        %cond3A_234 = arith.constant 0 : i32
        %cond3A_235 = arith.cmpi ne, %convert_element_type3A_233, %cond3A_234 : i32
        scf.if %cond3A_235 {
          %dma_start3A_241 = arith.constant 0 : i32
          %dma_start3A_242 = arith.constant 0 : i32
          %dma_start3A_243 = arith.constant 0 : i32
          %dma_start3A_244 = tpu.memref_slice %arg7[%rem3A_220, %dma_start3A_242, %dma_start3A_243] : memref<4x80x128xf32, #tpu.memory_space<vmem>> -> memref<1x80x128xf32, #tpu.memory_space<vmem>>
          %dma_start3A_245 = tpu.memref_squeeze %dma_start3A_244 : memref<1x80x128xf32, #tpu.memory_space<vmem>> -> memref<80x128xf32, #tpu.memory_space<vmem>>
          %dma_start3A_246 = arith.constant 0 : i32
          %dma_start3A_247 = tpu.memref_slice %arg6[%rem3A_216, %dma_start3A_241, %dma_start3A_246] : memref<8x2x80xi32, #tpu.memory_space<vmem>> -> memref<1x1x80xi32, #tpu.memory_space<vmem>>
          %dma_start3A_248 = tpu.memref_squeeze %dma_start3A_247 : memref<1x1x80xi32, #tpu.memory_space<vmem>> -> memref<80xi32, #tpu.memory_space<vmem>>
          %dma_start3A_249 = arith.constant 0 : i32
          %dma_start3A_250 = arith.constant 0 : i32
          %dma_start3A_251 = tpu.memref_slice %arg2[%dma_start3A_249, %dma_start3A_250] : memref<10000x128xf32, #tpu.memory_space<hbm>> -> memref<10000x128xf32, #tpu.memory_space<hbm>>
          tpu.enqueue_indirect_dma source(%dma_start3A_251 : memref<10000x128xf32, #tpu.memory_space<hbm>>) target(%dma_start3A_245 : memref<80x128xf32, #tpu.memory_space<vmem>>) offsets(%dma_start3A_248 : memref<80xi32, #tpu.memory_space<vmem>>) semaphore(%arg9 : memref<!tpu.dma_semaphore, #tpu.memory_space<semaphore_mem>>)
        } else {
        }
        %eq3A_236 = arith.constant 1 : i32
        %eq3A_237 = arith.cmpi eq, %rem3A_174, %eq3A_236 : i32
        %convert_element_type3A_238 = arith.extui %eq3A_237 : i1 to i32
        %cond3A_239 = arith.constant 0 : i32
        %cond3A_240 = arith.cmpi ne, %convert_element_type3A_238, %cond3A_239 : i32
        scf.if %cond3A_240 {
          %dma_start3A_241 = arith.constant 0 : i32
          %dma_start3A_242 = arith.constant 0 : i32
          %dma_start3A_243 = arith.constant 0 : i32
          %dma_start3A_244 = tpu.memref_slice %arg7[%rem3A_220, %dma_start3A_242, %dma_start3A_243] : memref<4x80x128xf32, #tpu.memory_space<vmem>> -> memref<1x80x128xf32, #tpu.memory_space<vmem>>
          %dma_start3A_245 = tpu.memref_squeeze %dma_start3A_244 : memref<1x80x128xf32, #tpu.memory_space<vmem>> -> memref<80x128xf32, #tpu.memory_space<vmem>>
          %dma_start3A_246 = arith.constant 0 : i32
          %dma_start3A_247 = tpu.memref_slice %arg6[%rem3A_216, %dma_start3A_241, %dma_start3A_246] : memref<8x2x80xi32, #tpu.memory_space<vmem>> -> memref<1x1x80xi32, #tpu.memory_space<vmem>>
          %dma_start3A_248 = tpu.memref_squeeze %dma_start3A_247 : memref<1x1x80xi32, #tpu.memory_space<vmem>> -> memref<80xi32, #tpu.memory_space<vmem>>
          %dma_start3A_249 = arith.constant 0 : i32
          %dma_start3A_250 = arith.constant 0 : i32
          %dma_start3A_251 = tpu.memref_slice %arg2[%dma_start3A_249, %dma_start3A_250] : memref<10000x128xf32, #tpu.memory_space<hbm>> -> memref<10000x128xf32, #tpu.memory_space<hbm>>
          tpu.enqueue_indirect_dma source(%dma_start3A_251 : memref<10000x128xf32, #tpu.memory_space<hbm>>) target(%dma_start3A_245 : memref<80x128xf32, #tpu.memory_space<vmem>>) offsets(%dma_start3A_248 : memref<80xi32, #tpu.memory_space<vmem>>) semaphore(%arg10 : memref<!tpu.dma_semaphore, #tpu.memory_space<semaphore_mem>>)
        } else {
        }
      } else {
      }
      %add3A_206 = arith.constant 3 : i32
      %add3A_207 = arith.addi %scan3A_173, %add3A_206 : i32
      %lt3A_208 = arith.constant 125 : i32
      %lt3A_209 = arith.cmpi slt, %add3A_207, %lt3A_208 : i32
      %convert_element_type3A_210 = arith.extui %lt3A_209 : i1 to i32
      %cond3A_211 = arith.constant 0 : i32
      %cond3A_212 = arith.cmpi ne, %convert_element_type3A_210, %cond3A_211 : i32
      scf.if %cond3A_212 {
        %add3A_213 = arith.constant 3 : i32
        %add3A_214 = arith.addi %scan3A_173, %add3A_213 : i32
        %rem3A_215 = arith.constant 8 : i32
        %rem3A_216 = arith.remsi %add3A_214, %rem3A_215 : i32
        %eq3A_217 = arith.constant 0 : i32
        %eq3A_218 = arith.cmpi eq, %rem3A_174, %eq3A_217 : i32
        %convert_element_type3A_219 = arith.extui %eq3A_218 : i1 to i32
        %cond3A_220 = arith.constant 0 : i32
        %cond3A_221 = arith.cmpi ne, %convert_element_type3A_219, %cond3A_220 : i32
        scf.if %cond3A_221 {
          %add3A_227 = arith.constant 3 : i32
          %add3A_228 = arith.addi %scan3A_173, %add3A_227 : i32
          %dma_start3A_229 = arith.constant 0 : i32
          %dma_start3A_230 = arith.constant 0 : i32
          %dma_start3A_231 = tpu.memref_slice %arg6[%rem3A_216, %dma_start3A_229, %dma_start3A_230] : memref<8x2x80xi32, #tpu.memory_space<vmem>> -> memref<1x2x80xi32, #tpu.memory_space<vmem>>
          %dma_start3A_232 = tpu.memref_squeeze %dma_start3A_231 : memref<1x2x80xi32, #tpu.memory_space<vmem>> -> memref<2x80xi32, #tpu.memory_space<vmem>>
          %dma_start3A_233 = arith.constant 0 : i32
          %dma_start3A_234 = arith.constant 0 : i32
          %dma_start3A_235 = tpu.memref_slice %arg3[%add3A, %add3A_228, %dma_start3A_233, %dma_start3A_234] : memref<32x125x2x80xi32, #tpu.memory_space<hbm>> -> memref<1x1x2x80xi32, #tpu.memory_space<hbm>>
          %dma_start3A_236 = tpu.memref_squeeze %dma_start3A_235 : memref<1x1x2x80xi32, #tpu.memory_space<hbm>> -> memref<2x80xi32, #tpu.memory_space<hbm>>
          %dma_start3A_237 = arith.constant 0 : i32
          %dma_start3A_238 = arith.constant 0 : i32
          %dma_start3A_239 = tpu.memref_slice %arg6[%rem3A_216, %dma_start3A_237, %dma_start3A_238] : memref<8x2x80xi32, #tpu.memory_space<vmem>> -> memref<1x2x80xi32, #tpu.memory_space<vmem>>
          %dma_start3A_240 = tpu.memref_squeeze %dma_start3A_239 : memref<1x2x80xi32, #tpu.memory_space<vmem>> -> memref<2x80xi32, #tpu.memory_space<vmem>>
          %dma_start3A_241 = arith.constant 0 : i32
          %dma_start3A_242 = arith.constant 0 : i32
          %dma_start3A_243 = tpu.memref_slice %arg3[%add3A, %add3A_228, %dma_start3A_241, %dma_start3A_242] : memref<32x125x2x80xi32, #tpu.memory_space<hbm>> -> memref<1x1x2x80xi32, #tpu.memory_space<hbm>>
          %dma_start3A_244 = tpu.memref_squeeze %dma_start3A_243 : memref<1x1x2x80xi32, #tpu.memory_space<hbm>> -> memref<2x80xi32, #tpu.memory_space<hbm>>
          tpu.enqueue_dma source(%dma_start3A_244 : memref<2x80xi32, #tpu.memory_space<hbm>>) target(%dma_start3A_240 : memref<2x80xi32, #tpu.memory_space<vmem>>) target_semaphore(%arg14 : memref<!tpu.dma_semaphore, #tpu.memory_space<semaphore_mem>>)
        } else {
        }
        %eq3A_222 = arith.constant 1 : i32
        %eq3A_223 = arith.cmpi eq, %rem3A_174, %eq3A_222 : i32
        %convert_element_type3A_224 = arith.extui %eq3A_223 : i1 to i32
        %cond3A_225 = arith.constant 0 : i32
        %cond3A_226 = arith.cmpi ne, %convert_element_type3A_224, %cond3A_225 : i32
        scf.if %cond3A_226 {
          %add3A_227 = arith.constant 3 : i32
          %add3A_228 = arith.addi %scan3A_173, %add3A_227 : i32
          %dma_start3A_229 = arith.constant 0 : i32
          %dma_start3A_230 = arith.constant 0 : i32
          %dma_start3A_231 = tpu.memref_slice %arg6[%rem3A_216, %dma_start3A_229, %dma_start3A_230] : memref<8x2x80xi32, #tpu.memory_space<vmem>> -> memref<1x2x80xi32, #tpu.memory_space<vmem>>
          %dma_start3A_232 = tpu.memref_squeeze %dma_start3A_231 : memref<1x2x80xi32, #tpu.memory_space<vmem>> -> memref<2x80xi32, #tpu.memory_space<vmem>>
          %dma_start3A_233 = arith.constant 0 : i32
          %dma_start3A_234 = arith.constant 0 : i32
          %dma_start3A_235 = tpu.memref_slice %arg3[%add3A, %add3A_228, %dma_start3A_233, %dma_start3A_234] : memref<32x125x2x80xi32, #tpu.memory_space<hbm>> -> memref<1x1x2x80xi32, #tpu.memory_space<hbm>>
          %dma_start3A_236 = tpu.memref_squeeze %dma_start3A_235 : memref<1x1x2x80xi32, #tpu.memory_space<hbm>> -> memref<2x80xi32, #tpu.memory_space<hbm>>
          %dma_start3A_237 = arith.constant 0 : i32
          %dma_start3A_238 = arith.constant 0 : i32
          %dma_start3A_239 = tpu.memref_slice %arg6[%rem3A_216, %dma_start3A_237, %dma_start3A_238] : memref<8x2x80xi32, #tpu.memory_space<vmem>> -> memref<1x2x80xi32, #tpu.memory_space<vmem>>
          %dma_start3A_240 = tpu.memref_squeeze %dma_start3A_239 : memref<1x2x80xi32, #tpu.memory_space<vmem>> -> memref<2x80xi32, #tpu.memory_space<vmem>>
          %dma_start3A_241 = arith.constant 0 : i32
          %dma_start3A_242 = arith.constant 0 : i32
          %dma_start3A_243 = tpu.memref_slice %arg3[%add3A, %add3A_228, %dma_start3A_241, %dma_start3A_242] : memref<32x125x2x80xi32, #tpu.memory_space<hbm>> -> memref<1x1x2x80xi32, #tpu.memory_space<hbm>>
          %dma_start3A_244 = tpu.memref_squeeze %dma_start3A_243 : memref<1x1x2x80xi32, #tpu.memory_space<hbm>> -> memref<2x80xi32, #tpu.memory_space<hbm>>
          tpu.enqueue_dma source(%dma_start3A_244 : memref<2x80xi32, #tpu.memory_space<hbm>>) target(%dma_start3A_240 : memref<2x80xi32, #tpu.memory_space<vmem>>) target_semaphore(%arg13 : memref<!tpu.dma_semaphore, #tpu.memory_space<semaphore_mem>>)
        } else {
        }
      } else {
      }
    }
    %scan3A_131 = arith.constant 125 : i32
    %dma_wait3A_132 = arith.constant 0 : i32
    %dma_wait3A_133 = arith.constant 0 : i32
    %dma_wait3A_134 = arith.constant 0 : i32
    %dma_wait3A_135 = tpu.memref_slice %arg7[%dma_wait3A_132, %dma_wait3A_133, %dma_wait3A_134] : memref<4x80x128xf32, #tpu.memory_space<vmem>> -> memref<1x80x128xf32, #tpu.memory_space<vmem>>
    %dma_wait3A_136 = tpu.memref_squeeze %dma_wait3A_135 : memref<1x80x128xf32, #tpu.memory_space<vmem>> -> memref<80x128xf32, #tpu.memory_space<vmem>>
    %dma_wait3A_137 = arith.constant 0 : i32
    %dma_wait3A_138 = arith.constant 0 : i32
    %dma_wait3A_139 = tpu.memref_slice %arg2[%dma_wait3A_137, %dma_wait3A_138] : memref<10000x128xf32, #tpu.memory_space<hbm>> -> memref<80x128xf32, #tpu.memory_space<hbm>>
    %dma_wait3A_140 = arith.constant 0 : i32
    %dma_wait3A_141 = arith.constant 0 : i32
    %dma_wait3A_142 = tpu.memref_slice %arg7[%dma_wait3A_132, %dma_wait3A_140, %dma_wait3A_141] : memref<4x80x128xf32, #tpu.memory_space<vmem>> -> memref<1x80x128xf32, #tpu.memory_space<vmem>>
    %dma_wait3A_143 = tpu.memref_squeeze %dma_wait3A_142 : memref<1x80x128xf32, #tpu.memory_space<vmem>> -> memref<80x128xf32, #tpu.memory_space<vmem>>
    %dma_wait3A_144 = arith.constant 0 : i32
    %dma_wait3A_145 = arith.constant 0 : i32
    %dma_wait3A_146 = tpu.memref_slice %arg2[%dma_wait3A_144, %dma_wait3A_145] : memref<10000x128xf32, #tpu.memory_space<hbm>> -> memref<80x128xf32, #tpu.memory_space<hbm>>
    tpu.wait_dma2 semaphore(%arg12 : memref<!tpu.dma_semaphore, #tpu.memory_space<semaphore_mem>>) src(%dma_wait3A_146 : memref<80x128xf32, #tpu.memory_space<hbm>>) dst(%dma_wait3A_143 : memref<80x128xf32, #tpu.memory_space<vmem>>)
    %dma_wait3A_147 = arith.constant 0 : i32
    %dma_wait3A_148 = arith.constant 0 : i32
    %dma_wait3A_149 = arith.constant 0 : i32
    %dma_wait3A_150 = tpu.memref_slice %arg7[%dma_wait3A_147, %dma_wait3A_148, %dma_wait3A_149] : memref<4x80x128xf32, #tpu.memory_space<vmem>> -> memref<1x80x128xf32, #tpu.memory_space<vmem>>
    %dma_wait3A_151 = tpu.memref_squeeze %dma_wait3A_150 : memref<1x80x128xf32, #tpu.memory_space<vmem>> -> memref<80x128xf32, #tpu.memory_space<vmem>>
    %dma_wait3A_152 = arith.constant 0 : i32
    %dma_wait3A_153 = arith.constant 0 : i32
    %dma_wait3A_154 = tpu.memref_slice %arg2[%dma_wait3A_152, %dma_wait3A_153] : memref<10000x128xf32, #tpu.memory_space<hbm>> -> memref<80x128xf32, #tpu.memory_space<hbm>>
    %dma_wait3A_155 = arith.constant 0 : i32
    %dma_wait3A_156 = arith.constant 0 : i32
    %dma_wait3A_157 = tpu.memref_slice %arg7[%dma_wait3A_147, %dma_wait3A_155, %dma_wait3A_156] : memref<4x80x128xf32, #tpu.memory_space<vmem>> -> memref<1x80x128xf32, #tpu.memory_space<vmem>>
    %dma_wait3A_158 = tpu.memref_squeeze %dma_wait3A_157 : memref<1x80x128xf32, #tpu.memory_space<vmem>> -> memref<80x128xf32, #tpu.memory_space<vmem>>
    %dma_wait3A_159 = arith.constant 0 : i32
    %dma_wait3A_160 = arith.constant 0 : i32
    %dma_wait3A_161 = tpu.memref_slice %arg2[%dma_wait3A_159, %dma_wait3A_160] : memref<10000x128xf32, #tpu.memory_space<hbm>> -> memref<80x128xf32, #tpu.memory_space<hbm>>
    tpu.wait_dma2 semaphore(%arg11 : memref<!tpu.dma_semaphore, #tpu.memory_space<semaphore_mem>>) src(%dma_wait3A_161 : memref<80x128xf32, #tpu.memory_space<hbm>>) dst(%dma_wait3A_158 : memref<80x128xf32, #tpu.memory_space<vmem>>)
    %barrier3A_162 = arith.constant 0 : index
    tpu.barrier barrier_id(%barrier3A_162)
    %add3A_163 = arith.constant 0 : i32
    %add3A_164 = arith.addi %mul3A_2, %add3A_163 : i32
    "tpu.region"() ({
      %run_scoped3A = tpu.sem_alloc : memref<!tpu.dma_semaphore, #tpu.memory_space<semaphore_mem>>
      %dma_start3A_173 = arith.constant 0 : i32
      %dma_start3A_174 = tpu.memref_slice %arg5[%arg0, %add3A_164, %dma_start3A_173] : memref<2x10240x128xf32, #tpu.memory_space<hbm>> -> memref<1x128x128xf32, #tpu.memory_space<hbm>>
      %dma_start3A_175 = tpu.memref_squeeze %dma_start3A_174 : memref<1x128x128xf32, #tpu.memory_space<hbm>> -> memref<128x128xf32, #tpu.memory_space<hbm>>
      %dma_start3A_176 = arith.constant 0 : i32
      %dma_start3A_177 = tpu.memref_slice %arg8[%add3A_164, %dma_start3A_176] : memref<10240x128xf32, #tpu.memory_space<vmem_shared>> -> memref<128x128xf32, #tpu.memory_space<vmem_shared>>
      tpu.enqueue_dma source(%dma_start3A_177 : memref<128x128xf32, #tpu.memory_space<vmem_shared>>) target(%dma_start3A_175 : memref<128x128xf32, #tpu.memory_space<hbm>>) target_semaphore(%run_scoped3A : memref<!tpu.dma_semaphore, #tpu.memory_space<semaphore_mem>>)
      %dma_wait3A_178 = arith.constant 0 : i32
      %dma_wait3A_179 = tpu.memref_slice %arg5[%arg0, %add3A_164, %dma_wait3A_178] : memref<2x10240x128xf32, #tpu.memory_space<hbm>> -> memref<1x128x128xf32, #tpu.memory_space<hbm>>
      %dma_wait3A_180 = tpu.memref_squeeze %dma_wait3A_179 : memref<1x128x128xf32, #tpu.memory_space<hbm>> -> memref<128x128xf32, #tpu.memory_space<hbm>>
      %dma_wait3A_181 = arith.constant 0 : i32
      %dma_wait3A_182 = tpu.memref_slice %arg8[%add3A_164, %dma_wait3A_181] : memref<10240x128xf32, #tpu.memory_space<vmem_shared>> -> memref<128x128xf32, #tpu.memory_space<vmem_shared>>
      tpu.wait_dma2 semaphore(%run_scoped3A : memref<!tpu.dma_semaphore, #tpu.memory_space<semaphore_mem>>) src(%dma_wait3A_182 : memref<128x128xf32, #tpu.memory_space<vmem_shared>>) dst(%dma_wait3A_180 : memref<128x128xf32, #tpu.memory_space<hbm>>)
      tpu.yield
    }) : () -> ()
    %add3A_165 = arith.constant 128 : i32
    %add3A_166 = arith.addi %mul3A_2, %add3A_165 : i32
    "tpu.region"() ({
      %run_scoped3A = tpu.sem_alloc : memref<!tpu.dma_semaphore, #tpu.memory_space<semaphore_mem>>
      %dma_start3A_173 = arith.constant 0 : i32
      %dma_start3A_174 = tpu.memref_slice %arg5[%arg0, %add3A_166, %dma_start3A_173] : memref<2x10240x128xf32, #tpu.memory_space<hbm>> -> memref<1x128x128xf32, #tpu.memory_space<hbm>>
      %dma_start3A_175 = tpu.memref_squeeze %dma_start3A_174 : memref<1x128x128xf32, #tpu.memory_space<hbm>> -> memref<128x128xf32, #tpu.memory_space<hbm>>
      %dma_start3A_176 = arith.constant 0 : i32
      %dma_start3A_177 = tpu.memref_slice %arg8[%add3A_166, %dma_start3A_176] : memref<10240x128xf32, #tpu.memory_space<vmem_shared>> -> memref<128x128xf32, #tpu.memory_space<vmem_shared>>
      tpu.enqueue_dma source(%dma_start3A_177 : memref<128x128xf32, #tpu.memory_space<vmem_shared>>) target(%dma_start3A_175 : memref<128x128xf32, #tpu.memory_space<hbm>>) target_semaphore(%run_scoped3A : memref<!tpu.dma_semaphore, #tpu.memory_space<semaphore_mem>>)
      %dma_wait3A_178 = arith.constant 0 : i32
      %dma_wait3A_179 = tpu.memref_slice %arg5[%arg0, %add3A_166, %dma_wait3A_178] : memref<2x10240x128xf32, #tpu.memory_space<hbm>> -> memref<1x128x128xf32, #tpu.memory_space<hbm>>
      %dma_wait3A_180 = tpu.memref_squeeze %dma_wait3A_179 : memref<1x128x128xf32, #tpu.memory_space<hbm>> -> memref<128x128xf32, #tpu.memory_space<hbm>>
      %dma_wait3A_181 = arith.constant 0 : i32
      %dma_wait3A_182 = tpu.memref_slice %arg8[%add3A_166, %dma_wait3A_181] : memref<10240x128xf32, #tpu.memory_space<vmem_shared>> -> memref<128x128xf32, #tpu.memory_space<vmem_shared>>
      tpu.wait_dma2 semaphore(%run_scoped3A : memref<!tpu.dma_semaphore, #tpu.memory_space<semaphore_mem>>) src(%dma_wait3A_182 : memref<128x128xf32, #tpu.memory_space<vmem_shared>>) dst(%dma_wait3A_180 : memref<128x128xf32, #tpu.memory_space<hbm>>)
      tpu.yield
    }) : () -> ()
    %add3A_167 = arith.constant 256 : i32
    %add3A_168 = arith.addi %mul3A_2, %add3A_167 : i32
    "tpu.region"() ({
      %run_scoped3A = tpu.sem_alloc : memref<!tpu.dma_semaphore, #tpu.memory_space<semaphore_mem>>
      %dma_start3A_173 = arith.constant 0 : i32
      %dma_start3A_174 = tpu.memref_slice %arg5[%arg0, %add3A_168, %dma_start3A_173] : memref<2x10240x128xf32, #tpu.memory_space<hbm>> -> memref<1x128x128xf32, #tpu.memory_space<hbm>>
      %dma_start3A_175 = tpu.memref_squeeze %dma_start3A_174 : memref<1x128x128xf32, #tpu.memory_space<hbm>> -> memref<128x128xf32, #tpu.memory_space<hbm>>
      %dma_start3A_176 = arith.constant 0 : i32
      %dma_start3A_177 = tpu.memref_slice %arg8[%add3A_168, %dma_start3A_176] : memref<10240x128xf32, #tpu.memory_space<vmem_shared>> -> memref<128x128xf32, #tpu.memory_space<vmem_shared>>
      tpu.enqueue_dma source(%dma_start3A_177 : memref<128x128xf32, #tpu.memory_space<vmem_shared>>) target(%dma_start3A_175 : memref<128x128xf32, #tpu.memory_space<hbm>>) target_semaphore(%run_scoped3A : memref<!tpu.dma_semaphore, #tpu.memory_space<semaphore_mem>>)
      %dma_wait3A_178 = arith.constant 0 : i32
      %dma_wait3A_179 = tpu.memref_slice %arg5[%arg0, %add3A_168, %dma_wait3A_178] : memref<2x10240x128xf32, #tpu.memory_space<hbm>> -> memref<1x128x128xf32, #tpu.memory_space<hbm>>
      %dma_wait3A_180 = tpu.memref_squeeze %dma_wait3A_179 : memref<1x128x128xf32, #tpu.memory_space<hbm>> -> memref<128x128xf32, #tpu.memory_space<hbm>>
      %dma_wait3A_181 = arith.constant 0 : i32
      %dma_wait3A_182 = tpu.memref_slice %arg8[%add3A_168, %dma_wait3A_181] : memref<10240x128xf32, #tpu.memory_space<vmem_shared>> -> memref<128x128xf32, #tpu.memory_space<vmem_shared>>
      tpu.wait_dma2 semaphore(%run_scoped3A : memref<!tpu.dma_semaphore, #tpu.memory_space<semaphore_mem>>) src(%dma_wait3A_182 : memref<128x128xf32, #tpu.memory_space<vmem_shared>>) dst(%dma_wait3A_180 : memref<128x128xf32, #tpu.memory_space<hbm>>)
      tpu.yield
    }) : () -> ()
    %add3A_169 = arith.constant 384 : i32
    %add3A_170 = arith.addi %mul3A_2, %add3A_169 : i32
    "tpu.region"() ({
      %run_scoped3A = tpu.sem_alloc : memref<!tpu.dma_semaphore, #tpu.memory_space<semaphore_mem>>
      %dma_start3A_173 = arith.constant 0 : i32
      %dma_start3A_174 = tpu.memref_slice %arg5[%arg0, %add3A_170, %dma_start3A_173] : memref<2x10240x128xf32, #tpu.memory_space<hbm>> -> memref<1x128x128xf32, #tpu.memory_space<hbm>>
      %dma_start3A_175 = tpu.memref_squeeze %dma_start3A_174 : memref<1x128x128xf32, #tpu.memory_space<hbm>> -> memref<128x128xf32, #tpu.memory_space<hbm>>
      %dma_start3A_176 = arith.constant 0 : i32
      %dma_start3A_177 = tpu.memref_slice %arg8[%add3A_170, %dma_start3A_176] : memref<10240x128xf32, #tpu.memory_space<vmem_shared>> -> memref<128x128xf32, #tpu.memory_space<vmem_shared>>
      tpu.enqueue_dma source(%dma_start3A_177 : memref<128x128xf32, #tpu.memory_space<vmem_shared>>) target(%dma_start3A_175 : memref<128x128xf32, #tpu.memory_space<hbm>>) target_semaphore(%run_scoped3A : memref<!tpu.dma_semaphore, #tpu.memory_space<semaphore_mem>>)
      %dma_wait3A_178 = arith.constant 0 : i32
      %dma_wait3A_179 = tpu.memref_slice %arg5[%arg0, %add3A_170, %dma_wait3A_178] : memref<2x10240x128xf32, #tpu.memory_space<hbm>> -> memref<1x128x128xf32, #tpu.memory_space<hbm>>
      %dma_wait3A_180 = tpu.memref_squeeze %dma_wait3A_179 : memref<1x128x128xf32, #tpu.memory_space<hbm>> -> memref<128x128xf32, #tpu.memory_space<hbm>>
      %dma_wait3A_181 = arith.constant 0 : i32
      %dma_wait3A_182 = tpu.memref_slice %arg8[%add3A_170, %dma_wait3A_181] : memref<10240x128xf32, #tpu.memory_space<vmem_shared>> -> memref<128x128xf32, #tpu.memory_space<vmem_shared>>
      tpu.wait_dma2 semaphore(%run_scoped3A : memref<!tpu.dma_semaphore, #tpu.memory_space<semaphore_mem>>) src(%dma_wait3A_182 : memref<128x128xf32, #tpu.memory_space<vmem_shared>>) dst(%dma_wait3A_180 : memref<128x128xf32, #tpu.memory_space<hbm>>)
      tpu.yield
    }) : () -> ()
    %add3A_171 = arith.constant 512 : i32
    %add3A_172 = arith.addi %mul3A_2, %add3A_171 : i32
    "tpu.region"() ({
      %run_scoped3A = tpu.sem_alloc : memref<!tpu.dma_semaphore, #tpu.memory_space<semaphore_mem>>
      %dma_start3A_173 = arith.constant 0 : i32
      %dma_start3A_174 = tpu.memref_slice %arg5[%arg0, %add3A_172, %dma_start3A_173] : memref<2x10240x128xf32, #tpu.memory_space<hbm>> -> memref<1x128x128xf32, #tpu.memory_space<hbm>>
      %dma_start3A_175 = tpu.memref_squeeze %dma_start3A_174 : memref<1x128x128xf32, #tpu.memory_space<hbm>> -> memref<128x128xf32, #tpu.memory_space<hbm>>
      %dma_start3A_176 = arith.constant 0 : i32
      %dma_start3A_177 = tpu.memref_slice %arg8[%add3A_172, %dma_start3A_176] : memref<10240x128xf32, #tpu.memory_space<vmem_shared>> -> memref<128x128xf32, #tpu.memory_space<vmem_shared>>
      tpu.enqueue_dma source(%dma_start3A_177 : memref<128x128xf32, #tpu.memory_space<vmem_shared>>) target(%dma_start3A_175 : memref<128x128xf32, #tpu.memory_space<hbm>>) target_semaphore(%run_scoped3A : memref<!tpu.dma_semaphore, #tpu.memory_space<semaphore_mem>>)
      %dma_wait3A_178 = arith.constant 0 : i32
      %dma_wait3A_179 = tpu.memref_slice %arg5[%arg0, %add3A_172, %dma_wait3A_178] : memref<2x10240x128xf32, #tpu.memory_space<hbm>> -> memref<1x128x128xf32, #tpu.memory_space<hbm>>
      %dma_wait3A_180 = tpu.memref_squeeze %dma_wait3A_179 : memref<1x128x128xf32, #tpu.memory_space<hbm>> -> memref<128x128xf32, #tpu.memory_space<hbm>>
      %dma_wait3A_181 = arith.constant 0 : i32
      %dma_wait3A_182 = tpu.memref_slice %arg8[%add3A_172, %dma_wait3A_181] : memref<10240x128xf32, #tpu.memory_space<vmem_shared>> -> memref<128x128xf32, #tpu.memory_space<vmem_shared>>
      tpu.wait_dma2 semaphore(%run_scoped3A : memref<!tpu.dma_semaphore, #tpu.memory_space<semaphore_mem>>) src(%dma_wait3A_182 : memref<128x128xf32, #tpu.memory_space<vmem_shared>>) dst(%dma_wait3A_180 : memref<128x128xf32, #tpu.memory_space<hbm>>)
      tpu.yield
    }) : () -> ()
    return
  }
}

module attributes {stable_mosaic.version = 14 : i64} {
  func.func @_scale_body(%arg0: i32, %arg1: memref<1000x128xf32, #tpu.memory_space<vmem>>, %arg2: memref<2x1000x128xf32, #tpu.memory_space<vmem>>, %arg3: memref<1000x128xf32, #tpu.memory_space<vmem>>, %arg4: memref<1000x1xf32, #tpu.memory_space<vmem>>) attributes {dimension_semantics = [#tpu.dimension_semantics<arbitrary>], iteration_bounds = array<i64: 10>, scalar_prefetch = 0 : i64, scratch_operands = 0 : i64, tpu.core_type = #tpu.core_type<tc>, window_params = [{transform_indices = @transform_0, window_bounds = array<i64: 1000, 128>}, {transform_indices = @transform_1, window_bounds = array<i64: 2, 1000, 128>}, {transform_indices = @transform_2, window_bounds = array<i64: 1000, 128>}, {transform_indices = @transform_3, window_bounds = array<i64: 1000, 1>}]} {
    %get3A = arith.constant 0 : index
    %get3A_0 = arith.constant 0 : index
    %get3A_1 = arith.constant 0 : index
    %get3A_2 = vector.load %arg2[%get3A, %get3A_0, %get3A_1] : memref<2x1000x128xf32, #tpu.memory_space<vmem>>, vector<1x1000x1xf32>
    %get3A_3 = vector.shape_cast %get3A_2 : vector<1x1000x1xf32> to vector<1000x1xf32>
    %get3A_4 = arith.constant 1 : index
    %get3A_5 = arith.constant 0 : index
    %get3A_6 = arith.constant 0 : index
    %get3A_7 = vector.load %arg2[%get3A_4, %get3A_5, %get3A_6] : memref<2x1000x128xf32, #tpu.memory_space<vmem>>, vector<1x1000x1xf32>
    %get3A_8 = vector.shape_cast %get3A_7 : vector<1x1000x1xf32> to vector<1000x1xf32>
    %add3A = arith.addf %get3A_3, %get3A_8 : vector<1000x1xf32>
    %add3A_9 = arith.constant 1.000000e+00 : f32
    %add3A_10 = vector.broadcast %add3A_9 : f32 to vector<1000x1xf32>
    %add3A_11 = arith.addf %add3A, %add3A_10 : vector<1000x1xf32>
    %rsqrt3A = math.rsqrt %add3A_11 : vector<1000x1xf32>
    %swap3A = arith.constant 0 : index
    %swap3A_12 = arith.constant 0 : index
    %swap3A_13 = vector.load %arg4[%swap3A, %swap3A_12] : memref<1000x1xf32, #tpu.memory_space<vmem>>, vector<1000x1xf32>
    tpu.vector_store %arg4[%swap3A, %swap3A_12], %rsqrt3A {strides = array<i32>} : memref<1000x1xf32, #tpu.memory_space<vmem>>, vector<1000x1xf32>,
    %get3A_14 = arith.constant 0 : index
    %get3A_15 = arith.constant 0 : index
    %get3A_16 = vector.load %arg1[%get3A_14, %get3A_15] : memref<1000x128xf32, #tpu.memory_space<vmem>>, vector<1000x128xf32>
    %mul3A = vector.broadcast %rsqrt3A : vector<1000x1xf32> to vector<1000x128xf32>
    %mul3A_17 = arith.mulf %get3A_16, %mul3A : vector<1000x128xf32>
    %swap3A_18 = arith.constant 0 : index
    %swap3A_19 = arith.constant 0 : index
    %swap3A_20 = vector.load %arg3[%swap3A_18, %swap3A_19] : memref<1000x128xf32, #tpu.memory_space<vmem>>, vector<1000x128xf32>
    tpu.vector_store %arg3[%swap3A_18, %swap3A_19], %mul3A_17 {strides = array<i32>} : memref<1000x128xf32, #tpu.memory_space<vmem>>, vector<1000x128xf32>,
    return
  }
  func.func @transform_0(%arg0: i32) -> (i32, i32) {
    %c0_i32 = arith.constant 0 : i32
    %c0_i32_0 = arith.constant 0 : i32
    return %arg0, %c0_i32 : i32, i32
  }
  func.func @transform_1(%arg0: i32) -> (i32, i32, i32) {
    %c0_i32 = arith.constant 0 : i32
    %c0_i32_0 = arith.constant 0 : i32
    %c0_i32_1 = arith.constant 0 : i32
    return %c0_i32, %arg0, %c0_i32_0 : i32, i32, i32
  }
  func.func @transform_2(%arg0: i32) -> (i32, i32) {
    %c0_i32 = arith.constant 0 : i32
    %c0_i32_0 = arith.constant 0 : i32
    return %arg0, %c0_i32 : i32, i32
  }
  func.func @transform_3(%arg0: i32) -> (i32, i32) {
    %c0_i32 = arith.constant 0 : i32
    %c0_i32_0 = arith.constant 0 : i32
    return %arg0, %c0_i32 : i32, i32
  }
}

module attributes {stable_mosaic.version = 14 : i64} {
  func.func @_mid_body(%arg0: i32, %arg1: memref<2x1000x128xf32, #tpu.memory_space<vmem>>, %arg2: memref<1000x128xf32, #tpu.memory_space<vmem>>, %arg3: memref<1000x1xf32, #tpu.memory_space<vmem>>, %arg4: memref<128x256xf32, #tpu.memory_space<vmem>>, %arg5: memref<1x256xf32, #tpu.memory_space<vmem>>, %arg6: memref<256x64xf32, #tpu.memory_space<vmem>>, %arg7: memref<1000x128xf32, #tpu.memory_space<vmem>>) attributes {dimension_semantics = [#tpu.dimension_semantics<arbitrary>], iteration_bounds = array<i64: 10>, scalar_prefetch = 0 : i64, scratch_operands = 0 : i64, tpu.core_type = #tpu.core_type<tc>, window_params = [{transform_indices = @transform_0, window_bounds = array<i64: 2, 1000, 128>}, {transform_indices = @transform_1, window_bounds = array<i64: 1000, 128>}, {transform_indices = @transform_2, window_bounds = array<i64: 1000, 1>}, {pipeline_mode = #tpu.pipeline_mode<synchronous>, transform_indices = @transform_3, window_bounds = array<i64: 128, 256>}, {pipeline_mode = #tpu.pipeline_mode<synchronous>, transform_indices = @transform_4, window_bounds = array<i64: 1, 256>}, {pipeline_mode = #tpu.pipeline_mode<synchronous>, transform_indices = @transform_5, window_bounds = array<i64: 256, 64>}, {transform_indices = @transform_6, window_bounds = array<i64: 1000, 128>}]} {
    %get3A = arith.constant 0 : index
    %get3A_0 = arith.constant 0 : index
    %get3A_1 = vector.load %arg3[%get3A, %get3A_0] : memref<1000x1xf32, #tpu.memory_space<vmem>>, vector<1000x1xf32>
    %get3A_2 = arith.constant 0 : index
    %get3A_3 = arith.constant 0 : index
    %get3A_4 = arith.constant 0 : index
    %get3A_5 = vector.load %arg1[%get3A_2, %get3A_3, %get3A_4] : memref<2x1000x128xf32, #tpu.memory_space<vmem>>, vector<1x1000x128xf32>
    %get3A_6 = vector.shape_cast %get3A_5 : vector<1x1000x128xf32> to vector<1000x128xf32>
    %get3A_7 = arith.constant 1 : index
    %get3A_8 = arith.constant 0 : index
    %get3A_9 = arith.constant 0 : index
    %get3A_10 = vector.load %arg1[%get3A_7, %get3A_8, %get3A_9] : memref<2x1000x128xf32, #tpu.memory_space<vmem>>, vector<1x1000x128xf32>
    %get3A_11 = vector.shape_cast %get3A_10 : vector<1x1000x128xf32> to vector<1000x128xf32>
    %add3A = arith.addf %get3A_6, %get3A_11 : vector<1000x128xf32>
    %get3A_12 = arith.constant 0 : index
    %get3A_13 = arith.constant 0 : index
    %get3A_14 = vector.load %arg2[%get3A_12, %get3A_13] : memref<1000x128xf32, #tpu.memory_space<vmem>>, vector<1000x128xf32>
    %add3A_15 = arith.addf %add3A, %get3A_14 : vector<1000x128xf32>
    %mul3A = vector.broadcast %get3A_1 : vector<1000x1xf32> to vector<1000x128xf32>
    %mul3A_16 = arith.mulf %add3A_15, %mul3A : vector<1000x128xf32>
    %get3A_17 = arith.constant 0 : index
    %get3A_18 = arith.constant 0 : index
    %get3A_19 = vector.load %arg4[%get3A_17, %get3A_18] : memref<128x256xf32, #tpu.memory_space<vmem>>, vector<128x256xf32>
    %dot_general3A = arith.constant dense<0.000000e+00> : vector<1000x256xf32>
    %dot_general3A_20 = tpu.matmul %mul3A_16, %get3A_19, %dot_general3A {dimension_numbers = #tpu.dot_dimension_numbers<[1], [0], [0], [1], [0, 0, 1, 1], [], []>, precision = #tpu.contract_precision<fp32>, transpose_lhs_hint = false} : vector<1000x128xf32>, vector<128x256xf32>, vector<1000x256xf32> -> vector<1000x256xf32>
    %get3A_21 = arith.constant 0 : index
    %get3A_22 = arith.constant 0 : index
    %get3A_23 = vector.load %arg5[%get3A_21, %get3A_22] : memref<1x256xf32, #tpu.memory_space<vmem>>, vector<1x256xf32>
    %add3A_24 = vector.broadcast %get3A_23 : vector<1x256xf32> to vector<1000x256xf32>
    %add3A_25 = arith.addf %dot_general3A_20, %add3A_24 : vector<1000x256xf32>
    %max3A = arith.constant 0.000000e+00 : f32
    %max3A_26 = vector.broadcast %max3A : f32 to vector<1000x256xf32>
    %max3A_27 = arith.maximumf %add3A_25, %max3A_26 : vector<1000x256xf32>
    %get3A_28 = arith.constant 0 : index
    %get3A_29 = arith.constant 0 : index
    %get3A_30 = vector.load %arg6[%get3A_28, %get3A_29] : memref<256x64xf32, #tpu.memory_space<vmem>>, vector<256x64xf32>
    %dot_general3A_31 = arith.constant dense<0.000000e+00> : vector<1000x64xf32>
    %dot_general3A_32 = tpu.matmul %max3A_27, %get3A_30, %dot_general3A_31 {dimension_numbers = #tpu.dot_dimension_numbers<[1], [0], [0], [1], [0, 0, 1, 1], [], []>, precision = #tpu.contract_precision<fp32>, transpose_lhs_hint = false} : vector<1000x256xf32>, vector<256x64xf32>, vector<1000x64xf32> -> vector<1000x64xf32>
    %mul3A_33 = vector.broadcast %get3A_1 : vector<1000x1xf32> to vector<1000x64xf32>
    %mul3A_34 = arith.mulf %dot_general3A_32, %mul3A_33 : vector<1000x64xf32>
    %broadcast_in_dim3A = arith.constant 0.000000e+00 : f32
    %broadcast_in_dim3A_35 = vector.broadcast %broadcast_in_dim3A : f32 to vector<1000x64xf32>
    %concatenate3A = tpu.concatenate %mul3A_34, %broadcast_in_dim3A_35 in 1 : vector<1000x64xf32>, vector<1000x64xf32> -> vector<1000x128xf32>
    %swap3A = arith.constant 0 : index
    %swap3A_36 = arith.constant 0 : index
    %swap3A_37 = vector.load %arg7[%swap3A, %swap3A_36] : memref<1000x128xf32, #tpu.memory_space<vmem>>, vector<1000x128xf32>
    tpu.vector_store %arg7[%swap3A, %swap3A_36], %concatenate3A {strides = array<i32>} : memref<1000x128xf32, #tpu.memory_space<vmem>>, vector<1000x128xf32>,
    return
  }
  func.func @transform_0(%arg0: i32) -> (i32, i32, i32) {
    %c0_i32 = arith.constant 0 : i32
    %c0_i32_0 = arith.constant 0 : i32
    %c0_i32_1 = arith.constant 0 : i32
    return %c0_i32, %arg0, %c0_i32_0 : i32, i32, i32
  }
  func.func @transform_1(%arg0: i32) -> (i32, i32) {
    %c0_i32 = arith.constant 0 : i32
    %c0_i32_0 = arith.constant 0 : i32
    return %arg0, %c0_i32 : i32, i32
  }
  func.func @transform_2(%arg0: i32) -> (i32, i32) {
    %c0_i32 = arith.constant 0 : i32
    %c0_i32_0 = arith.constant 0 : i32
    return %arg0, %c0_i32 : i32, i32
  }
  func.func @transform_3(%arg0: i32) -> (i32, i32) {
    %c0_i32 = arith.constant 0 : i32
    %c0_i32_0 = arith.constant 0 : i32
    %c0_i32_1 = arith.constant 0 : i32
    return %c0_i32, %c0_i32_0 : i32, i32
  }
  func.func @transform_4(%arg0: i32) -> (i32, i32) {
    %c0_i32 = arith.constant 0 : i32
    %c0_i32_0 = arith.constant 0 : i32
    %c0_i32_1 = arith.constant 0 : i32
    return %c0_i32, %c0_i32_0 : i32, i32
  }
  func.func @transform_5(%arg0: i32) -> (i32, i32) {
    %c0_i32 = arith.constant 0 : i32
    %c0_i32_0 = arith.constant 0 : i32
    %c0_i32_1 = arith.constant 0 : i32
    return %c0_i32, %c0_i32_0 : i32, i32
  }
  func.func @transform_6(%arg0: i32) -> (i32, i32) {
    %c0_i32 = arith.constant 0 : i32
    %c0_i32_0 = arith.constant 0 : i32
    return %arg0, %c0_i32 : i32, i32
  }
}

module attributes {stable_mosaic.version = 14 : i64} {
  func.func @_final_body(%arg0: i32, %arg1: memref<2x1000x128xf32, #tpu.memory_space<vmem>>, %arg2: memref<1000x128xf32, #tpu.memory_space<vmem>>, %arg3: memref<1000x1xf32, #tpu.memory_space<vmem>>, %arg4: memref<1x64xf32, #tpu.memory_space<vmem>>, %arg5: memref<1000x64xf32, #tpu.memory_space<vmem>>) attributes {dimension_semantics = [#tpu.dimension_semantics<arbitrary>], iteration_bounds = array<i64: 10>, scalar_prefetch = 0 : i64, scratch_operands = 0 : i64, tpu.core_type = #tpu.core_type<tc>, window_params = [{transform_indices = @transform_0, window_bounds = array<i64: 2, 1000, 128>}, {transform_indices = @transform_1, window_bounds = array<i64: 1000, 128>}, {transform_indices = @transform_2, window_bounds = array<i64: 1000, 1>}, {pipeline_mode = #tpu.pipeline_mode<synchronous>, transform_indices = @transform_3, window_bounds = array<i64: 1, 64>}, {transform_indices = @transform_4, window_bounds = array<i64: 1000, 64>}]} {
    %get3A = arith.constant 0 : index
    %get3A_0 = arith.constant 0 : index
    %get3A_1 = arith.constant 0 : index
    %get3A_2 = vector.load %arg1[%get3A, %get3A_0, %get3A_1] : memref<2x1000x128xf32, #tpu.memory_space<vmem>>, vector<1x1000x128xf32>
    %get3A_3 = vector.shape_cast %get3A_2 : vector<1x1000x128xf32> to vector<1000x128xf32>
    %get3A_4 = arith.constant 1 : index
    %get3A_5 = arith.constant 0 : index
    %get3A_6 = arith.constant 0 : index
    %get3A_7 = vector.load %arg1[%get3A_4, %get3A_5, %get3A_6] : memref<2x1000x128xf32, #tpu.memory_space<vmem>>, vector<1x1000x128xf32>
    %get3A_8 = vector.shape_cast %get3A_7 : vector<1x1000x128xf32> to vector<1000x128xf32>
    %add3A = arith.addf %get3A_3, %get3A_8 : vector<1000x128xf32>
    %get3A_9 = arith.constant 0 : index
    %get3A_10 = arith.constant 0 : index
    %get3A_11 = vector.load %arg2[%get3A_9, %get3A_10] : memref<1000x128xf32, #tpu.memory_space<vmem>>, vector<1000x128xf32>
    %add3A_12 = arith.addf %add3A, %get3A_11 : vector<1000x128xf32>
    %slice3A = vector.extract_strided_slice %add3A_12 {offsets = [0, 0], sizes = [1000, 64], strides = [1, 1]} : vector<1000x128xf32> to vector<1000x64xf32>
    %get3A_13 = arith.constant 0 : index
    %get3A_14 = arith.constant 0 : index
    %get3A_15 = vector.load %arg3[%get3A_13, %get3A_14] : memref<1000x1xf32, #tpu.memory_space<vmem>>, vector<1000x1xf32>
    %mul3A = vector.broadcast %get3A_15 : vector<1000x1xf32> to vector<1000x64xf32>
    %mul3A_16 = arith.mulf %slice3A, %mul3A : vector<1000x64xf32>
    %get3A_17 = arith.constant 0 : index
    %get3A_18 = arith.constant 0 : index
    %get3A_19 = vector.load %arg4[%get3A_17, %get3A_18] : memref<1x64xf32, #tpu.memory_space<vmem>>, vector<1x64xf32>
    %add3A_20 = vector.broadcast %get3A_19 : vector<1x64xf32> to vector<1000x64xf32>
    %add3A_21 = arith.addf %mul3A_16, %add3A_20 : vector<1000x64xf32>
    %mul3A_22 = arith.mulf %add3A_21, %add3A_21 : vector<1000x64xf32>
    %reduce_sum3A = arith.constant dense<0.000000e+00> : vector<1000xf32>
    %reduce_sum3A_23 = vector.multi_reduction <add>, %mul3A_22, %reduce_sum3A [1] : vector<1000x64xf32> to vector<1000xf32>
    %broadcast_in_dim3A = vector.shape_cast %reduce_sum3A_23 : vector<1000xf32> to vector<1000x1xf32>
    %sqrt3A = math.sqrt %broadcast_in_dim3A : vector<1000x1xf32>
    %add3A_24 = arith.constant 9.99999993E-9 : f32
    %add3A_25 = vector.broadcast %add3A_24 : f32 to vector<1000x1xf32>
    %add3A_26 = arith.addf %sqrt3A, %add3A_25 : vector<1000x1xf32>
    %div3A = vector.broadcast %add3A_26 : vector<1000x1xf32> to vector<1000x64xf32>
    %div3A_27 = arith.divf %add3A_21, %div3A : vector<1000x64xf32>
    %swap3A = arith.constant 0 : index
    %swap3A_28 = arith.constant 0 : index
    %swap3A_29 = vector.load %arg5[%swap3A, %swap3A_28] : memref<1000x64xf32, #tpu.memory_space<vmem>>, vector<1000x64xf32>
    tpu.vector_store %arg5[%swap3A, %swap3A_28], %div3A_27 {strides = array<i32>} : memref<1000x64xf32, #tpu.memory_space<vmem>>, vector<1000x64xf32>,
    return
  }
  func.func @transform_0(%arg0: i32) -> (i32, i32, i32) {
    %c0_i32 = arith.constant 0 : i32
    %c0_i32_0 = arith.constant 0 : i32
    %c0_i32_1 = arith.constant 0 : i32
    return %c0_i32, %arg0, %c0_i32_0 : i32, i32, i32
  }
  func.func @transform_1(%arg0: i32) -> (i32, i32) {
    %c0_i32 = arith.constant 0 : i32
    %c0_i32_0 = arith.constant 0 : i32
    return %arg0, %c0_i32 : i32, i32
  }
  func.func @transform_2(%arg0: i32) -> (i32, i32) {
    %c0_i32 = arith.constant 0 : i32
    %c0_i32_0 = arith.constant 0 : i32
    return %arg0, %c0_i32 : i32, i32
  }
  func.func @transform_3(%arg0: i32) -> (i32, i32) {
    %c0_i32 = arith.constant 0 : i32
    %c0_i32_0 = arith.constant 0 : i32
    %c0_i32_1 = arith.constant 0 : i32
    return %c0_i32, %c0_i32_0 : i32, i32
  }
  func.func @transform_4(%arg0: i32) -> (i32, i32) {
    %c0_i32 = arith.constant 0 : i32
    %c0_i32_0 = arith.constant 0 : i32
    return %arg0, %c0_i32 : i32, i32
  }
}

</mosaic_0001>

<sc_bundles>
// kernel: kernel.11.cloned.1.call-start
scs
__scs_entry_jumppad:
0x0: {  	(pc) =	sbr.rel $0x88, $3  }
0x1: {  	(tag) =	ssettag $0x0;
	lr =	simm.s32 $0x1  }
0x2: {  	[smem:$0x3F9B] =	sst lr;
	_ =	strace $0xD0000000  }
0x3: {  	_ = 	snop  }
0x4: {  	_ = 	snop  }
0x5: {  	_ = 	snop  }
0x6: {  	_ = 	snop  }
0x7: {  	_ = 	snop  }
__scs_overlays_trampoline_lowered:
0x8: {  	[smem:$0x3FAA] =	sst s0  }
0x9: {  	[smem:$0x3FAB] =	sst s1  }
0xa: {  	[smem:$0x3FAC] =	sst s2  }
0xb: {  	[smem:$0x3FAD] =	sst s3  }
0xc: {  	[smem:$0x3FAE] =	sst s4  }
0xd: {  	[smem:$0x3FAF] =	sst s5  }
0xe: {  	[smem:$0x3FB0] =	sst s6  }
0xf: {  	[smem:$0x3FB1] =	sst s7  }
0x10: {  	[smem:$0x3FB2] =	sst s8  }
0x11: {  	[smem:$0x3FB3] =	sst s9;
	s0 =	simm.s32 @!p0 $0x0  }
0x12: {  	s1 =	sld [smem:$0x3F99];
	s0 =	simm.s32 @p0 $0x1  }
0x13: {  	[smem:$0x3FB4] =	sst s0;
	s0 =	simm.s32 @!p1 $0x0  }
0x14: {  	s2 =	sld [smem:$0x3F98];
	s0 =	simm.s32 @p1 $0x1  }
0x15: {  	[smem:$0x3FB5] =	sst s0;
	s0 =	simm.s32 @!p2 $0x0  }
0x16: {  	s3 =	sld [smem:$0x3FDB];
	s0 =	simm.s32 @p2 $0x1  }
0x17: {  	s4 =	simm.s32 $0x1BF5;
	[smem:$0x3FB7] =	sst s0  }
0x18: {  	s0 =	sld [smem:$0x3F9A];
	_ =	swait.ge [sflag:s4], $0x0  }
0x19: {  	s7 =	sld [smem:$0x3F9B]  }
0x1a: {  	s8 =	sadd.s32 $0xFFFFE003, lr  }
0x1b: {  	s9 =	sadd.s32 $0xFFFFFEF7, lr;
	s5 =	simm.s32 $0xFFFFFFFF;
	p2 =	slt.u32 s8, $0xFFFFF086  }
0x1c: {  	p1 =	slt.u32 s9, $0xF7A;
	s5 =	simm.s32 @!p2 $0x0  }
0x1d: {  	s5 =	simm.s32 @p1 $0x1;
	p0 =	seq.s32 s7, s2  }
0x1e: {  	s7 =	smul.u32 @!p0 $0xF7A, s2;
	p2 =	seq.s32 @!p0 s5, $0x0  }
0x1f: {  	s9 =	smul.u32 $0xF7A, s1;
	s8 =	simm.s32 @!p0 $0x1BF5;
	p2 =	por !p2, p0  }
0x20: {  	[sflag:s8] =	ssyncset.s32 @!p0 $0xFFFFF086;
	s6 =	sadd.s32 @!p0 s3, s7;
	s7 =	simm.s32 @!p0 $0x108  }
0x21: {  	s3 =	sadd.s32 s3, s9;
	s6 =	sadd.s32 @!p0 $0x88, s6;
	s7 =	simm.s32 @p2 $0x1082  }
0x22: {  	[simem:s7], [sflag:s8] =	dma.local @!p0 [hbm:s6], $0xF7A  }
0x23: {  	s9 =	sor.u32 $0xD0000000, s2;
	s6 =	simm.s32 $0x108;
	_ =	swait.ge @!p0 [sflag:s8], $0x0  }
0x24: {  	s3 =	sadd.s32 $0x88, s3;
	s6 =	simm.s32 @!p1 $0x1082;
	[sflag:s4] =	ssyncset.s32 $0xFFFFF086  }
0x25: {  	[simem:s6], [sflag:s4] =	dma.local [hbm:s3], $0xF7A  }
0x26: {  	[smem:$0x3F9B] =	sst s1;
	(tag) =	ssettag s2;
	_ =	strace s9  }
0x27: {  	s1 =	sld [smem:$0x3FAB]  }
0x28: {  	s2 =	sld [smem:$0x3FAC]  }
0x29: {  	s4 =	sld [smem:$0x3FAE]  }
0x2a: {  	p0 =	seq.s32 s5, $0x0;
	s5 =	sld [smem:$0x3FAF]  }
0x2b: {  	s6 =	sld [smem:$0x3FB0]  }
0x2c: {  	s7 =	sld [smem:$0x3FB1]  }
0x2d: {  	s3 =	simm.s32 $0x108;
	s8 =	sld [smem:$0x3FB2]  }
0x2e: {  	s3 =	simm.s32 @!p0 $0x1082;
	s9 =	sld [smem:$0x3FB3]  }
0x2f: {  	lr =	sadd.s32 s0, s3;
	s0 =	sld [smem:$0x3FAA]  }
0x30: {  	s3 =	sld [smem:$0x3FAD]  }
0x31: {  	[smem:$0x3FB6] =	sst s10  }
0x32: {  	s10 =	sld [smem:$0x3FB4];
	_ =	sdelay $0x3  }
0x33: {  	p0 =	seq.s32 s10, $0x1;
	s10 =	sld [smem:$0x3FB6];
	_ =	sdelay $0x3  }
0x34: {  	[smem:$0x3FB6] =	sst s10  }
0x35: {  	s10 =	sld [smem:$0x3FB5];
	_ =	sdelay $0x3  }
0x36: {  	p1 =	seq.s32 s10, $0x1;
	s10 =	sld [smem:$0x3FB6];
	_ =	sdelay $0x3  }
0x37: {  	[smem:$0x3FB6] =	sst s10  }
0x38: {  	s10 =	sld [smem:$0x3FB7]  }
0x39: {  	_ = 	snop;
	(pc) =	sbr.ind lr, $3  }
0x3a: {  	_ = 	snop  }
0x3b: {  	_ = 	snop  }
0x3c: {  	p2 =	seq.s32 s10, $0x1;
	s10 =	sld [smem:$0x3FB6]  }
0x3d: {  	_ =	shalt  }
0x3e: {  	_ =	shalt  }
0x3f: {  	_ =	shalt  }
0x40: {  	_ =	shalt  }
0x41: {  	_ =	shalt  }
0x42: {  	_ =	shalt  }
0x43: {  	_ =	shalt  }
0x44: {  	_ =	shalt  }
0x45: {  	_ =	shalt  }
0x46: {  	_ =	shalt  }
0x47: {  	_ =	shalt  }
0x48: {  	_ =	shalt  }
0x49: {  	_ =	shalt  }
0x4a: {  	_ =	shalt  }
0x4b: {  	_ =	shalt  }
0x4c: {  	_ =	shalt  }
0x4d: {  	_ =	shalt  }
0x4e: {  	_ =	shalt  }
0x4f: {  	_ =	shalt  }
0x50: {  	_ =	shalt  }
0x51: {  	_ =	shalt  }
0x52: {  	_ =	shalt  }
0x53: {  	_ =	shalt  }
0x54: {  	_ =	shalt  }
0x55: {  	_ =	shalt  }
0x56: {  	_ =	shalt  }
0x57: {  	_ =	shalt  }
0x58: {  	_ =	shalt  }
0x59: {  	_ =	shalt  }
0x5a: {  	_ =	shalt  }
0x5b: {  	_ =	shalt  }
0x5c: {  	_ =	shalt  }
0x5d: {  	_ =	shalt  }
0x5e: {  	_ =	shalt  }
0x5f: {  	_ =	shalt  }
0x60: {  	_ =	shalt  }
0x61: {  	_ =	shalt  }
0x62: {  	_ =	shalt  }
0x63: {  	_ =	shalt  }
0x64: {  	_ =	shalt  }
0x65: {  	_ =	shalt  }
0x66: {  	_ =	shalt  }
0x67: {  	_ =	shalt  }
0x68: {  	_ =	shalt  }
0x69: {  	_ =	shalt  }
0x6a: {  	_ =	shalt  }
0x6b: {  	_ =	shalt  }
0x6c: {  	_ =	shalt  }
0x6d: {  	_ =	shalt  }
0x6e: {  	_ =	shalt  }
0x6f: {  	_ =	shalt  }
0x70: {  	_ =	shalt  }
0x71: {  	_ =	shalt  }
0x72: {  	_ =	shalt  }
0x73: {  	_ =	shalt  }
0x74: {  	_ =	shalt  }
0x75: {  	_ =	shalt  }
0x76: {  	_ =	shalt  }
0x77: {  	_ =	shalt  }
0x78: {  	_ =	shalt  }
0x79: {  	_ =	shalt  }
0x7a: {  	_ =	shalt  }
0x7b: {  	_ =	shalt  }
0x7c: {  	_ =	shalt  }
0x7d: {  	_ =	shalt  }
0x7e: {  	_ =	shalt  }
0x7f: {  	_ =	shalt  }
0x80: {  	_ =	shalt  }
0x81: {  	_ =	shalt  }
0x82: {  	_ =	shalt  }
0x83: {  	_ =	shalt  }
0x84: {  	_ =	shalt  }
0x85: {  	_ =	shalt  }
0x86: {  	_ =	shalt  }
0x87: {  	_ =	shalt  }
.Lfunc_end0:
.L_simem_size_0:
called_computation.1_lowered:
.L_overlay_start_0:
0x88: {  	s2 =	sld [smem:$0x3FD9]  }
0x89: {  	s3 =	sld [smem:$0x3FFE];
	_ =	sdelay $0x1  }
0x8a: {  	s1 =	srdreg.scid  }
0x8b: {  	s0 =	sand.u32 $0x1, s1  }
0x8c: {  	s17 =	sshll.u32 s0, $0xA;
	s2 =	sadd.s32 s3, s2  }
0x8d: {  	s2 =	sadd.s32 s2, s17  }
0x8e: {  	[smem:$0x3FC2] =	sst s2  }
0x8f: {  	_ = 	snop  }
0x90: {  	s2 =	sld [smem:$0x3FD0];
	(tm) =	ssettm $0x1  }
0x91: {  	s18 =	sld [smem:$0x3FFB];
	_ =	sdelay $0x3  }
0x92: {  	_ =	strace s18  }
0x93: {  	s3 =	sld [smem:$0x3FFC];
	_ =	sdelay $0x3  }
0x94: {  	_ =	strace s3  }
0x95: {  	s3 =	sld [smem:$0x3FFD];
	_ =	sdelay $0x3  }
0x96: {  	_ =	strace s3  }
0x97: {  	_ =	strace $0x8FFFFFFF  }
0x98: {  	s19 =	sld [smem:$0x3FDB];
	_ =	sdelay $0x1  }
0x99: {  	s4 =	simm.s32 $_scs_section_size  }
0x9a: {  	s5 =	simm.s32 $_size__tile_overlayer_lowered;
	s6 =	simm.s32 $_tile_overlayer_lowered  }
0x9b: {  	s22 =	simm.s32 $0x1BFF;
	s21 =	sshll.u32 s6, $0x1;
	s3 =	sadd.s32 s4, s19  }
0x9c: {  	s7 =	simm.s32 $0x0;
	s20 =	sshll.u32 s5, $0x1;
	s5 =	sadd.s32 s21, s3  }
0x9d: {  	[timem:s7], [sflag:s22] =	dma.local [hbm:s5], s20  }
0x9e: {  	_ =	swait.ge [sflag:s22], s20  }
0x9f: {  	s4 =	ssub.s32 $0x0, s20;
	[sflag:s22] =	ssyncset.done $0x0  }
0xa0: {  	[sflag:s22] =	ssyncadd.s32 s4;
	_ =	sdelay $0x1  }
0xa1: {  	s23 =	simm.s32 $0x1B8B  }
0xa2: {  	_ =	swait.ge [sflag:s23], $0x1  }
0xa3: {  	[sflag:s23] =	ssyncset.done $0x0  }
0xa4: {  	s25 =	simm.s32 $0x1B8E;
	s24 =	sld [smem:$0x3FFE];
	[sflag:s23] =	ssyncadd.s32 $0xFFFFFFFF  }
0xa5: {  	s26 =	simm.s32 $execute0_lowered;
	[smem:$0x3FD2] =	sst s25  }
0xa6: {  	s5 =	sshll.u32 s26, $0x1;
	_ =	strace $0x80000049;
	[dreg:$0x1] =	wrdreg $0xFFFFFFFF  }
0xa7: {  	s28 =	simm.s32 $_size_execute0_lowered;
	s3 =	sadd.s32 s3, s5;
	[dreg:$0x0] =	wrdreg $0x0  }
0xa8: {  	s5 =	sshll.u32 s28, $0x1;
	[dreg:$0x2] =	wrdreg s3  }
0xa9: {  	[dreg:$0x3] =	wrdreg s5  }
0xaa: {  	[dreg:$0x4] =	wrdreg $0xC0  }
0xab: {  	_ =	task [dreg:s7], $0x5FFFF  }
0xac: {  	[dreg:$0x1] =	wrdreg $0xFFFFFFFF  }
0xad: {  	[dreg:$0x0] =	wrdreg $0x60  }
0xae: {  	[dreg:$0x2] =	wrdreg s24  }
0xaf: {  	[dreg:$0x3] =	wrdreg s2  }
0xb0: {  	[dreg:$0x4] =	wrdreg $0xA8000  }
0xb1: {  	[dreg:$0x5] =	wrdreg $0x9  }
0xb2: {  	_ =	task.clear_ibuf [dreg:s7], $0x6FFFF;
	_ =	strace $0x90000049  }
0xb3: {  	s29 =	simm.s32 $0x9;
	_ =	strace $0x8000004B  }
0xb4: {  	_ =	swait.ge [sflag:s29], $0x1  }
0xb5: {  	[sflag:s29] =	ssyncadd.s32 $0xFFFFFFFF  }
0xb6: {  	_ =	strace $0x9000004B  }
0xb7: {  	_ =	sfence  }
0xb8: {  	s30 =	sld [smem:$0x0];
	_ =	sdelay $0x2  }
0xb9: {  	s31 =	sshll.u32 s1, $0xD;
	s1 =	sshrl.u32 s1, $0x2  }
0xba: {  	s3 =	sand.u32 $0x4000, s31;
	s1 =	sadd.s32 s1, s30  }
0xbb: {  	s0 =	sor.u32 s3, s0;
	s1 =	sshll.u32 s1, $0x11  }
0xbc: {  	s0 =	sor.u32 s1, s0  }
0xbd: {  	s0 =	sadd.s32 $0x8F2B, s0  }
0xbe: {  	[sflag:s0] =	ssyncadd.remote.s32 $0x1  }
0xbf: {  	_ =	sfence.sel $0xFFFF  }
0xc0: {  	[dreg:$0x0] =	wrdreg $0xFFFFFFFF;
	(pc) =	sbr.abs _section_cstart, $3  }
0xc1: {  	[dreg:$0x1] =	wrdreg $0xFFFFFFFF  }
0xc2: {  	_ =	task.clear_ibuf [dreg:s7], $0x2FFFF;
	_ =	strace $0x9FFFFFFF  }
0xc3: {  	(tm) =	ssettm $0x7FFFFFFF  }
tec
execute0_lowered:
.L_overlay_start_1:
0x0: {  	(tag) =	ssettag $0x1  }
0x1: {  	s0 =	rddreg [dreg:$0x0]  }
0x2: {  	s1 =	rddreg [dreg:$0x1]  }
0x3: {  	s2 =	rddreg [dreg:$0x2];
	s3 =	simm.s32 $0x0;
	s4 =	srdreg.scid  }
0x4: {  	s16 =	stileid.u32;
	s28 =	simm.s32 $0x6;
	s31 =	simm.s32 $0x1  }
0x5: {  	s29 =	simm.s32 $0x2;
	s30 =	simm.s32 $0x180;
	[smem:$0x7FF] =	sst s3  }
0x6: {  	s4 =	sand.u32 $0x1, s4;
	s5 =	sadd.s32 $0x21800, s0;
	s9 =	smul.u32 $0x50000, s16  }
0x7: {  	s8 =	sadd.s32 $0x2400, s0;
	s0 =	sadd.s32 $0x48A00, s0;
	s11 =	smul.u32 $0x14000, s16  }
0x8: {  	s23 =	sshll.u32 s16, $0x1;
	s10 =	sshll.u32 s16, $0x6;
	s22 =	smul.u32 $0xFA00, s16  }
0x9: {  	_ =	strace $0x8000004A;
	s6 =	ssub.s32 $0x2, s4;
	s15 =	smul.u32 $0x140000, s4  }
0xa: {  	s12 =	sor.u32 s4, s23;
	s4 =	smul.u32 $0x7D00, s4;
	s7 =	sshrl.u32 s6, $0x1  }
0xb: {  	s9 =	sshrl.u32 s9, $0x2;
	s25 =	sadd.s32 $0x4000, s11;
	s26 =	sadd.s32 $0x8000, s11  }
0xc: {  	s12 =	smul.u32 $0x7D00, s12;
	s19 =	sadd.s32 $0xC000, s11;
	s14 =	sadd.s32 $0x10000, s11  }
0xd: {  	s6 =	ssub.s32 s6, s7;
	s24 =	sadd.s32 s9, s2;
	s7 =	sor.u32 $0x1C07, s10  }
0xe: {  	s13 =	sadd.s32 s25, s2;
	s18 =	sadd.s32 s26, s2;
	s17 =	sadd.s32 s19, s2  }
0xf: {  	s20 =	sadd.s32 s14, s2;
	s11 =	sadd.s32 s11, s15;
	[dreg:$0x4] =	wrdreg s24  }
0x10: {  	s9 =	sadd.s32 s15, s25;
	s10 =	sadd.s32 s15, s26;
	[dreg:$0x5] =	wrdreg s13  }
0x11: {  	s4 =	sadd.s32 s4, s22;
	s25 =	sadd.s32 s15, s14;
	[dreg:$0x6] =	wrdreg s18  }
0x12: {  	s22 =	simm.s32 $0x7;
	s12 =	sshrl.u32 s12, $0x3;
	[dreg:$0x7] =	wrdreg s17  }
0x13: {  	[dreg:$0x8] =	wrdreg s20;
	s11 =	sshrl.u32 s11, $0x3;
	s9 =	sshrl.u32 s9, $0x3  }
0x14: {  	s23 =	sshrl.u32 s10, $0x3;
	s24 =	sadd.s32 s15, s19;
	s4 =	sadd.s32 $0x300, s4  }
0x15: {  	s26 =	sshrl.u32 s25, $0x3;
	s20 =	smax.u32 s6, $0x1;
	s25 =	simm.s32 $0x50  }
0x16: {  	s6 =	simm.s32 $0x0;
	s12 =	sadd.s32 s8, s12;
	s11 =	sadd.s32 s0, s11  }
0x17: {  	s9 =	sadd.s32 s0, s9;
	s4 =	sshrl.u32 s4, $0x3;
	[dreg:$0x9] =	wrdreg s12  }
0x18: {  	s19 =	sadd.s32 s0, s26;
	s26 =	simm.s32 $0x4;
	[dreg:$0xc] =	wrdreg s11  }
.Ltmp0:
0x19: {  	s21 =	sadd.s32 $0x20, s12;
	[dreg:$0xd] =	wrdreg s9;
	(pc) =	sbr.rel .LBB2_1-.Ltmp0, $4  }
0x1a: {  	s12 =	sadd.s32 $0x40, s12;
	s9 =	sadd.s32 s0, s23;
	[dreg:$0xa] =	wrdreg s21  }
0x1b: {  	s15 =	sadd.s32 s4, s8;
	s23 =	simm.s32 $0x100;
	[dreg:$0xb] =	wrdreg s12  }
0x1c: {  	s4 =	simm.s32 $0x80;
	[dreg:$0xe] =	wrdreg s9;
	s9 =	sshrl.u32 s24, $0x3  }
0x1d: {  	s24 =	simm.s32 $0x5;
	s18 =	sadd.s32 s0, s9;
	s0 =	simm.s32 $0x3  }
.LBB2_15:
0x1e: {  	_ =	swait.ge [sflag:s26], $0x2800  }
0x1f: {  	[sflag:s26] =	ssyncset.done $0x0  }
0x20: {  	[sflag:s26] =	ssyncadd.s32 $0xFFFFD800  }
0x21: {  	_ =	swait.ge [sflag:s0], $0x2800  }
0x22: {  	[sflag:s0] =	ssyncset.done $0x0  }
0x23: {  	[sflag:s0] =	ssyncadd.s32 $0xFFFFD800  }
0x24: {  	[bflag:$0x0] =	sbarrier.arrive $0xFFFF  }
0x25: {  	s12 =	rddreg [dreg:$0xc]  }
0x26: {  	[hbm:s12], [sflag:s7] =	dma.local [spmem:s8], $0x800  }
0x27: {  	_ =	swait.ge [sflag:s22], $0x800  }
0x28: {  	[sflag:s22] =	ssyncset.done $0x0  }
0x29: {  	s17 =	rddreg [dreg:$0xd];
	[sflag:s22] =	ssyncadd.s32 $0xFFFFF800  }
0x2a: {  	[hbm:s17], [sflag:s7] =	dma.local [spmem:s9], $0x800  }
0x2b: {  	_ =	swait.ge [sflag:s22], $0x800  }
0x2c: {  	[sflag:s22] =	ssyncset.done $0x0  }
0x2d: {  	s21 =	rddreg [dreg:$0xe];
	[sflag:s22] =	ssyncadd.s32 $0xFFFFF800  }
0x2e: {  	[hbm:s21], [sflag:s7] =	dma.local [spmem:s10], $0x800  }
0x2f: {  	_ =	swait.ge [sflag:s22], $0x800  }
0x30: {  	[sflag:s22] =	ssyncset.done $0x0  }
0x31: {  	[sflag:s22] =	ssyncadd.s32 $0xFFFFF800  }
0x32: {  	[hbm:s18], [sflag:s7] =	dma.local [spmem:s11], $0x800  }
0x33: {  	s6 =	sadd.s32 $0x1, s6;
	_ =	swait.ge [sflag:s22], $0x800  }
0x34: {  	p0 =	sne.s32 s6, s20;
	[sflag:s22] =	ssyncset.done $0x0  }
.Ltmp1:
0x35: {  	[sflag:s22] =	ssyncadd.s32 $0xFFFFF800;
	(pc) =	sbr.rel @!p0 .LBB2_16-.Ltmp1, $4  }
0x36: {  	[hbm:s19], [sflag:s7] =	dma.local [spmem:s13], $0x800  }
0x37: {  	_ =	swait.ge [sflag:s22], $0x800  }
0x38: {  	[sflag:s22] =	ssyncset.done $0x0  }
0x39: {  	[sflag:s22] =	ssyncadd.s32 $0xFFFFF800  }
.LBB2_1:
0x3a: {  	s8 =	rddreg [dreg:$0x4]  }
0x3b: {  	s8 =	sshrl.u32 s8, $0x3  }
0x3c: {  	[spmem:s8], [sflag:s7] =	dma.local [hbm:s1], $0x800  }
0x3d: {  	_ =	swait.ge [sflag:s22], $0x800  }
0x3e: {  	[sflag:s22] =	ssyncset.done $0x0;
	s9 =	rddreg [dreg:$0x5]  }
0x3f: {  	[sflag:s22] =	ssyncadd.s32 $0xFFFFF800;
	s9 =	sshrl.u32 s9, $0x3  }
0x40: {  	[spmem:s9], [sflag:s7] =	dma.local [hbm:s1], $0x800  }
0x41: {  	_ =	swait.ge [sflag:s22], $0x800  }
0x42: {  	[sflag:s22] =	ssyncset.done $0x0;
	s10 =	rddreg [dreg:$0x6]  }
0x43: {  	[sflag:s22] =	ssyncadd.s32 $0xFFFFF800;
	s10 =	sshrl.u32 s10, $0x3  }
0x44: {  	[spmem:s10], [sflag:s7] =	dma.local [hbm:s1], $0x800  }
0x45: {  	_ =	swait.ge [sflag:s22], $0x800  }
0x46: {  	[sflag:s22] =	ssyncset.done $0x0;
	s11 =	rddreg [dreg:$0x7]  }
0x47: {  	[sflag:s22] =	ssyncadd.s32 $0xFFFFF800;
	s11 =	sshrl.u32 s11, $0x3  }
0x48: {  	[spmem:s11], [sflag:s7] =	dma.local [hbm:s1], $0x800  }
0x49: {  	_ =	swait.ge [sflag:s22], $0x800  }
0x4a: {  	[sflag:s22] =	ssyncset.done $0x0;
	s12 =	rddreg [dreg:$0x8]  }
0x4b: {  	[sflag:s22] =	ssyncadd.s32 $0xFFFFF800;
	s13 =	sshrl.u32 s12, $0x3  }
0x4c: {  	[spmem:s13], [sflag:s7] =	dma.local [hbm:s1], $0x800  }
0x4d: {  	_ =	swait.ge [sflag:s22], $0x800  }
0x4e: {  	[sflag:s22] =	ssyncset.done $0x0  }
0x4f: {  	[sflag:s22] =	ssyncadd.s32 $0xFFFFF800  }
0x50: {  	[bflag:$0x0] =	sbarrier.arrive $0xFFFF  }
0x51: {  	s21 =	rddreg [dreg:$0x9]  }
0x52: {  	[tilespmem:s3], [sflag:$0x5] =	stream.linear.gather [hbm4b:s21+s3], $0x100, $0x38;
	[tilespmem:$0x1E800] =	vst v63  }
0x53: {  	s14 =	rddreg [dreg:$0xa]  }
0x54: {  	[tilespmem:s23], [sflag:$0x6] =	stream.linear.gather [hbm4b:s14+s3], $0x100, $0x38;
	[tilespmem:$0x1E800] =	vst v63  }
0x55: {  	_ =	swait.ge [sflag:s24], $0x100  }
0x56: {  	[sflag:s24] =	ssyncset.done $0x0  }
0x57: {  	s16 =	simm.s32 $0x800;
	[sflag:s24] =	ssyncadd.s32 $0xFFFFFF00  }
0x58: {  	[tilespmem:s16], [sflag:$0x1] =	stream.indirect.gather [hbm4b:s5+s25], $0x80, s3, s25, $0xb8;
	[tilespmem:$0x1E800] =	vst v63  }
0x59: {  	_ =	swait.ge [sflag:s28], $0x100  }
0x5a: {  	[sflag:s28] =	ssyncset.done $0x0  }
.Ltmp2:
0x5b: {  	s17 =	simm.s32 $0x3000;
	[sflag:s28] =	ssyncadd.s32 $0xFFFFFF00;
	(pc) =	sbr.rel .LBB2_2-.Ltmp2, $4  }
0x5c: {  	[tilespmem:s17], [sflag:$0x2] =	stream.indirect.gather [hbm4b:s5+s25], $0x80, s23, s25, $0xb8;
	[tilespmem:$0x1E800] =	vst v63  }
0x5d: {  	s14 =	simm.s32 $0x200;
	s21 =	rddreg [dreg:$0xb]  }
0x5e: {  	[tilespmem:s14], [sflag:$0x5] =	stream.linear.gather [hbm4b:s21+s3], $0x100, $0x38;
	[tilespmem:$0x1E800] =	vst v63  }
0x5f: {  	s16 =	simm.s32 $0x0;
	s14 =	simm.s32 $0xC00;
	s21 =	smov.u32 s15  }
.LBB2_13:
0x60: {  	s17 =	sand.u32 s17, s14  }
0x61: {  	s17 =	sshrl.u32 s17, $0x2  }
0x62: {  	[tilespmem:s17], [sflag:s12] =	stream.linear.gather [hbm4b:s21+s3], $0x100, $0x38;
	[tilespmem:$0x1E800] =	vst v63  }
.LBB2_14:
0x63: {  	s16 =	sadd.s32 $0x1, s16  }
0x64: {  	p0 =	sne.s32 s16, $0x7D  }
.Ltmp3:
0x65: {  	_ = 	snop;
	(pc) =	sbr.rel @!p0 .LBB2_15-.Ltmp3, $2  }
0x66: {  	_ =	sdelay $0x2  }
0x67: {  	s14 =	sadd.s32 $0x400, s14;
	s21 =	sadd.s32 $0x20, s21  }
.LBB2_2:
0x68: {  	s12 =	sand.u32 $0x1, s16  }
0x69: {  	p1 =	seq.s32 s12, $0x1  }
.Ltmp4:
0x6a: {  	_ = 	snop;
	(pc) =	sbr.rel @p1 .LBB2_5-.Ltmp4, $2  }
0x6b: {  	_ =	sdelay $0x2  }
0x6c: {  	s17 =	sand.u32 $0x7, s16;
	p0 =	sgt.u32 s16, $0x1;
	s12 =	sand.u32 $0x3, s16  }
.Ltmp5:
0x6d: {  	(pc) =	sbr.rel @!p0 .LBB2_4-.Ltmp5, $4  }
0x6e: {  	_ = 	snop  }
0x6f: {  	_ =	swait.ge [sflag:s31], $0x2800  }
0x70: {  	[sflag:s31] =	ssyncset.done $0x0  }
0x71: {  	s12 =	smul.u32 $0xA000, s12;
	[sflag:s31] =	ssyncadd.s32 $0xFFFFD800  }
0x72: {  	p0 =	slt.u32 s16, $0x7B  }
.Ltmp6:
0x73: {  	_ = 	snop;
	(pc) =	sbr.rel @!p0 .LBB2_14-.Ltmp6, $4  }
.Ltmp7:
0x74: {  	_ =	swait.ge [sflag:s0], $0x2800;
	(pc) =	sbr.rel @p0 .LBB2_8-.Ltmp7, $4  }
0x75: {  	s17 =	sshll.u32 s17, $0x8;
	[sflag:s0] =	ssyncset.done $0x0;
	s12 =	sshrl.u32 s12, $0x2  }
0x76: {  	s17 =	sor.u32 $0x80, s17;
	[sflag:s0] =	ssyncadd.s32 $0xFFFFD800;
	s12 =	sadd.s32 $0x800, s12  }
0x77: {  	[spmem:s2] =	stream.indirect.scatter.add.f32 [tilespmem:s12], [sflag:$0x3], $0x80, s17, s25, $0xb8;
	[tilespmem:$0x1E800] =	vst v63  }
0x78: {  	_ = 	snop  }
.LBB2_5:
.Ltmp8:
0x79: {  	(pc) =	sbr.rel @!p0 .LBB2_6-.Ltmp8, $4  }
0x7a: {  	_ = 	snop  }
0x7b: {  	_ =	swait.ge [sflag:s29], $0x2800;
	s12 =	smul.u32 $0xA000, s12  }
0x7c: {  	[sflag:s29] =	ssyncset.done $0x0  }
0x7d: {  	[sflag:s29] =	ssyncadd.s32 $0xFFFFD800;
	s12 =	sshrl.u32 s12, $0x2  }
0x7e: {  	p0 =	slt.u32 s16, $0x7B  }
.Ltmp9:
0x7f: {  	_ = 	snop;
	(pc) =	sbr.rel @!p0 .LBB2_14-.Ltmp9, $4  }
.Ltmp10:
0x80: {  	_ =	swait.ge [sflag:s26], $0x2800;
	(pc) =	sbr.rel @p0 .LBB2_11-.Ltmp10, $4  }
0x81: {  	s17 =	sshll.u32 s17, $0x8;
	[sflag:s26] =	ssyncset.done $0x0  }
0x82: {  	s12 =	sadd.s32 $0x800, s12;
	s17 =	sor.u32 $0x80, s17;
	[sflag:s26] =	ssyncadd.s32 $0xFFFFD800  }
0x83: {  	[spmem:s2] =	stream.indirect.scatter.add.f32 [tilespmem:s12], [sflag:$0x4], $0x80, s17, s25, $0xb8;
	[tilespmem:$0x1E800] =	vst v63  }
0x84: {  	_ = 	snop  }
.LBB2_4:
0x85: {  	_ = 	snop  }
0x86: {  	s12 =	sshrl.u32 s12, $0x2  }
0x87: {  	s12 =	sadd.s32 $0x800, s12  }
0x88: {  	[spmem:s2] =	stream.indirect.scatter.add.f32 [tilespmem:s12], [sflag:$0x3], $0x80, s4, s25, $0xb8;
	[tilespmem:$0x1E800] =	vst v63  }
.LBB2_8:
0x89: {  	s12 =	sxor.u32 $0xFFFFFFFF, s16  }
0x8a: {  	s12 =	sand.u32 $0x2, s12  }
0x8b: {  	p0 =	slt.u32 s16, $0x7A;
	s12 =	smul.u32 $0xA000, s12  }
.Ltmp11:
0x8c: {  	_ = 	snop;
	(pc) =	sbr.rel @!p0 .LBB2_14-.Ltmp11, $4  }
0x8d: {  	_ =	swait.ge [sflag:s24], $0x100;
	s17 =	sadd.s32 $0xFFFFFC00, s14  }
0x8e: {  	[sflag:s24] =	ssyncset.done $0x0;
	s17 =	sand.u32 $0x1800, s17;
	s12 =	sshrl.u32 s12, $0x2  }
0x8f: {  	[sflag:s24] =	ssyncadd.s32 $0xFFFFFF00;
	s17 =	sshrl.u32 s17, $0x2;
	s12 =	sor.u32 $0x800, s12  }
0x90: {  	[tilespmem:s12], [sflag:$0x1] =	stream.indirect.gather [hbm4b:s5+s25], $0x80, s17, s25, $0xb8;
	[tilespmem:$0x1E800] =	vst v63  }
.Ltmp12:
0x91: {  	(pc) =	sbr.rel .LBB2_13-.Ltmp12, $2  }
0x92: {  	_ =	sdelay $0x2  }
0x93: {  	s12 =	simm.s32 $0x6;
	s17 =	simm.s32 $0x1C00  }
.LBB2_6:
0x94: {  	s12 =	sadd.s32 $0x800, s12  }
0x95: {  	[spmem:s2] =	stream.indirect.scatter.add.f32 [tilespmem:s12], [sflag:$0x4], $0x80, s30, s25, $0xb8;
	[tilespmem:$0x1E800] =	vst v63  }
.LBB2_11:
0x96: {  	s12 =	sadd.s32 $0x2, s16  }
0x97: {  	s12 =	sand.u32 $0x3, s12  }
0x98: {  	p0 =	sgt.u32 s16, $0x79;
	s12 =	smul.u32 $0xA000, s12  }
.Ltmp13:
0x99: {  	_ = 	snop;
	(pc) =	sbr.rel @p0 .LBB2_14-.Ltmp13, $4  }
0x9a: {  	_ =	swait.ge [sflag:s28], $0x100;
	s17 =	sadd.s32 $0xFFFFFC00, s14  }
0x9b: {  	[sflag:s28] =	ssyncset.done $0x0;
	s17 =	sand.u32 $0x1C00, s17;
	s12 =	sshrl.u32 s12, $0x2  }
0x9c: {  	[sflag:s28] =	ssyncadd.s32 $0xFFFFFF00;
	s17 =	sshrl.u32 s17, $0x2;
	s12 =	sadd.s32 $0x800, s12  }
0x9d: {  	[tilespmem:s12], [sflag:$0x2] =	stream.indirect.gather [hbm4b:s5+s25], $0x80, s17, s25, $0xb8;
	[tilespmem:$0x1E800] =	vst v63  }
.Ltmp14:
0x9e: {  	(pc) =	sbr.rel .LBB2_13-.Ltmp14, $2  }
0x9f: {  	_ =	sdelay $0x2  }
0xa0: {  	s12 =	simm.s32 $0x5;
	s17 =	simm.s32 $0x1800  }
.LBB2_16:
0xa1: {  	_ =	sfence.sel $0x180000  }
0xa2: {  	[bflag:$0x0] =	sbarrier.arrive $0xFFFF  }
0xa3: {  	_ =	strace $0x9000004A  }
0xa4: {  	s0 =	stileid.u32;
	[bflag:$0x2] =	sbarrier.arrive $0xFFFF  }
0xa5: {  	p0 =	sne.s32 s0, $0x0;
	s0 =	rddreg [dreg:$0x3]  }
0xa6: {  	s0 =	sadd.s32 @!p0 $0x100000, s0  }
0xa7: {  	[sflag:s0] =	ssyncadd.tile.s32 @!p0 $0x1;
	_ =	shalt  }
.Lfunc_end2:
_tile_overlayer_lowered:
.L_overlay_start_2:
0xa8: {  	(tag) =	ssettag $0x2  }
0xa9: {  	s0 =	rddreg [dreg:$0x0];
	s2 =	stileid.u32  }
0xaa: {  	s1 =	rddreg [dreg:$0x1];
	p0 =	sne.s32 s2, $0x0  }
0xab: {  	s3 =	rddreg [dreg:$0x2];
	[bflag:$0x3] =	sbarrier.arrive $0xFFFF;
	s2 =	simm.s32 @!p0 $0x1C07  }
0xac: {  	[timem:s3], [sflag:s2] =	dma.local @!p0 [hbm:s0], s1  }
0xad: {  	s0 =	simm.s32 @!p0 $0x7  }
0xae: {  	_ =	swait.ge @!p0 [sflag:s0], s1  }
0xaf: {  	s1 =	ssub.s32 @!p0 $0x0, s1;
	[sflag:s0] =	ssyncset.done @!p0 $0x0  }
0xb0: {  	[sflag:s0] =	ssyncadd.s32 @!p0 s1  }
0xb1: {  	[bflag:$0x3] =	sbarrier.arrive $0xFFFF  }
0xb2: {  	_ =	shalt  }

// kernel: kernel.14.cloned.1.call-start
scs
__scs_entry_jumppad:
0x0: {  	(pc) =	sbr.rel $0x88, $3  }
0x1: {  	(tag) =	ssettag $0x0;
	lr =	simm.s32 $0x1  }
0x2: {  	[smem:$0x3F9B] =	sst lr;
	_ =	strace $0xD0000000  }
0x3: {  	_ = 	snop  }
0x4: {  	_ = 	snop  }
0x5: {  	_ = 	snop  }
0x6: {  	_ = 	snop  }
0x7: {  	_ = 	snop  }
__scs_overlays_trampoline_lowered:
0x8: {  	[smem:$0x3FAA] =	sst s0  }
0x9: {  	[smem:$0x3FAB] =	sst s1  }
0xa: {  	[smem:$0x3FAC] =	sst s2  }
0xb: {  	[smem:$0x3FAD] =	sst s3  }
0xc: {  	[smem:$0x3FAE] =	sst s4  }
0xd: {  	[smem:$0x3FAF] =	sst s5  }
0xe: {  	[smem:$0x3FB0] =	sst s6  }
0xf: {  	[smem:$0x3FB1] =	sst s7  }
0x10: {  	[smem:$0x3FB2] =	sst s8  }
0x11: {  	[smem:$0x3FB3] =	sst s9;
	s0 =	simm.s32 @!p0 $0x0  }
0x12: {  	s1 =	sld [smem:$0x3F99];
	s0 =	simm.s32 @p0 $0x1  }
0x13: {  	[smem:$0x3FB4] =	sst s0;
	s0 =	simm.s32 @!p1 $0x0  }
0x14: {  	s2 =	sld [smem:$0x3F98];
	s0 =	simm.s32 @p1 $0x1  }
0x15: {  	[smem:$0x3FB5] =	sst s0;
	s0 =	simm.s32 @!p2 $0x0  }
0x16: {  	s3 =	sld [smem:$0x3FDB];
	s0 =	simm.s32 @p2 $0x1  }
0x17: {  	s4 =	simm.s32 $0x1BF5;
	[smem:$0x3FB7] =	sst s0  }
0x18: {  	s0 =	sld [smem:$0x3F9A];
	_ =	swait.ge [sflag:s4], $0x0  }
0x19: {  	s7 =	sld [smem:$0x3F9B]  }
0x1a: {  	s8 =	sadd.s32 $0xFFFFE003, lr  }
0x1b: {  	s9 =	sadd.s32 $0xFFFFFEF7, lr;
	s5 =	simm.s32 $0xFFFFFFFF;
	p2 =	slt.u32 s8, $0xFFFFF086  }
0x1c: {  	p1 =	slt.u32 s9, $0xF7A;
	s5 =	simm.s32 @!p2 $0x0  }
0x1d: {  	s5 =	simm.s32 @p1 $0x1;
	p0 =	seq.s32 s7, s2  }
0x1e: {  	s7 =	smul.u32 @!p0 $0xF7A, s2;
	p2 =	seq.s32 @!p0 s5, $0x0  }
0x1f: {  	s9 =	smul.u32 $0xF7A, s1;
	s8 =	simm.s32 @!p0 $0x1BF5;
	p2 =	por !p2, p0  }
0x20: {  	[sflag:s8] =	ssyncset.s32 @!p0 $0xFFFFF086;
	s6 =	sadd.s32 @!p0 s3, s7;
	s7 =	simm.s32 @!p0 $0x108  }
0x21: {  	s3 =	sadd.s32 s3, s9;
	s6 =	sadd.s32 @!p0 $0x88, s6;
	s7 =	simm.s32 @p2 $0x1082  }
0x22: {  	[simem:s7], [sflag:s8] =	dma.local @!p0 [hbm:s6], $0xF7A  }
0x23: {  	s9 =	sor.u32 $0xD0000000, s2;
	s6 =	simm.s32 $0x108;
	_ =	swait.ge @!p0 [sflag:s8], $0x0  }
0x24: {  	s3 =	sadd.s32 $0x88, s3;
	s6 =	simm.s32 @!p1 $0x1082;
	[sflag:s4] =	ssyncset.s32 $0xFFFFF086  }
0x25: {  	[simem:s6], [sflag:s4] =	dma.local [hbm:s3], $0xF7A  }
0x26: {  	[smem:$0x3F9B] =	sst s1;
	(tag) =	ssettag s2;
	_ =	strace s9  }
0x27: {  	s1 =	sld [smem:$0x3FAB]  }
0x28: {  	s2 =	sld [smem:$0x3FAC]  }
0x29: {  	s4 =	sld [smem:$0x3FAE]  }
0x2a: {  	p0 =	seq.s32 s5, $0x0;
	s5 =	sld [smem:$0x3FAF]  }
0x2b: {  	s6 =	sld [smem:$0x3FB0]  }
0x2c: {  	s7 =	sld [smem:$0x3FB1]  }
0x2d: {  	s3 =	simm.s32 $0x108;
	s8 =	sld [smem:$0x3FB2]  }
0x2e: {  	s3 =	simm.s32 @!p0 $0x1082;
	s9 =	sld [smem:$0x3FB3]  }
0x2f: {  	lr =	sadd.s32 s0, s3;
	s0 =	sld [smem:$0x3FAA]  }
0x30: {  	s3 =	sld [smem:$0x3FAD]  }
0x31: {  	[smem:$0x3FB6] =	sst s10  }
0x32: {  	s10 =	sld [smem:$0x3FB4];
	_ =	sdelay $0x3  }
0x33: {  	p0 =	seq.s32 s10, $0x1;
	s10 =	sld [smem:$0x3FB6];
	_ =	sdelay $0x3  }
0x34: {  	[smem:$0x3FB6] =	sst s10  }
0x35: {  	s10 =	sld [smem:$0x3FB5];
	_ =	sdelay $0x3  }
0x36: {  	p1 =	seq.s32 s10, $0x1;
	s10 =	sld [smem:$0x3FB6];
	_ =	sdelay $0x3  }
0x37: {  	[smem:$0x3FB6] =	sst s10  }
0x38: {  	s10 =	sld [smem:$0x3FB7]  }
0x39: {  	_ = 	snop;
	(pc) =	sbr.ind lr, $3  }
0x3a: {  	_ = 	snop  }
0x3b: {  	_ = 	snop  }
0x3c: {  	p2 =	seq.s32 s10, $0x1;
	s10 =	sld [smem:$0x3FB6]  }
0x3d: {  	_ =	shalt  }
0x3e: {  	_ =	shalt  }
0x3f: {  	_ =	shalt  }
0x40: {  	_ =	shalt  }
0x41: {  	_ =	shalt  }
0x42: {  	_ =	shalt  }
0x43: {  	_ =	shalt  }
0x44: {  	_ =	shalt  }
0x45: {  	_ =	shalt  }
0x46: {  	_ =	shalt  }
0x47: {  	_ =	shalt  }
0x48: {  	_ =	shalt  }
0x49: {  	_ =	shalt  }
0x4a: {  	_ =	shalt  }
0x4b: {  	_ =	shalt  }
0x4c: {  	_ =	shalt  }
0x4d: {  	_ =	shalt  }
0x4e: {  	_ =	shalt  }
0x4f: {  	_ =	shalt  }
0x50: {  	_ =	shalt  }
0x51: {  	_ =	shalt  }
0x52: {  	_ =	shalt  }
0x53: {  	_ =	shalt  }
0x54: {  	_ =	shalt  }
0x55: {  	_ =	shalt  }
0x56: {  	_ =	shalt  }
0x57: {  	_ =	shalt  }
0x58: {  	_ =	shalt  }
0x59: {  	_ =	shalt  }
0x5a: {  	_ =	shalt  }
0x5b: {  	_ =	shalt  }
0x5c: {  	_ =	shalt  }
0x5d: {  	_ =	shalt  }
0x5e: {  	_ =	shalt  }
0x5f: {  	_ =	shalt  }
0x60: {  	_ =	shalt  }
0x61: {  	_ =	shalt  }
0x62: {  	_ =	shalt  }
0x63: {  	_ =	shalt  }
0x64: {  	_ =	shalt  }
0x65: {  	_ =	shalt  }
0x66: {  	_ =	shalt  }
0x67: {  	_ =	shalt  }
0x68: {  	_ =	shalt  }
0x69: {  	_ =	shalt  }
0x6a: {  	_ =	shalt  }
0x6b: {  	_ =	shalt  }
0x6c: {  	_ =	shalt  }
0x6d: {  	_ =	shalt  }
0x6e: {  	_ =	shalt  }
0x6f: {  	_ =	shalt  }
0x70: {  	_ =	shalt  }
0x71: {  	_ =	shalt  }
0x72: {  	_ =	shalt  }
0x73: {  	_ =	shalt  }
0x74: {  	_ =	shalt  }
0x75: {  	_ =	shalt  }
0x76: {  	_ =	shalt  }
0x77: {  	_ =	shalt  }
0x78: {  	_ =	shalt  }
0x79: {  	_ =	shalt  }
0x7a: {  	_ =	shalt  }
0x7b: {  	_ =	shalt  }
0x7c: {  	_ =	shalt  }
0x7d: {  	_ =	shalt  }
0x7e: {  	_ =	shalt  }
0x7f: {  	_ =	shalt  }
0x80: {  	_ =	shalt  }
0x81: {  	_ =	shalt  }
0x82: {  	_ =	shalt  }
0x83: {  	_ =	shalt  }
0x84: {  	_ =	shalt  }
0x85: {  	_ =	shalt  }
0x86: {  	_ =	shalt  }
0x87: {  	_ =	shalt  }
.Lfunc_end0:
.L_simem_size_0:
called_computation.2_lowered:
.L_overlay_start_0:
0x88: {  	s2 =	sld [smem:$0x3FD9]  }
0x89: {  	s3 =	sld [smem:$0x3FFE];
	_ =	sdelay $0x1  }
0x8a: {  	s1 =	srdreg.scid  }
0x8b: {  	s0 =	sand.u32 $0x1, s1  }
0x8c: {  	s17 =	sshll.u32 s0, $0xA;
	s2 =	sadd.s32 s3, s2  }
0x8d: {  	s2 =	sadd.s32 s2, s17  }
0x8e: {  	[smem:$0x3FC2] =	sst s2  }
0x8f: {  	_ = 	snop  }
0x90: {  	s2 =	sld [smem:$0x3FD0];
	(tm) =	ssettm $0x1  }
0x91: {  	s18 =	sld [smem:$0x3FFB];
	_ =	sdelay $0x3  }
0x92: {  	_ =	strace s18  }
0x93: {  	s3 =	sld [smem:$0x3FFC];
	_ =	sdelay $0x3  }
0x94: {  	_ =	strace s3  }
0x95: {  	s3 =	sld [smem:$0x3FFD];
	_ =	sdelay $0x3  }
0x96: {  	_ =	strace s3  }
0x97: {  	_ =	strace $0x8FFFFFFF  }
0x98: {  	s19 =	sld [smem:$0x3FDB];
	_ =	sdelay $0x1  }
0x99: {  	s4 =	simm.s32 $_scs_section_size  }
0x9a: {  	s5 =	simm.s32 $_size__tile_overlayer_lowered;
	s6 =	simm.s32 $_tile_overlayer_lowered  }
0x9b: {  	s22 =	simm.s32 $0x1BFF;
	s21 =	sshll.u32 s6, $0x1;
	s3 =	sadd.s32 s4, s19  }
0x9c: {  	s7 =	simm.s32 $0x0;
	s20 =	sshll.u32 s5, $0x1;
	s5 =	sadd.s32 s21, s3  }
0x9d: {  	[timem:s7], [sflag:s22] =	dma.local [hbm:s5], s20  }
0x9e: {  	_ =	swait.ge [sflag:s22], s20  }
0x9f: {  	s4 =	ssub.s32 $0x0, s20;
	[sflag:s22] =	ssyncset.done $0x0  }
0xa0: {  	[sflag:s22] =	ssyncadd.s32 s4;
	_ =	sdelay $0x1  }
0xa1: {  	s23 =	simm.s32 $0x1B8B  }
0xa2: {  	_ =	swait.ge [sflag:s23], $0x1  }
0xa3: {  	[sflag:s23] =	ssyncset.done $0x0  }
0xa4: {  	s25 =	simm.s32 $0x1B8E;
	s24 =	sld [smem:$0x3FFE];
	[sflag:s23] =	ssyncadd.s32 $0xFFFFFFFF  }
0xa5: {  	s26 =	simm.s32 $execute0_lowered;
	[smem:$0x3FD2] =	sst s25  }
0xa6: {  	s5 =	sshll.u32 s26, $0x1;
	_ =	strace $0x8000004C;
	[dreg:$0x1] =	wrdreg $0xFFFFFFFF  }
0xa7: {  	s28 =	simm.s32 $_size_execute0_lowered;
	s3 =	sadd.s32 s3, s5;
	[dreg:$0x0] =	wrdreg $0x0  }
0xa8: {  	s5 =	sshll.u32 s28, $0x1;
	[dreg:$0x2] =	wrdreg s3  }
0xa9: {  	[dreg:$0x3] =	wrdreg s5  }
0xaa: {  	[dreg:$0x4] =	wrdreg $0xC0  }
0xab: {  	_ =	task [dreg:s7], $0x5FFFF  }
0xac: {  	[dreg:$0x1] =	wrdreg $0xFFFFFFFF  }
0xad: {  	[dreg:$0x0] =	wrdreg $0x60  }
0xae: {  	[dreg:$0x2] =	wrdreg s24  }
0xaf: {  	[dreg:$0x3] =	wrdreg s2  }
0xb0: {  	[dreg:$0x4] =	wrdreg $0xA8000  }
0xb1: {  	[dreg:$0x5] =	wrdreg $0x9  }
0xb2: {  	_ =	task.clear_ibuf [dreg:s7], $0x6FFFF;
	_ =	strace $0x9000004C  }
0xb3: {  	s29 =	simm.s32 $0x9;
	_ =	strace $0x8000004E  }
0xb4: {  	_ =	swait.ge [sflag:s29], $0x1  }
0xb5: {  	[sflag:s29] =	ssyncadd.s32 $0xFFFFFFFF  }
0xb6: {  	_ =	strace $0x9000004E  }
0xb7: {  	_ =	sfence  }
0xb8: {  	s30 =	sld [smem:$0x0];
	_ =	sdelay $0x2  }
0xb9: {  	s31 =	sshll.u32 s1, $0xD;
	s1 =	sshrl.u32 s1, $0x2  }
0xba: {  	s3 =	sand.u32 $0x4000, s31;
	s1 =	sadd.s32 s1, s30  }
0xbb: {  	s0 =	sor.u32 s3, s0;
	s1 =	sshll.u32 s1, $0x11  }
0xbc: {  	s0 =	sor.u32 s1, s0  }
0xbd: {  	s0 =	sadd.s32 $0x8F2B, s0  }
0xbe: {  	[sflag:s0] =	ssyncadd.remote.s32 $0x1  }
0xbf: {  	_ =	sfence.sel $0xFFFF  }
0xc0: {  	[dreg:$0x0] =	wrdreg $0xFFFFFFFF;
	(pc) =	sbr.abs _section_cstart, $3  }
0xc1: {  	[dreg:$0x1] =	wrdreg $0xFFFFFFFF  }
0xc2: {  	_ =	task.clear_ibuf [dreg:s7], $0x2FFFF;
	_ =	strace $0x9FFFFFFF  }
0xc3: {  	(tm) =	ssettm $0x7FFFFFFF  }
tec
execute0_lowered:
.L_overlay_start_1:
0x0: {  	(tag) =	ssettag $0x1  }
0x1: {  	s0 =	rddreg [dreg:$0x0]  }
0x2: {  	s1 =	rddreg [dreg:$0x1]  }
0x3: {  	s2 =	rddreg [dreg:$0x2];
	s3 =	simm.s32 $0x0;
	s4 =	srdreg.scid  }
0x4: {  	s16 =	stileid.u32;
	s28 =	simm.s32 $0x6;
	s31 =	simm.s32 $0x1  }
0x5: {  	s29 =	simm.s32 $0x2;
	s30 =	simm.s32 $0x180;
	[smem:$0x7FF] =	sst s3  }
0x6: {  	s4 =	sand.u32 $0x1, s4;
	s5 =	sadd.s32 $0x21800, s0;
	s9 =	smul.u32 $0x50000, s16  }
0x7: {  	s8 =	sadd.s32 $0x2400, s0;
	s0 =	sadd.s32 $0x48A00, s0;
	s11 =	smul.u32 $0x14000, s16  }
0x8: {  	s23 =	sshll.u32 s16, $0x1;
	s10 =	sshll.u32 s16, $0x6;
	s22 =	smul.u32 $0xFA00, s16  }
0x9: {  	_ =	strace $0x8000004D;
	s6 =	ssub.s32 $0x2, s4;
	s15 =	smul.u32 $0x140000, s4  }
0xa: {  	s12 =	sor.u32 s4, s23;
	s4 =	smul.u32 $0x7D00, s4;
	s7 =	sshrl.u32 s6, $0x1  }
0xb: {  	s9 =	sshrl.u32 s9, $0x2;
	s25 =	sadd.s32 $0x4000, s11;
	s26 =	sadd.s32 $0x8000, s11  }
0xc: {  	s12 =	smul.u32 $0x7D00, s12;
	s19 =	sadd.s32 $0xC000, s11;
	s14 =	sadd.s32 $0x10000, s11  }
0xd: {  	s6 =	ssub.s32 s6, s7;
	s24 =	sadd.s32 s9, s2;
	s7 =	sor.u32 $0x1C07, s10  }
0xe: {  	s13 =	sadd.s32 s25, s2;
	s18 =	sadd.s32 s26, s2;
	s17 =	sadd.s32 s19, s2  }
0xf: {  	s20 =	sadd.s32 s14, s2;
	s11 =	sadd.s32 s11, s15;
	[dreg:$0x4] =	wrdreg s24  }
0x10: {  	s9 =	sadd.s32 s15, s25;
	s10 =	sadd.s32 s15, s26;
	[dreg:$0x5] =	wrdreg s13  }
0x11: {  	s4 =	sadd.s32 s4, s22;
	s25 =	sadd.s32 s15, s14;
	[dreg:$0x6] =	wrdreg s18  }
0x12: {  	s22 =	simm.s32 $0x7;
	s12 =	sshrl.u32 s12, $0x3;
	[dreg:$0x7] =	wrdreg s17  }
0x13: {  	[dreg:$0x8] =	wrdreg s20;
	s11 =	sshrl.u32 s11, $0x3;
	s9 =	sshrl.u32 s9, $0x3  }
0x14: {  	s23 =	sshrl.u32 s10, $0x3;
	s24 =	sadd.s32 s15, s19;
	s4 =	sadd.s32 $0x300, s4  }
0x15: {  	s26 =	sshrl.u32 s25, $0x3;
	s20 =	smax.u32 s6, $0x1;
	s25 =	simm.s32 $0x50  }
0x16: {  	s6 =	simm.s32 $0x0;
	s12 =	sadd.s32 s8, s12;
	s11 =	sadd.s32 s0, s11  }
0x17: {  	s9 =	sadd.s32 s0, s9;
	s4 =	sshrl.u32 s4, $0x3;
	[dreg:$0x9] =	wrdreg s12  }
0x18: {  	s19 =	sadd.s32 s0, s26;
	s26 =	simm.s32 $0x4;
	[dreg:$0xc] =	wrdreg s11  }
.Ltmp0:
0x19: {  	s21 =	sadd.s32 $0x20, s12;
	[dreg:$0xd] =	wrdreg s9;
	(pc) =	sbr.rel .LBB2_1-.Ltmp0, $4  }
0x1a: {  	s12 =	sadd.s32 $0x40, s12;
	s9 =	sadd.s32 s0, s23;
	[dreg:$0xa] =	wrdreg s21  }
0x1b: {  	s15 =	sadd.s32 s4, s8;
	s23 =	simm.s32 $0x100;
	[dreg:$0xb] =	wrdreg s12  }
0x1c: {  	s4 =	simm.s32 $0x80;
	[dreg:$0xe] =	wrdreg s9;
	s9 =	sshrl.u32 s24, $0x3  }
0x1d: {  	s24 =	simm.s32 $0x5;
	s18 =	sadd.s32 s0, s9;
	s0 =	simm.s32 $0x3  }
.LBB2_15:
0x1e: {  	_ =	swait.ge [sflag:s26], $0x2800  }
0x1f: {  	[sflag:s26] =	ssyncset.done $0x0  }
0x20: {  	[sflag:s26] =	ssyncadd.s32 $0xFFFFD800  }
0x21: {  	_ =	swait.ge [sflag:s0], $0x2800  }
0x22: {  	[sflag:s0] =	ssyncset.done $0x0  }
0x23: {  	[sflag:s0] =	ssyncadd.s32 $0xFFFFD800  }
0x24: {  	[bflag:$0x0] =	sbarrier.arrive $0xFFFF  }
0x25: {  	s12 =	rddreg [dreg:$0xc]  }
0x26: {  	[hbm:s12], [sflag:s7] =	dma.local [spmem:s8], $0x800  }
0x27: {  	_ =	swait.ge [sflag:s22], $0x800  }
0x28: {  	[sflag:s22] =	ssyncset.done $0x0  }
0x29: {  	s17 =	rddreg [dreg:$0xd];
	[sflag:s22] =	ssyncadd.s32 $0xFFFFF800  }
0x2a: {  	[hbm:s17], [sflag:s7] =	dma.local [spmem:s9], $0x800  }
0x2b: {  	_ =	swait.ge [sflag:s22], $0x800  }
0x2c: {  	[sflag:s22] =	ssyncset.done $0x0  }
0x2d: {  	s21 =	rddreg [dreg:$0xe];
	[sflag:s22] =	ssyncadd.s32 $0xFFFFF800  }
0x2e: {  	[hbm:s21], [sflag:s7] =	dma.local [spmem:s10], $0x800  }
0x2f: {  	_ =	swait.ge [sflag:s22], $0x800  }
0x30: {  	[sflag:s22] =	ssyncset.done $0x0  }
0x31: {  	[sflag:s22] =	ssyncadd.s32 $0xFFFFF800  }
0x32: {  	[hbm:s18], [sflag:s7] =	dma.local [spmem:s11], $0x800  }
0x33: {  	s6 =	sadd.s32 $0x1, s6;
	_ =	swait.ge [sflag:s22], $0x800  }
0x34: {  	p0 =	sne.s32 s6, s20;
	[sflag:s22] =	ssyncset.done $0x0  }
.Ltmp1:
0x35: {  	[sflag:s22] =	ssyncadd.s32 $0xFFFFF800;
	(pc) =	sbr.rel @!p0 .LBB2_16-.Ltmp1, $4  }
0x36: {  	[hbm:s19], [sflag:s7] =	dma.local [spmem:s13], $0x800  }
0x37: {  	_ =	swait.ge [sflag:s22], $0x800  }
0x38: {  	[sflag:s22] =	ssyncset.done $0x0  }
0x39: {  	[sflag:s22] =	ssyncadd.s32 $0xFFFFF800  }
.LBB2_1:
0x3a: {  	s8 =	rddreg [dreg:$0x4]  }
0x3b: {  	s8 =	sshrl.u32 s8, $0x3  }
0x3c: {  	[spmem:s8], [sflag:s7] =	dma.local [hbm:s1], $0x800  }
0x3d: {  	_ =	swait.ge [sflag:s22], $0x800  }
0x3e: {  	[sflag:s22] =	ssyncset.done $0x0;
	s9 =	rddreg [dreg:$0x5]  }
0x3f: {  	[sflag:s22] =	ssyncadd.s32 $0xFFFFF800;
	s9 =	sshrl.u32 s9, $0x3  }
0x40: {  	[spmem:s9], [sflag:s7] =	dma.local [hbm:s1], $0x800  }
0x41: {  	_ =	swait.ge [sflag:s22], $0x800  }
0x42: {  	[sflag:s22] =	ssyncset.done $0x0;
	s10 =	rddreg [dreg:$0x6]  }
0x43: {  	[sflag:s22] =	ssyncadd.s32 $0xFFFFF800;
	s10 =	sshrl.u32 s10, $0x3  }
0x44: {  	[spmem:s10], [sflag:s7] =	dma.local [hbm:s1], $0x800  }
0x45: {  	_ =	swait.ge [sflag:s22], $0x800  }
0x46: {  	[sflag:s22] =	ssyncset.done $0x0;
	s11 =	rddreg [dreg:$0x7]  }
0x47: {  	[sflag:s22] =	ssyncadd.s32 $0xFFFFF800;
	s11 =	sshrl.u32 s11, $0x3  }
0x48: {  	[spmem:s11], [sflag:s7] =	dma.local [hbm:s1], $0x800  }
0x49: {  	_ =	swait.ge [sflag:s22], $0x800  }
0x4a: {  	[sflag:s22] =	ssyncset.done $0x0;
	s12 =	rddreg [dreg:$0x8]  }
0x4b: {  	[sflag:s22] =	ssyncadd.s32 $0xFFFFF800;
	s13 =	sshrl.u32 s12, $0x3  }
0x4c: {  	[spmem:s13], [sflag:s7] =	dma.local [hbm:s1], $0x800  }
0x4d: {  	_ =	swait.ge [sflag:s22], $0x800  }
0x4e: {  	[sflag:s22] =	ssyncset.done $0x0  }
0x4f: {  	[sflag:s22] =	ssyncadd.s32 $0xFFFFF800  }
0x50: {  	[bflag:$0x0] =	sbarrier.arrive $0xFFFF  }
0x51: {  	s21 =	rddreg [dreg:$0x9]  }
0x52: {  	[tilespmem:s3], [sflag:$0x5] =	stream.linear.gather [hbm4b:s21+s3], $0x100, $0x38;
	[tilespmem:$0x1E800] =	vst v63  }
0x53: {  	s14 =	rddreg [dreg:$0xa]  }
0x54: {  	[tilespmem:s23], [sflag:$0x6] =	stream.linear.gather [hbm4b:s14+s3], $0x100, $0x38;
	[tilespmem:$0x1E800] =	vst v63  }
0x55: {  	_ =	swait.ge [sflag:s24], $0x100  }
0x56: {  	[sflag:s24] =	ssyncset.done $0x0  }
0x57: {  	s16 =	simm.s32 $0x800;
	[sflag:s24] =	ssyncadd.s32 $0xFFFFFF00  }
0x58: {  	[tilespmem:s16], [sflag:$0x1] =	stream.indirect.gather [hbm4b:s5+s25], $0x80, s3, s25, $0xb8;
	[tilespmem:$0x1E800] =	vst v63  }
0x59: {  	_ =	swait.ge [sflag:s28], $0x100  }
0x5a: {  	[sflag:s28] =	ssyncset.done $0x0  }
.Ltmp2:
0x5b: {  	s17 =	simm.s32 $0x3000;
	[sflag:s28] =	ssyncadd.s32 $0xFFFFFF00;
	(pc) =	sbr.rel .LBB2_2-.Ltmp2, $4  }
0x5c: {  	[tilespmem:s17], [sflag:$0x2] =	stream.indirect.gather [hbm4b:s5+s25], $0x80, s23, s25, $0xb8;
	[tilespmem:$0x1E800] =	vst v63  }
0x5d: {  	s14 =	simm.s32 $0x200;
	s21 =	rddreg [dreg:$0xb]  }
0x5e: {  	[tilespmem:s14], [sflag:$0x5] =	stream.linear.gather [hbm4b:s21+s3], $0x100, $0x38;
	[tilespmem:$0x1E800] =	vst v63  }
0x5f: {  	s16 =	simm.s32 $0x0;
	s14 =	simm.s32 $0xC00;
	s21 =	smov.u32 s15  }
.LBB2_13:
0x60: {  	s17 =	sand.u32 s17, s14  }
0x61: {  	s17 =	sshrl.u32 s17, $0x2  }
0x62: {  	[tilespmem:s17], [sflag:s12] =	stream.linear.gather [hbm4b:s21+s3], $0x100, $0x38;
	[tilespmem:$0x1E800] =	vst v63  }
.LBB2_14:
0x63: {  	s16 =	sadd.s32 $0x1, s16  }
0x64: {  	p0 =	sne.s32 s16, $0x7D  }
.Ltmp3:
0x65: {  	_ = 	snop;
	(pc) =	sbr.rel @!p0 .LBB2_15-.Ltmp3, $2  }
0x66: {  	_ =	sdelay $0x2  }
0x67: {  	s14 =	sadd.s32 $0x400, s14;
	s21 =	sadd.s32 $0x20, s21  }
.LBB2_2:
0x68: {  	s12 =	sand.u32 $0x1, s16  }
0x69: {  	p1 =	seq.s32 s12, $0x1  }
.Ltmp4:
0x6a: {  	_ = 	snop;
	(pc) =	sbr.rel @p1 .LBB2_5-.Ltmp4, $2  }
0x6b: {  	_ =	sdelay $0x2  }
0x6c: {  	s17 =	sand.u32 $0x7, s16;
	p0 =	sgt.u32 s16, $0x1;
	s12 =	sand.u32 $0x3, s16  }
.Ltmp5:
0x6d: {  	(pc) =	sbr.rel @!p0 .LBB2_4-.Ltmp5, $4  }
0x6e: {  	_ = 	snop  }
0x6f: {  	_ =	swait.ge [sflag:s31], $0x2800  }
0x70: {  	[sflag:s31] =	ssyncset.done $0x0  }
0x71: {  	s12 =	smul.u32 $0xA000, s12;
	[sflag:s31] =	ssyncadd.s32 $0xFFFFD800  }
0x72: {  	p0 =	slt.u32 s16, $0x7B  }
.Ltmp6:
0x73: {  	_ = 	snop;
	(pc) =	sbr.rel @!p0 .LBB2_14-.Ltmp6, $4  }
.Ltmp7:
0x74: {  	_ =	swait.ge [sflag:s0], $0x2800;
	(pc) =	sbr.rel @p0 .LBB2_8-.Ltmp7, $4  }
0x75: {  	s17 =	sshll.u32 s17, $0x8;
	[sflag:s0] =	ssyncset.done $0x0;
	s12 =	sshrl.u32 s12, $0x2  }
0x76: {  	s17 =	sor.u32 $0x80, s17;
	[sflag:s0] =	ssyncadd.s32 $0xFFFFD800;
	s12 =	sadd.s32 $0x800, s12  }
0x77: {  	[spmem:s2] =	stream.indirect.scatter.add.f32 [tilespmem:s12], [sflag:$0x3], $0x80, s17, s25, $0xb8;
	[tilespmem:$0x1E800] =	vst v63  }
0x78: {  	_ = 	snop  }
.LBB2_5:
.Ltmp8:
0x79: {  	(pc) =	sbr.rel @!p0 .LBB2_6-.Ltmp8, $4  }
0x7a: {  	_ = 	snop  }
0x7b: {  	_ =	swait.ge [sflag:s29], $0x2800;
	s12 =	smul.u32 $0xA000, s12  }
0x7c: {  	[sflag:s29] =	ssyncset.done $0x0  }
0x7d: {  	[sflag:s29] =	ssyncadd.s32 $0xFFFFD800;
	s12 =	sshrl.u32 s12, $0x2  }
0x7e: {  	p0 =	slt.u32 s16, $0x7B  }
.Ltmp9:
0x7f: {  	_ = 	snop;
	(pc) =	sbr.rel @!p0 .LBB2_14-.Ltmp9, $4  }
.Ltmp10:
0x80: {  	_ =	swait.ge [sflag:s26], $0x2800;
	(pc) =	sbr.rel @p0 .LBB2_11-.Ltmp10, $4  }
0x81: {  	s17 =	sshll.u32 s17, $0x8;
	[sflag:s26] =	ssyncset.done $0x0  }
0x82: {  	s12 =	sadd.s32 $0x800, s12;
	s17 =	sor.u32 $0x80, s17;
	[sflag:s26] =	ssyncadd.s32 $0xFFFFD800  }
0x83: {  	[spmem:s2] =	stream.indirect.scatter.add.f32 [tilespmem:s12], [sflag:$0x4], $0x80, s17, s25, $0xb8;
	[tilespmem:$0x1E800] =	vst v63  }
0x84: {  	_ = 	snop  }
.LBB2_4:
0x85: {  	_ = 	snop  }
0x86: {  	s12 =	sshrl.u32 s12, $0x2  }
0x87: {  	s12 =	sadd.s32 $0x800, s12  }
0x88: {  	[spmem:s2] =	stream.indirect.scatter.add.f32 [tilespmem:s12], [sflag:$0x3], $0x80, s4, s25, $0xb8;
	[tilespmem:$0x1E800] =	vst v63  }
.LBB2_8:
0x89: {  	s12 =	sxor.u32 $0xFFFFFFFF, s16  }
0x8a: {  	s12 =	sand.u32 $0x2, s12  }
0x8b: {  	p0 =	slt.u32 s16, $0x7A;
	s12 =	smul.u32 $0xA000, s12  }
.Ltmp11:
0x8c: {  	_ = 	snop;
	(pc) =	sbr.rel @!p0 .LBB2_14-.Ltmp11, $4  }
0x8d: {  	_ =	swait.ge [sflag:s24], $0x100;
	s17 =	sadd.s32 $0xFFFFFC00, s14  }
0x8e: {  	[sflag:s24] =	ssyncset.done $0x0;
	s17 =	sand.u32 $0x1800, s17;
	s12 =	sshrl.u32 s12, $0x2  }
0x8f: {  	[sflag:s24] =	ssyncadd.s32 $0xFFFFFF00;
	s17 =	sshrl.u32 s17, $0x2;
	s12 =	sor.u32 $0x800, s12  }
0x90: {  	[tilespmem:s12], [sflag:$0x1] =	stream.indirect.gather [hbm4b:s5+s25], $0x80, s17, s25, $0xb8;
	[tilespmem:$0x1E800] =	vst v63  }
.Ltmp12:
0x91: {  	(pc) =	sbr.rel .LBB2_13-.Ltmp12, $2  }
0x92: {  	_ =	sdelay $0x2  }
0x93: {  	s12 =	simm.s32 $0x6;
	s17 =	simm.s32 $0x1C00  }
.LBB2_6:
0x94: {  	s12 =	sadd.s32 $0x800, s12  }
0x95: {  	[spmem:s2] =	stream.indirect.scatter.add.f32 [tilespmem:s12], [sflag:$0x4], $0x80, s30, s25, $0xb8;
	[tilespmem:$0x1E800] =	vst v63  }
.LBB2_11:
0x96: {  	s12 =	sadd.s32 $0x2, s16  }
0x97: {  	s12 =	sand.u32 $0x3, s12  }
0x98: {  	p0 =	sgt.u32 s16, $0x79;
	s12 =	smul.u32 $0xA000, s12  }
.Ltmp13:
0x99: {  	_ = 	snop;
	(pc) =	sbr.rel @p0 .LBB2_14-.Ltmp13, $4  }
0x9a: {  	_ =	swait.ge [sflag:s28], $0x100;
	s17 =	sadd.s32 $0xFFFFFC00, s14  }
0x9b: {  	[sflag:s28] =	ssyncset.done $0x0;
	s17 =	sand.u32 $0x1C00, s17;
	s12 =	sshrl.u32 s12, $0x2  }
0x9c: {  	[sflag:s28] =	ssyncadd.s32 $0xFFFFFF00;
	s17 =	sshrl.u32 s17, $0x2;
	s12 =	sadd.s32 $0x800, s12  }
0x9d: {  	[tilespmem:s12], [sflag:$0x2] =	stream.indirect.gather [hbm4b:s5+s25], $0x80, s17, s25, $0xb8;
	[tilespmem:$0x1E800] =	vst v63  }
.Ltmp14:
0x9e: {  	(pc) =	sbr.rel .LBB2_13-.Ltmp14, $2  }
0x9f: {  	_ =	sdelay $0x2  }
0xa0: {  	s12 =	simm.s32 $0x5;
	s17 =	simm.s32 $0x1800  }
.LBB2_16:
0xa1: {  	_ =	sfence.sel $0x180000  }
0xa2: {  	[bflag:$0x0] =	sbarrier.arrive $0xFFFF  }
0xa3: {  	_ =	strace $0x9000004D  }
0xa4: {  	s0 =	stileid.u32;
	[bflag:$0x2] =	sbarrier.arrive $0xFFFF  }
0xa5: {  	p0 =	sne.s32 s0, $0x0;
	s0 =	rddreg [dreg:$0x3]  }
0xa6: {  	s0 =	sadd.s32 @!p0 $0x100000, s0  }
0xa7: {  	[sflag:s0] =	ssyncadd.tile.s32 @!p0 $0x1;
	_ =	shalt  }
.Lfunc_end2:
_tile_overlayer_lowered:
.L_overlay_start_2:
0xa8: {  	(tag) =	ssettag $0x2  }
0xa9: {  	s0 =	rddreg [dreg:$0x0];
	s2 =	stileid.u32  }
0xaa: {  	s1 =	rddreg [dreg:$0x1];
	p0 =	sne.s32 s2, $0x0  }
0xab: {  	s3 =	rddreg [dreg:$0x2];
	[bflag:$0x3] =	sbarrier.arrive $0xFFFF;
	s2 =	simm.s32 @!p0 $0x1C07  }
0xac: {  	[timem:s3], [sflag:s2] =	dma.local @!p0 [hbm:s0], s1  }
0xad: {  	s0 =	simm.s32 @!p0 $0x7  }
0xae: {  	_ =	swait.ge @!p0 [sflag:s0], s1  }
0xaf: {  	s1 =	ssub.s32 @!p0 $0x0, s1;
	[sflag:s0] =	ssyncset.done @!p0 $0x0  }
0xb0: {  	[sflag:s0] =	ssyncadd.s32 @!p0 s1  }
0xb1: {  	[bflag:$0x3] =	sbarrier.arrive $0xFFFF  }
0xb2: {  	_ =	shalt  }

// kernel: kernel.8.cloned.1.call-start
scs
__scs_entry_jumppad:
0x0: {  	(pc) =	sbr.rel $0x88, $3  }
0x1: {  	(tag) =	ssettag $0x0;
	lr =	simm.s32 $0x1  }
0x2: {  	[smem:$0x3F9B] =	sst lr;
	_ =	strace $0xD0000000  }
0x3: {  	_ = 	snop  }
0x4: {  	_ = 	snop  }
0x5: {  	_ = 	snop  }
0x6: {  	_ = 	snop  }
0x7: {  	_ = 	snop  }
__scs_overlays_trampoline_lowered:
0x8: {  	[smem:$0x3FAA] =	sst s0  }
0x9: {  	[smem:$0x3FAB] =	sst s1  }
0xa: {  	[smem:$0x3FAC] =	sst s2  }
0xb: {  	[smem:$0x3FAD] =	sst s3  }
0xc: {  	[smem:$0x3FAE] =	sst s4  }
0xd: {  	[smem:$0x3FAF] =	sst s5  }
0xe: {  	[smem:$0x3FB0] =	sst s6  }
0xf: {  	[smem:$0x3FB1] =	sst s7  }
0x10: {  	[smem:$0x3FB2] =	sst s8  }
0x11: {  	[smem:$0x3FB3] =	sst s9;
	s0 =	simm.s32 @!p0 $0x0  }
0x12: {  	s1 =	sld [smem:$0x3F99];
	s0 =	simm.s32 @p0 $0x1  }
0x13: {  	[smem:$0x3FB4] =	sst s0;
	s0 =	simm.s32 @!p1 $0x0  }
0x14: {  	s2 =	sld [smem:$0x3F98];
	s0 =	simm.s32 @p1 $0x1  }
0x15: {  	[smem:$0x3FB5] =	sst s0;
	s0 =	simm.s32 @!p2 $0x0  }
0x16: {  	s3 =	sld [smem:$0x3FDB];
	s0 =	simm.s32 @p2 $0x1  }
0x17: {  	s4 =	simm.s32 $0x1BF5;
	[smem:$0x3FB7] =	sst s0  }
0x18: {  	s0 =	sld [smem:$0x3F9A];
	_ =	swait.ge [sflag:s4], $0x0  }
0x19: {  	s7 =	sld [smem:$0x3F9B]  }
0x1a: {  	s8 =	sadd.s32 $0xFFFFE003, lr  }
0x1b: {  	s9 =	sadd.s32 $0xFFFFFEF7, lr;
	s5 =	simm.s32 $0xFFFFFFFF;
	p2 =	slt.u32 s8, $0xFFFFF086  }
0x1c: {  	p1 =	slt.u32 s9, $0xF7A;
	s5 =	simm.s32 @!p2 $0x0  }
0x1d: {  	s5 =	simm.s32 @p1 $0x1;
	p0 =	seq.s32 s7, s2  }
0x1e: {  	s7 =	smul.u32 @!p0 $0xF7A, s2;
	p2 =	seq.s32 @!p0 s5, $0x0  }
0x1f: {  	s9 =	smul.u32 $0xF7A, s1;
	s8 =	simm.s32 @!p0 $0x1BF5;
	p2 =	por !p2, p0  }
0x20: {  	[sflag:s8] =	ssyncset.s32 @!p0 $0xFFFFF086;
	s6 =	sadd.s32 @!p0 s3, s7;
	s7 =	simm.s32 @!p0 $0x108  }
0x21: {  	s3 =	sadd.s32 s3, s9;
	s6 =	sadd.s32 @!p0 $0x88, s6;
	s7 =	simm.s32 @p2 $0x1082  }
0x22: {  	[simem:s7], [sflag:s8] =	dma.local @!p0 [hbm:s6], $0xF7A  }
0x23: {  	s9 =	sor.u32 $0xD0000000, s2;
	s6 =	simm.s32 $0x108;
	_ =	swait.ge @!p0 [sflag:s8], $0x0  }
0x24: {  	s3 =	sadd.s32 $0x88, s3;
	s6 =	simm.s32 @!p1 $0x1082;
	[sflag:s4] =	ssyncset.s32 $0xFFFFF086  }
0x25: {  	[simem:s6], [sflag:s4] =	dma.local [hbm:s3], $0xF7A  }
0x26: {  	[smem:$0x3F9B] =	sst s1;
	(tag) =	ssettag s2;
	_ =	strace s9  }
0x27: {  	s1 =	sld [smem:$0x3FAB]  }
0x28: {  	s2 =	sld [smem:$0x3FAC]  }
0x29: {  	s4 =	sld [smem:$0x3FAE]  }
0x2a: {  	p0 =	seq.s32 s5, $0x0;
	s5 =	sld [smem:$0x3FAF]  }
0x2b: {  	s6 =	sld [smem:$0x3FB0]  }
0x2c: {  	s7 =	sld [smem:$0x3FB1]  }
0x2d: {  	s3 =	simm.s32 $0x108;
	s8 =	sld [smem:$0x3FB2]  }
0x2e: {  	s3 =	simm.s32 @!p0 $0x1082;
	s9 =	sld [smem:$0x3FB3]  }
0x2f: {  	lr =	sadd.s32 s0, s3;
	s0 =	sld [smem:$0x3FAA]  }
0x30: {  	s3 =	sld [smem:$0x3FAD]  }
0x31: {  	[smem:$0x3FB6] =	sst s10  }
0x32: {  	s10 =	sld [smem:$0x3FB4];
	_ =	sdelay $0x3  }
0x33: {  	p0 =	seq.s32 s10, $0x1;
	s10 =	sld [smem:$0x3FB6];
	_ =	sdelay $0x3  }
0x34: {  	[smem:$0x3FB6] =	sst s10  }
0x35: {  	s10 =	sld [smem:$0x3FB5];
	_ =	sdelay $0x3  }
0x36: {  	p1 =	seq.s32 s10, $0x1;
	s10 =	sld [smem:$0x3FB6];
	_ =	sdelay $0x3  }
0x37: {  	[smem:$0x3FB6] =	sst s10  }
0x38: {  	s10 =	sld [smem:$0x3FB7]  }
0x39: {  	_ = 	snop;
	(pc) =	sbr.ind lr, $3  }
0x3a: {  	_ = 	snop  }
0x3b: {  	_ = 	snop  }
0x3c: {  	p2 =	seq.s32 s10, $0x1;
	s10 =	sld [smem:$0x3FB6]  }
0x3d: {  	_ =	shalt  }
0x3e: {  	_ =	shalt  }
0x3f: {  	_ =	shalt  }
0x40: {  	_ =	shalt  }
0x41: {  	_ =	shalt  }
0x42: {  	_ =	shalt  }
0x43: {  	_ =	shalt  }
0x44: {  	_ =	shalt  }
0x45: {  	_ =	shalt  }
0x46: {  	_ =	shalt  }
0x47: {  	_ =	shalt  }
0x48: {  	_ =	shalt  }
0x49: {  	_ =	shalt  }
0x4a: {  	_ =	shalt  }
0x4b: {  	_ =	shalt  }
0x4c: {  	_ =	shalt  }
0x4d: {  	_ =	shalt  }
0x4e: {  	_ =	shalt  }
0x4f: {  	_ =	shalt  }
0x50: {  	_ =	shalt  }
0x51: {  	_ =	shalt  }
0x52: {  	_ =	shalt  }
0x53: {  	_ =	shalt  }
0x54: {  	_ =	shalt  }
0x55: {  	_ =	shalt  }
0x56: {  	_ =	shalt  }
0x57: {  	_ =	shalt  }
0x58: {  	_ =	shalt  }
0x59: {  	_ =	shalt  }
0x5a: {  	_ =	shalt  }
0x5b: {  	_ =	shalt  }
0x5c: {  	_ =	shalt  }
0x5d: {  	_ =	shalt  }
0x5e: {  	_ =	shalt  }
0x5f: {  	_ =	shalt  }
0x60: {  	_ =	shalt  }
0x61: {  	_ =	shalt  }
0x62: {  	_ =	shalt  }
0x63: {  	_ =	shalt  }
0x64: {  	_ =	shalt  }
0x65: {  	_ =	shalt  }
0x66: {  	_ =	shalt  }
0x67: {  	_ =	shalt  }
0x68: {  	_ =	shalt  }
0x69: {  	_ =	shalt  }
0x6a: {  	_ =	shalt  }
0x6b: {  	_ =	shalt  }
0x6c: {  	_ =	shalt  }
0x6d: {  	_ =	shalt  }
0x6e: {  	_ =	shalt  }
0x6f: {  	_ =	shalt  }
0x70: {  	_ =	shalt  }
0x71: {  	_ =	shalt  }
0x72: {  	_ =	shalt  }
0x73: {  	_ =	shalt  }
0x74: {  	_ =	shalt  }
0x75: {  	_ =	shalt  }
0x76: {  	_ =	shalt  }
0x77: {  	_ =	shalt  }
0x78: {  	_ =	shalt  }
0x79: {  	_ =	shalt  }
0x7a: {  	_ =	shalt  }
0x7b: {  	_ =	shalt  }
0x7c: {  	_ =	shalt  }
0x7d: {  	_ =	shalt  }
0x7e: {  	_ =	shalt  }
0x7f: {  	_ =	shalt  }
0x80: {  	_ =	shalt  }
0x81: {  	_ =	shalt  }
0x82: {  	_ =	shalt  }
0x83: {  	_ =	shalt  }
0x84: {  	_ =	shalt  }
0x85: {  	_ =	shalt  }
0x86: {  	_ =	shalt  }
0x87: {  	_ =	shalt  }
.Lfunc_end0:
.L_simem_size_0:
called_computation_lowered:
.L_overlay_start_0:
0x88: {  	s2 =	sld [smem:$0x3FD9]  }
0x89: {  	s3 =	sld [smem:$0x3FFE];
	_ =	sdelay $0x1  }
0x8a: {  	s1 =	srdreg.scid  }
0x8b: {  	s0 =	sand.u32 $0x1, s1  }
0x8c: {  	s17 =	sshll.u32 s0, $0xA;
	s2 =	sadd.s32 s3, s2  }
0x8d: {  	s2 =	sadd.s32 s2, s17  }
0x8e: {  	[smem:$0x3FC2] =	sst s2  }
0x8f: {  	_ = 	snop  }
0x90: {  	s2 =	sld [smem:$0x3FD0];
	(tm) =	ssettm $0x1  }
0x91: {  	s18 =	sld [smem:$0x3FFB];
	_ =	sdelay $0x3  }
0x92: {  	_ =	strace s18  }
0x93: {  	s3 =	sld [smem:$0x3FFC];
	_ =	sdelay $0x3  }
0x94: {  	_ =	strace s3  }
0x95: {  	s3 =	sld [smem:$0x3FFD];
	_ =	sdelay $0x3  }
0x96: {  	_ =	strace s3  }
0x97: {  	_ =	strace $0x8FFFFFFF  }
0x98: {  	s19 =	sld [smem:$0x3FDB];
	_ =	sdelay $0x1  }
0x99: {  	s4 =	simm.s32 $_scs_section_size  }
0x9a: {  	s5 =	simm.s32 $_size__tile_overlayer_lowered;
	s6 =	simm.s32 $_tile_overlayer_lowered  }
0x9b: {  	s22 =	simm.s32 $0x1BFF;
	s21 =	sshll.u32 s6, $0x1;
	s3 =	sadd.s32 s4, s19  }
0x9c: {  	s7 =	simm.s32 $0x0;
	s20 =	sshll.u32 s5, $0x1;
	s5 =	sadd.s32 s21, s3  }
0x9d: {  	[timem:s7], [sflag:s22] =	dma.local [hbm:s5], s20  }
0x9e: {  	_ =	swait.ge [sflag:s22], s20  }
0x9f: {  	s4 =	ssub.s32 $0x0, s20;
	[sflag:s22] =	ssyncset.done $0x0  }
0xa0: {  	[sflag:s22] =	ssyncadd.s32 s4;
	_ =	sdelay $0x1  }
0xa1: {  	s23 =	simm.s32 $0x1B8B  }
0xa2: {  	_ =	swait.ge [sflag:s23], $0x1  }
0xa3: {  	[sflag:s23] =	ssyncset.done $0x0  }
0xa4: {  	s25 =	simm.s32 $0x1B8E;
	s24 =	sld [smem:$0x3FFE];
	[sflag:s23] =	ssyncadd.s32 $0xFFFFFFFF  }
0xa5: {  	s26 =	simm.s32 $execute0_lowered;
	[smem:$0x3FD2] =	sst s25  }
0xa6: {  	s5 =	sshll.u32 s26, $0x1;
	_ =	strace $0x80000046;
	[dreg:$0x1] =	wrdreg $0xFFFFFFFF  }
0xa7: {  	s28 =	simm.s32 $_size_execute0_lowered;
	s3 =	sadd.s32 s3, s5;
	[dreg:$0x0] =	wrdreg $0x0  }
0xa8: {  	s5 =	sshll.u32 s28, $0x1;
	[dreg:$0x2] =	wrdreg s3  }
0xa9: {  	[dreg:$0x3] =	wrdreg s5  }
0xaa: {  	[dreg:$0x4] =	wrdreg $0xC0  }
0xab: {  	_ =	task [dreg:s7], $0x5FFFF  }
0xac: {  	[dreg:$0x1] =	wrdreg $0xFFFFFFFF  }
0xad: {  	[dreg:$0x0] =	wrdreg $0x60  }
0xae: {  	[dreg:$0x2] =	wrdreg s24  }
0xaf: {  	[dreg:$0x3] =	wrdreg s2  }
0xb0: {  	[dreg:$0x4] =	wrdreg $0xA5000  }
0xb1: {  	[dreg:$0x5] =	wrdreg $0x9  }
0xb2: {  	_ =	task.clear_ibuf [dreg:s7], $0x6FFFF;
	_ =	strace $0x90000046  }
0xb3: {  	s29 =	simm.s32 $0x9;
	_ =	strace $0x80000048  }
0xb4: {  	_ =	swait.ge [sflag:s29], $0x1  }
0xb5: {  	[sflag:s29] =	ssyncadd.s32 $0xFFFFFFFF  }
0xb6: {  	_ =	strace $0x90000048  }
0xb7: {  	_ =	sfence  }
0xb8: {  	s30 =	sld [smem:$0x0];
	_ =	sdelay $0x2  }
0xb9: {  	s31 =	sshll.u32 s1, $0xD;
	s1 =	sshrl.u32 s1, $0x2  }
0xba: {  	s3 =	sand.u32 $0x4000, s31;
	s1 =	sadd.s32 s1, s30  }
0xbb: {  	s0 =	sor.u32 s3, s0;
	s1 =	sshll.u32 s1, $0x11  }
0xbc: {  	s0 =	sor.u32 s1, s0  }
0xbd: {  	s0 =	sadd.s32 $0x8F2B, s0  }
0xbe: {  	[sflag:s0] =	ssyncadd.remote.s32 $0x1  }
0xbf: {  	_ =	sfence.sel $0xFFFF  }
0xc0: {  	[dreg:$0x0] =	wrdreg $0xFFFFFFFF;
	(pc) =	sbr.abs _section_cstart, $3  }
0xc1: {  	[dreg:$0x1] =	wrdreg $0xFFFFFFFF  }
0xc2: {  	_ =	task.clear_ibuf [dreg:s7], $0x2FFFF;
	_ =	strace $0x9FFFFFFF  }
0xc3: {  	(tm) =	ssettm $0x7FFFFFFF  }
tec
execute0_lowered:
.L_overlay_start_1:
0x0: {  	(tag) =	ssettag $0x1  }
0x1: {  	s0 =	rddreg [dreg:$0x0]  }
0x2: {  	s2 =	rddreg [dreg:$0x1];
	s1 =	srdreg.scid  }
0x3: {  	s20 =	stileid.u32;
	s3 =	rddreg [dreg:$0x2]  }
0x4: {  	s4 =	simm.s32 $0x0;
	s19 =	simm.s32 $0x2;
	s21 =	simm.s32 $0x50  }
0x5: {  	s26 =	simm.s32 $0x480;
	s28 =	simm.s32 $0x1;
	s29 =	simm.s32 $0x0  }
0x6: {  	s1 =	sand.u32 $0x1, s1;
	s5 =	sshll.u32 s20, $0x1;
	s8 =	smul.u32 $0x50000, s20  }
0x7: {  	[smem:$0x7FF] =	sst s4;
	s11 =	smul.u32 $0x14000, s20;
	s31 =	sshll.u32 s20, $0x6  }
0x8: {  	s5 =	sor.u32 s1, s5;
	s7 =	ssub.s32 $0x2, s1;
	s1 =	smul.u32 $0x140000, s1  }
0x9: {  	_ =	strace $0x80000047;
	s20 =	sor.u32 $0x1C02, s31;
	s5 =	smul.u32 $0xFA0, s5  }
0xa: {  	s9 =	sshrl.u32 s7, $0x1;
	s30 =	sshrl.u32 s8, $0x2;
	s12 =	sadd.s32 $0x4000, s11  }
0xb: {  	s14 =	sadd.s32 $0x8000, s11;
	s15 =	sadd.s32 $0xC000, s11;
	s16 =	sadd.s32 $0x10000, s11  }
0xc: {  	s17 =	ssub.s32 s7, s9;
	s7 =	sadd.s32 s30, s3;
	s8 =	sadd.s32 s12, s3  }
0xd: {  	s9 =	sadd.s32 s14, s3;
	s10 =	sadd.s32 s15, s3;
	s13 =	sadd.s32 s11, s1  }
0xe: {  	s12 =	sadd.s32 s1, s12;
	s11 =	sadd.s32 s16, s3;
	s14 =	sadd.s32 s1, s14  }
0xf: {  	s15 =	sadd.s32 s1, s15;
	s1 =	sadd.s32 s1, s16;
	s6 =	sadd.s32 s5, s0  }
0x10: {  	s5 =	sadd.s32 $0x21800, s0;
	s0 =	sadd.s32 $0x21E00, s0;
	s13 =	sshrl.u32 s13, $0x3  }
0x11: {  	s18 =	sshrl.u32 s12, $0x3;
	s14 =	sshrl.u32 s14, $0x3;
	s15 =	sshrl.u32 s15, $0x3  }
0x12: {  	s1 =	sshrl.u32 s1, $0x3;
	s17 =	smax.u32 s17, $0x1;
	s6 =	sadd.s32 $0x2400, s6  }
0x13: {  	s12 =	sadd.s32 s0, s13;
	s13 =	sadd.s32 s0, s18;
	s14 =	sadd.s32 s0, s14  }
0x14: {  	s15 =	sadd.s32 s0, s15;
	s16 =	sadd.s32 s0, s1;
	s18 =	simm.s32 $0x7D00  }
.LBB2_1:
0x15: {  	[tilespmem:s18], [sflag:$0x2] =	stream.linear.gather [hbm4b:s5+s4], $0x2800, $0x38;
	[tilespmem:$0x1E500] =	vst v63  }
0x16: {  	_ =	swait.ge [sflag:s19], $0x2800  }
0x17: {  	[sflag:s19] =	ssyncset.done $0x0  }
0x18: {  	[sflag:s19] =	ssyncadd.s32 $0xFFFFD800  }
0x19: {  	[tilespmem:s4], [sflag:$0x2] =	stream.linear.gather [hbm4b:s6+s4], $0x7D00, $0x38;
	[tilespmem:$0x1E500] =	vst v63  }
0x1a: {  	_ =	swait.ge [sflag:s19], $0x7D00  }
0x1b: {  	[sflag:s19] =	ssyncset.done $0x0  }
0x1c: {  	s30 =	sshrl.u32 s7, $0x3;
	[sflag:s19] =	ssyncadd.s32 $0xFFFF8300  }
0x1d: {  	[spmem:s30], [sflag:s20] =	dma.local [hbm:s2], $0x800  }
0x1e: {  	_ =	swait.ge [sflag:s19], $0x800  }
0x1f: {  	[sflag:s19] =	ssyncset.done $0x0  }
0x20: {  	s31 =	sshrl.u32 s8, $0x3;
	[sflag:s19] =	ssyncadd.s32 $0xFFFFF800  }
0x21: {  	[spmem:s31], [sflag:s20] =	dma.local [hbm:s2], $0x800  }
0x22: {  	_ =	swait.ge [sflag:s19], $0x800  }
0x23: {  	[sflag:s19] =	ssyncset.done $0x0  }
0x24: {  	s1 =	sshrl.u32 s9, $0x3;
	[sflag:s19] =	ssyncadd.s32 $0xFFFFF800  }
0x25: {  	[spmem:s1], [sflag:s20] =	dma.local [hbm:s2], $0x800  }
0x26: {  	_ =	swait.ge [sflag:s19], $0x800  }
0x27: {  	[sflag:s19] =	ssyncset.done $0x0  }
0x28: {  	s0 =	sshrl.u32 s10, $0x3;
	[sflag:s19] =	ssyncadd.s32 $0xFFFFF800  }
0x29: {  	[spmem:s0], [sflag:s20] =	dma.local [hbm:s2], $0x800  }
0x2a: {  	_ =	swait.ge [sflag:s19], $0x800  }
0x2b: {  	[sflag:s19] =	ssyncset.done $0x0  }
0x2c: {  	s22 =	sshrl.u32 s11, $0x3;
	[sflag:s19] =	ssyncadd.s32 $0xFFFFF800  }
0x2d: {  	[spmem:s22], [sflag:s20] =	dma.local [hbm:s2], $0x800  }
0x2e: {  	_ =	swait.ge [sflag:s19], $0x800  }
0x2f: {  	[sflag:s19] =	ssyncset.done $0x0  }
0x30: {  	[sflag:s19] =	ssyncadd.s32 $0xFFFFF800  }
0x31: {  	s23 =	simm.s32 $0x80;
	[bflag:$0x0] =	sbarrier.arrive $0xFFFF  }
0x32: {  	[spmem:s3] =	stream.indirect.scatter.add.f32 [tilespmem:s18], [sflag:$0x1], $0x80, s23, s21, $0xb8;
	[tilespmem:$0x1E500] =	vst v63  }
0x33: {  	s25 =	simm.s32 $0x180  }
0x34: {  	[spmem:s3] =	stream.indirect.scatter.add.f32 [tilespmem:s18], [sflag:$0x1], $0x80, s25, s21, $0xb8;
	[tilespmem:$0x1E500] =	vst v63  }
0x35: {  	s24 =	simm.s32 $0x280  }
0x36: {  	[spmem:s3] =	stream.indirect.scatter.add.f32 [tilespmem:s18], [sflag:$0x1], $0x80, s24, s21, $0xb8;
	[tilespmem:$0x1E500] =	vst v63  }
0x37: {  	s25 =	simm.s32 $0x380  }
0x38: {  	[spmem:s3] =	stream.indirect.scatter.add.f32 [tilespmem:s18], [sflag:$0x1], $0x80, s25, s21, $0xb8;
	[tilespmem:$0x1E500] =	vst v63  }
0x39: {  	_ = 	snop  }
0x3a: {  	[spmem:s3] =	stream.indirect.scatter.add.f32 [tilespmem:s18], [sflag:$0x1], $0x80, s26, s21, $0xb8;
	[tilespmem:$0x1E500] =	vst v63  }
0x3b: {  	_ =	swait.ge [sflag:s28], $0x2800  }
0x3c: {  	[sflag:s28] =	ssyncset.done $0x0  }
0x3d: {  	[sflag:s28] =	ssyncadd.s32 $0xFFFFD800  }
0x3e: {  	_ =	swait.ge [sflag:s28], $0x2800  }
0x3f: {  	[sflag:s28] =	ssyncset.done $0x0  }
0x40: {  	[sflag:s28] =	ssyncadd.s32 $0xFFFFD800  }
0x41: {  	_ =	swait.ge [sflag:s28], $0x2800  }
0x42: {  	[sflag:s28] =	ssyncset.done $0x0  }
0x43: {  	[sflag:s28] =	ssyncadd.s32 $0xFFFFD800  }
0x44: {  	_ =	swait.ge [sflag:s28], $0x2800  }
0x45: {  	[sflag:s28] =	ssyncset.done $0x0  }
0x46: {  	[sflag:s28] =	ssyncadd.s32 $0xFFFFD800  }
0x47: {  	_ =	swait.ge [sflag:s28], $0x2800  }
0x48: {  	[sflag:s28] =	ssyncset.done $0x0  }
0x49: {  	s24 =	simm.s32 $0x580;
	[sflag:s28] =	ssyncadd.s32 $0xFFFFD800  }
0x4a: {  	[spmem:s3] =	stream.indirect.scatter.add.f32 [tilespmem:s18], [sflag:$0x1], $0x80, s24, s21, $0xb8;
	[tilespmem:$0x1E500] =	vst v63  }
0x4b: {  	s25 =	simm.s32 $0x680  }
0x4c: {  	[spmem:s3] =	stream.indirect.scatter.add.f32 [tilespmem:s18], [sflag:$0x1], $0x80, s25, s21, $0xb8;
	[tilespmem:$0x1E500] =	vst v63  }
0x4d: {  	s24 =	simm.s32 $0x780  }
0x4e: {  	[spmem:s3] =	stream.indirect.scatter.add.f32 [tilespmem:s18], [sflag:$0x1], $0x80, s24, s21, $0xb8;
	[tilespmem:$0x1E500] =	vst v63  }
0x4f: {  	s23 =	simm.s32 $0xFFFE3400;
	s25 =	simm.s32 $0x880;
	s24 =	simm.s32 $0x980  }
0x50: {  	[spmem:s3] =	stream.indirect.scatter.add.f32 [tilespmem:s18], [sflag:$0x1], $0x80, s25, s21, $0xb8;
	[tilespmem:$0x1E500] =	vst v63  }
.LBB2_2:
0x51: {  	[spmem:s3] =	stream.indirect.scatter.add.f32 [tilespmem:s18], [sflag:$0x1], $0x80, s24, s21, $0xb8;
	[tilespmem:$0x1E500] =	vst v63  }
0x52: {  	s24 =	smov.u32 s23  }
0x53: {  	p0 =	sne.s32 s23, $0xFFFFEC00;
	s23 =	sadd.s32 $0x1400, s23;
	_ =	swait.ge [sflag:s28], $0x2800  }
0x54: {  	[sflag:s28] =	ssyncset.done $0x0  }
0x55: {  	[sflag:s28] =	ssyncadd.s32 $0xFFFFD800  }
0x56: {  	_ =	swait.ge [sflag:s28], $0x2800  }
0x57: {  	[sflag:s28] =	ssyncset.done $0x0  }
0x58: {  	[sflag:s28] =	ssyncadd.s32 $0xFFFFD800  }
0x59: {  	_ =	swait.ge [sflag:s28], $0x2800  }
0x5a: {  	[sflag:s28] =	ssyncset.done $0x0  }
0x5b: {  	[sflag:s28] =	ssyncadd.s32 $0xFFFFD800  }
0x5c: {  	_ =	swait.ge [sflag:s28], $0x2800  }
0x5d: {  	[sflag:s28] =	ssyncset.done $0x0  }
0x5e: {  	[sflag:s28] =	ssyncadd.s32 $0xFFFFD800  }
0x5f: {  	_ =	swait.ge [sflag:s28], $0x2800  }
0x60: {  	s24 =	sshra.s32 s24, $0x2;
	[sflag:s28] =	ssyncset.done $0x0  }
0x61: {  	s25 =	sadd.s32 $0x7D80, s24;
	[sflag:s28] =	ssyncadd.s32 $0xFFFFD800  }
0x62: {  	[spmem:s3] =	stream.indirect.scatter.add.f32 [tilespmem:s18], [sflag:$0x1], $0x80, s25, s21, $0xb8;
	[tilespmem:$0x1E500] =	vst v63  }
0x63: {  	s25 =	sadd.s32 $0x7E80, s24  }
0x64: {  	[spmem:s3] =	stream.indirect.scatter.add.f32 [tilespmem:s18], [sflag:$0x1], $0x80, s25, s21, $0xb8;
	[tilespmem:$0x1E500] =	vst v63  }
.Ltmp0:
0x65: {  	s25 =	sadd.s32 $0x7F80, s24;
	(pc) =	sbr.rel @p0 .LBB2_2-.Ltmp0, $4  }
0x66: {  	[spmem:s3] =	stream.indirect.scatter.add.f32 [tilespmem:s18], [sflag:$0x1], $0x80, s25, s21, $0xb8;
	[tilespmem:$0x1E500] =	vst v63  }
0x67: {  	s25 =	sadd.s32 $0x8080, s24  }
0x68: {  	[spmem:s3] =	stream.indirect.scatter.add.f32 [tilespmem:s18], [sflag:$0x1], $0x80, s25, s21, $0xb8;
	[tilespmem:$0x1E500] =	vst v63  }
0x69: {  	s24 =	sadd.s32 $0x8180, s24  }
0x6a: {  	[spmem:s3] =	stream.indirect.scatter.add.f32 [tilespmem:s18], [sflag:$0x1], $0x80, s24, s21, $0xb8;
	[tilespmem:$0x1E500] =	vst v63  }
0x6b: {  	_ =	swait.ge [sflag:s28], $0x2800  }
0x6c: {  	[sflag:s28] =	ssyncset.done $0x0  }
0x6d: {  	[sflag:s28] =	ssyncadd.s32 $0xFFFFD800  }
0x6e: {  	_ =	swait.ge [sflag:s28], $0x2800  }
0x6f: {  	[sflag:s28] =	ssyncset.done $0x0  }
0x70: {  	[sflag:s28] =	ssyncadd.s32 $0xFFFFD800  }
0x71: {  	_ =	swait.ge [sflag:s28], $0x2800  }
0x72: {  	[sflag:s28] =	ssyncset.done $0x0  }
0x73: {  	[sflag:s28] =	ssyncadd.s32 $0xFFFFD800  }
0x74: {  	_ =	swait.ge [sflag:s28], $0x2800  }
0x75: {  	[sflag:s28] =	ssyncset.done $0x0  }
0x76: {  	[sflag:s28] =	ssyncadd.s32 $0xFFFFD800  }
0x77: {  	_ =	swait.ge [sflag:s28], $0x2800  }
0x78: {  	[sflag:s28] =	ssyncset.done $0x0  }
0x79: {  	[sflag:s28] =	ssyncadd.s32 $0xFFFFD800  }
0x7a: {  	[bflag:$0x0] =	sbarrier.arrive $0xFFFF  }
0x7b: {  	[hbm:s12], [sflag:s20] =	dma.local [spmem:s30], $0x800  }
0x7c: {  	_ =	swait.ge [sflag:s19], $0x800  }
0x7d: {  	[sflag:s19] =	ssyncset.done $0x0  }
0x7e: {  	[sflag:s19] =	ssyncadd.s32 $0xFFFFF800  }
0x7f: {  	[hbm:s13], [sflag:s20] =	dma.local [spmem:s31], $0x800  }
0x80: {  	_ =	swait.ge [sflag:s19], $0x800  }
0x81: {  	[sflag:s19] =	ssyncset.done $0x0  }
0x82: {  	[sflag:s19] =	ssyncadd.s32 $0xFFFFF800  }
0x83: {  	[hbm:s14], [sflag:s20] =	dma.local [spmem:s1], $0x800  }
0x84: {  	_ =	swait.ge [sflag:s19], $0x800  }
0x85: {  	[sflag:s19] =	ssyncset.done $0x0  }
0x86: {  	[sflag:s19] =	ssyncadd.s32 $0xFFFFF800  }
0x87: {  	[hbm:s15], [sflag:s20] =	dma.local [spmem:s0], $0x800  }
0x88: {  	s29 =	sadd.s32 $0x1, s29;
	_ =	swait.ge [sflag:s19], $0x800  }
0x89: {  	p0 =	sne.s32 s29, s17;
	[sflag:s19] =	ssyncset.done $0x0  }
.Ltmp1:
0x8a: {  	[sflag:s19] =	ssyncadd.s32 $0xFFFFF800;
	(pc) =	sbr.rel @p0 .LBB2_1-.Ltmp1, $4  }
0x8b: {  	[hbm:s16], [sflag:s20] =	dma.local [spmem:s22], $0x800  }
0x8c: {  	_ =	swait.ge [sflag:s19], $0x800  }
0x8d: {  	[sflag:s19] =	ssyncset.done $0x0  }
0x8e: {  	[sflag:s19] =	ssyncadd.s32 $0xFFFFF800  }
0x8f: {  	_ =	sfence.sel $0x180000  }
0x90: {  	[bflag:$0x0] =	sbarrier.arrive $0xFFFF  }
0x91: {  	_ =	strace $0x90000047  }
0x92: {  	s0 =	stileid.u32;
	[bflag:$0x2] =	sbarrier.arrive $0xFFFF  }
0x93: {  	p0 =	sne.s32 s0, $0x0;
	s0 =	rddreg [dreg:$0x3]  }
0x94: {  	s0 =	sadd.s32 @!p0 $0x100000, s0  }
0x95: {  	[sflag:s0] =	ssyncadd.tile.s32 @!p0 $0x1;
	_ =	shalt  }
.Lfunc_end2:
_tile_overlayer_lowered:
.L_overlay_start_2:
0x96: {  	(tag) =	ssettag $0x2  }
0x97: {  	s0 =	rddreg [dreg:$0x0];
	s2 =	stileid.u32  }
0x98: {  	s1 =	rddreg [dreg:$0x1];
	p0 =	sne.s32 s2, $0x0  }
0x99: {  	s3 =	rddreg [dreg:$0x2];
	[bflag:$0x3] =	sbarrier.arrive $0xFFFF;
	s2 =	simm.s32 @!p0 $0x1C02  }
0x9a: {  	[timem:s3], [sflag:s2] =	dma.local @!p0 [hbm:s0], s1  }
0x9b: {  	s0 =	simm.s32 @!p0 $0x2  }
0x9c: {  	_ =	swait.ge @!p0 [sflag:s0], s1  }
0x9d: {  	s1 =	ssub.s32 @!p0 $0x0, s1;
	[sflag:s0] =	ssyncset.done @!p0 $0x0  }
0x9e: {  	[sflag:s0] =	ssyncadd.s32 @!p0 s1  }
0x9f: {  	[bflag:$0x3] =	sbarrier.arrive $0xFFFF  }
0xa0: {  	_ =	shalt  }

</sc_bundles>
